<compile_context>
chip_gen: v7x
topology: tpu7x:2x2x1
jax: 0.10.2.dev20260603
libtpu: 0.0.44.dev20260713+nightly
codegen_flags: <defaults>
</compile_context>

<pallas_src>
import jax
import jax.numpy as jnp
from jax import lax
from jax.experimental import pallas as pl
from jax.experimental.pallas import tpu as pltpu
from jax.experimental.pallas import tpu_sc as plsc

N_NODES = 10000
D_FEAT = 256
UNITS = 256
N_EDGES = 160000

NCOL = 2
CH = UNITS // NCOL
NTILES = 16
CHUNK = 80
NCHUNKS = (N_EDGES // NTILES) // CHUNK
BLK = 16
NBLK = NCHUNKS // BLK
TAIL = NCHUNKS - NBLK * BLK
N_PAD = 10240
ROWS_PER_TILE = N_PAD // NTILES


def _matmul_body(x_ref, w_ref, o_ref):
    o_ref[0] = jnp.dot(x_ref[...], w_ref[...],
                       preferred_element_type=jnp.float32)


def _matmul_split(x, W):
    m_blk = 1000
    return pl.pallas_call(
        _matmul_body,
        grid=(N_NODES // m_blk, NCOL),
        in_specs=[
            pl.BlockSpec((m_blk, D_FEAT), lambda i, c: (i, 0)),
            pl.BlockSpec((D_FEAT, CH), lambda i, c: (0, c)),
        ],
        out_specs=pl.BlockSpec((1, m_blk, CH), lambda i, c: (c, i, 0)),
        out_shape=jax.ShapeDtypeStruct((NCOL, N_NODES, CH), jnp.float32),
    )(x, W)


def _sc_body(h_hbm, src_hbm, dst_hbm, ew_hbm, b_hbm, out_hbm,
             acc, srcblk, dstblk, ewblk, graw0, graw1, ssc0, ssc1, bvec,
             gsem0, gsem1, ssem0, ssem1):
    cc = lax.axis_index("c")
    ss = lax.axis_index("s")
    h_sub = h_hbm.at[cc]
    graw = (graw0, graw1)
    ssc = (ssc0, ssc1)
    gsem = (gsem0, gsem1)
    ssem = (ssem0, ssem1)

    pltpu.sync_copy(b_hbm.at[pl.ds(cc * CH, CH)], bvec)

    def fill_row(r, _):
        for g in range(CH // 16):
            sl = pl.ds(g * 16, 16)
            ssc0[r, sl] = bvec[sl]
        return 0

    lax.fori_loop(0, CHUNK, fill_row, 0)
    for j in range(ROWS_PER_TILE // CHUNK):
        pltpu.sync_copy(
            ssc0, acc.at[pl.ds(ss * ROWS_PER_TILE + j * CHUNK, CHUNK)])
    plsc.subcore_barrier()

    def start_gather(l, b):
        pltpu.async_copy(h_sub.at[srcblk.at[l]], graw[b], gsem[b])

    def process(l, b, bchunks, lookahead=True):
        pltpu.make_async_copy(
            h_sub.at[srcblk.at[l]], graw[b], gsem[b]).wait()

        @pl.when(l >= 2)
        def _():
            pltpu.make_async_copy(
                ssc[b], acc.at[dstblk.at[0]], ssem[b]).wait()

        gsplat = jnp.full((16,), l, jnp.int32)

        @plsc.parallel_loop(0, CHUNK, unroll=16)
        def _(e):
            wv = plsc.load_gather(
                ewblk, [gsplat, jnp.full((16,), e, jnp.int32)])
            for c in range(CH // 16):
                sl = pl.ds(c * 16, 16)
                ssc[b][e, sl] = graw[b][e, sl] * wv

        if lookahead:
            @pl.when(l + 2 < bchunks)
            def _():
                start_gather(l + 2, b)
        pltpu.async_copy(ssc[b], acc.at[dstblk.at[l]], ssem[b], add=True)

    def load_meta(base, bchunks):
        sl_v = pl.ds(0, bchunks)
        sl_h = pl.ds(base, bchunks)
        pltpu.sync_copy(src_hbm.at[ss].at[sl_h], srcblk.at[sl_v])
        pltpu.sync_copy(dst_hbm.at[ss].at[sl_h], dstblk.at[sl_v])
        pltpu.sync_copy(ew_hbm.at[ss].at[sl_h], ewblk.at[sl_v])

    def drain_scatters():
        for b in range(2):
            pltpu.make_async_copy(
                ssc[b], acc.at[dstblk.at[0]], ssem[b]).wait()

    def blkbody(blk, _):
        load_meta(blk * BLK, BLK)
        start_gather(0, 0)
        start_gather(1, 1)

        def pair(k, _):
            process(2 * k, 0, BLK)
            process(2 * k + 1, 1, BLK)
            return 0

        lax.fori_loop(0, BLK // 2, pair, 0)
        drain_scatters()
        return 0

    lax.fori_loop(0, NBLK, blkbody, 0)

    load_meta(NBLK * BLK, TAIL)
    start_gather(0, 0)
    start_gather(1, 1)

    def tail_pair(k, _):
        process(2 * k, 0, TAIL)
        process(2 * k + 1, 1, TAIL)
        return 0

    lax.fori_loop(0, TAIL // 2, tail_pair, 0)
    process(TAIL - 1, 0, TAIL, lookahead=False)
    drain_scatters()
    plsc.subcore_barrier()

    r0 = ss * ROWS_PER_TILE
    csl = pl.ds(cc * CH, CH)

    @pl.when(r0 + ROWS_PER_TILE <= N_NODES)
    def _():
        pltpu.sync_copy(acc.at[pl.ds(r0, ROWS_PER_TILE)],
                        out_hbm.at[pl.ds(r0, ROWS_PER_TILE), csl])

    last = N_NODES - (NTILES - 1) * ROWS_PER_TILE

    @pl.when(r0 + ROWS_PER_TILE > N_NODES)
    def _():
        pltpu.sync_copy(acc.at[pl.ds(r0, last)],
                        out_hbm.at[pl.ds(r0, last), csl])


def kernel(x, edge_index, edge_weight, W, b):
    h_split = _matmul_split(x, W)
    src = edge_index[1].reshape(NTILES, NCHUNKS, CHUNK)
    dst = edge_index[0].reshape(NTILES, NCHUNKS, CHUNK)
    ew = edge_weight.reshape(NTILES, NCHUNKS, CHUNK)

    mesh = plsc.VectorSubcoreMesh(core_axis_name="c", subcore_axis_name="s")
    sc_fn = pl.kernel(
        _sc_body,
        out_type=jax.ShapeDtypeStruct((N_NODES, UNITS), jnp.float32),
        mesh=mesh,
        compiler_params=pltpu.CompilerParams(needs_layout_passes=False),
        scratch_types=[
            pltpu.VMEM_SHARED((N_PAD, CH), jnp.float32),
            pltpu.VMEM((BLK, CHUNK), jnp.int32),
            pltpu.VMEM((BLK, CHUNK), jnp.int32),
            pltpu.VMEM((BLK, CHUNK), jnp.float32),
            pltpu.VMEM((CHUNK, CH), jnp.float32),
            pltpu.VMEM((CHUNK, CH), jnp.float32),
            pltpu.VMEM((CHUNK, CH), jnp.float32),
            pltpu.VMEM((CHUNK, CH), jnp.float32),
            pltpu.VMEM((CH,), jnp.float32),
            pltpu.SemaphoreType.DMA,
            pltpu.SemaphoreType.DMA,
            pltpu.SemaphoreType.DMA,
            pltpu.SemaphoreType.DMA,
        ],
    )
    return sc_fn(h_split, src, dst, ew, b)

# --- scband reference (transcript-rebuilt; emitter-appended) ---
"""Pipeline reference for scband-gcnconv-1185410974390 (READ-ONLY COPY).

The authoritative reference and input builder live on the scoring server;
editing this copy changes nothing except your own understanding.
"""

import jax, jax.numpy as jnp
import numpy as np

N_NODES = 10000
N_EDGES = 160000
D_FEAT = 256
UNITS = 256

def setup_inputs(seed: int = 0) -> dict:
    key = jax.random.key(seed)
    k1, k2, k3, k4, k5 = jax.random.split(key, 5)
    x = jax.random.normal(k1, (N_NODES, D_FEAT), dtype=jnp.float32)
    edge_index = jax.random.randint(k2, (2, N_EDGES), 0, N_NODES, dtype=jnp.int64 if jax.config.jax_enable_x64 else jnp.int32).astype(jnp.int32)
    edge_weight = jax.random.uniform(k3, (N_EDGES,), dtype=jnp.float32)
    # glorot uniform kernel
    limit = np.sqrt(6.0 / (D_FEAT + UNITS))
    W = jax.random.uniform(k4, (D_FEAT, UNITS), minval=-limit, maxval=limit, dtype=jnp.float32)
    b = jnp.zeros((UNITS,), dtype=jnp.float32)
    return {"x": x, "edge_index": edge_index, "edge_weight": edge_weight, "W": W, "b": b}

def reference(x, edge_index, edge_weight, W, b):
    # h = X @ W  (dense matmul, X is dense)
    h = jnp.matmul(x, W)
    # output = An @ h, An sparse (COO: edge_index rows=dst target, cols=src)
    src = edge_index[1]
    dst = edge_index[0]
    msgs = jnp.take(h, src, axis=0) * edge_weight[:, None]
    out = jax.ops.segment_sum(msgs, dst, num_segments=x.shape[0])
    # bias add
    out = out + b
    # activation is identity (default lambda x: x)
    return out

if __name__ == "__main__":
    import jax
    _d = setup_inputs()
    print(jax.jit(kernel)(*tuple(_d.values())))

</pallas_src>

<mosaic_0001>
#map = affine_map<(d0, d1) -> (0, 0, 0)>
#map1 = affine_map<(d0, d1) -> (0)>
#map2 = affine_map<(d0, d1) -> (0, 0)>
module attributes {stable_mosaic.version = 14 : i64} {
  func.func @_sc_body(%arg0: i32, %arg1: i32, %arg2: memref<2x10000x128xf32, #tpu.memory_space<hbm>>, %arg3: memref<16x125x80xi32, #tpu.memory_space<hbm>>, %arg4: memref<16x125x80xi32, #tpu.memory_space<hbm>>, %arg5: memref<16x125x80xf32, #tpu.memory_space<hbm>>, %arg6: memref<256xf32, #tpu.memory_space<hbm>>, %arg7: memref<10000x256xf32, #tpu.memory_space<hbm>>, %arg8: memref<10240x128xf32, #tpu.memory_space<vmem_shared>>, %arg9: memref<16x80xi32, #tpu.memory_space<vmem>>, %arg10: memref<16x80xi32, #tpu.memory_space<vmem>>, %arg11: memref<16x80xf32, #tpu.memory_space<vmem>>, %arg12: memref<80x128xf32, #tpu.memory_space<vmem>>, %arg13: memref<80x128xf32, #tpu.memory_space<vmem>>, %arg14: memref<80x128xf32, #tpu.memory_space<vmem>>, %arg15: memref<80x128xf32, #tpu.memory_space<vmem>>, %arg16: memref<128xf32, #tpu.memory_space<vmem>>, %arg17: memref<!tpu.dma_semaphore, #tpu.memory_space<semaphore_mem>>, %arg18: memref<!tpu.dma_semaphore, #tpu.memory_space<semaphore_mem>>, %arg19: memref<!tpu.dma_semaphore, #tpu.memory_space<semaphore_mem>>, %arg20: memref<!tpu.dma_semaphore, #tpu.memory_space<semaphore_mem>>) attributes {dimension_semantics = [#tpu.dimension_semantics<core_parallel>, #tpu.dimension_semantics<subcore_parallel>], iteration_bounds = array<i64: 2, 16>, scalar_prefetch = 0 : i64, scratch_operands = 13 : i64, tpu.core_type = #tpu.core_type<sc_vector_subcore>, window_params = [{transform_indices = #map}, {transform_indices = #map}, {transform_indices = #map}, {transform_indices = #map}, {transform_indices = #map1}, {transform_indices = #map2}]} {
    %mul3A = arith.constant 128 : i32
    %mul3A_0 = arith.muli %arg0, %mul3A : i32
    "tpu.region"() ({
      %run_scoped3A = tpu.sem_alloc : memref<!tpu.dma_semaphore, #tpu.memory_space<semaphore_mem>>
      %dma_start3A_129 = tpu.memref_slice %arg6[%mul3A_0] : memref<256xf32, #tpu.memory_space<hbm>> -> memref<128xf32, #tpu.memory_space<hbm>>
      %dma_start3A_130 = tpu.memref_slice %arg6[%mul3A_0] : memref<256xf32, #tpu.memory_space<hbm>> -> memref<128xf32, #tpu.memory_space<hbm>>
      tpu.enqueue_dma source(%dma_start3A_130 : memref<128xf32, #tpu.memory_space<hbm>>) target(%arg16 : memref<128xf32, #tpu.memory_space<vmem>>) target_semaphore(%run_scoped3A : memref<!tpu.dma_semaphore, #tpu.memory_space<semaphore_mem>>)
      %dma_wait3A_131 = tpu.memref_slice %arg6[%mul3A_0] : memref<256xf32, #tpu.memory_space<hbm>> -> memref<128xf32, #tpu.memory_space<hbm>>
      %dma_wait3A_132 = tpu.memref_slice %arg6[%mul3A_0] : memref<256xf32, #tpu.memory_space<hbm>> -> memref<128xf32, #tpu.memory_space<hbm>>
      tpu.wait_dma2 semaphore(%run_scoped3A : memref<!tpu.dma_semaphore, #tpu.memory_space<semaphore_mem>>) src(%dma_wait3A_132 : memref<128xf32, #tpu.memory_space<hbm>>) dst(%arg16 : memref<128xf32, #tpu.memory_space<vmem>>)
      tpu.yield
    }) : () -> ()
    %scan3A = arith.constant 0 : i32
    %scan3A_1 = arith.constant 0 : i32
    %scan3A_2 = arith.constant 80 : i32
    %scan3A_3 = arith.addi %scan3A_1, %scan3A_2 : i32
    %scan3A_4 = arith.constant 1 : i32
    %scan3A_5 = scf.for %scan3A_129 = %scan3A_1 to %scan3A_3 step %scan3A_4 iter_args(%scan3A_130 = %scan3A) -> (i32)  : i32 {
      %get3A = arith.constant 0 : index
      %get3A_131 = tpu.vector_load %arg16[%get3A] {strides = array<i32>} : memref<128xf32, #tpu.memory_space<vmem>>, vector<16xf32>,
      %swap3A = arith.index_cast %scan3A_129 : i32 to index
      %swap3A_132 = arith.constant 0 : index
      %swap3A_133 = tpu.vector_load %arg14[%swap3A, %swap3A_132] {strides = array<i32>} : memref<80x128xf32, #tpu.memory_space<vmem>>, vector<16xf32>,
      tpu.vector_store %arg14[%swap3A, %swap3A_132], %get3A_131 {strides = array<i32>} : memref<80x128xf32, #tpu.memory_space<vmem>>, vector<16xf32>,
      %get3A_134 = arith.constant 16 : index
      %get3A_135 = tpu.vector_load %arg16[%get3A_134] {strides = array<i32>} : memref<128xf32, #tpu.memory_space<vmem>>, vector<16xf32>,
      %swap3A_136 = arith.index_cast %scan3A_129 : i32 to index
      %swap3A_137 = arith.constant 16 : index
      %swap3A_138 = tpu.vector_load %arg14[%swap3A_136, %swap3A_137] {strides = array<i32>} : memref<80x128xf32, #tpu.memory_space<vmem>>, vector<16xf32>,
      tpu.vector_store %arg14[%swap3A_136, %swap3A_137], %get3A_135 {strides = array<i32>} : memref<80x128xf32, #tpu.memory_space<vmem>>, vector<16xf32>,
      %get3A_139 = arith.constant 32 : index
      %get3A_140 = tpu.vector_load %arg16[%get3A_139] {strides = array<i32>} : memref<128xf32, #tpu.memory_space<vmem>>, vector<16xf32>,
      %swap3A_141 = arith.index_cast %scan3A_129 : i32 to index
      %swap3A_142 = arith.constant 32 : index
      %swap3A_143 = tpu.vector_load %arg14[%swap3A_141, %swap3A_142] {strides = array<i32>} : memref<80x128xf32, #tpu.memory_space<vmem>>, vector<16xf32>,
      tpu.vector_store %arg14[%swap3A_141, %swap3A_142], %get3A_140 {strides = array<i32>} : memref<80x128xf32, #tpu.memory_space<vmem>>, vector<16xf32>,
      %get3A_144 = arith.constant 48 : index
      %get3A_145 = tpu.vector_load %arg16[%get3A_144] {strides = array<i32>} : memref<128xf32, #tpu.memory_space<vmem>>, vector<16xf32>,
      %swap3A_146 = arith.index_cast %scan3A_129 : i32 to index
      %swap3A_147 = arith.constant 48 : index
      %swap3A_148 = tpu.vector_load %arg14[%swap3A_146, %swap3A_147] {strides = array<i32>} : memref<80x128xf32, #tpu.memory_space<vmem>>, vector<16xf32>,
      tpu.vector_store %arg14[%swap3A_146, %swap3A_147], %get3A_145 {strides = array<i32>} : memref<80x128xf32, #tpu.memory_space<vmem>>, vector<16xf32>,
      %get3A_149 = arith.constant 64 : index
      %get3A_150 = tpu.vector_load %arg16[%get3A_149] {strides = array<i32>} : memref<128xf32, #tpu.memory_space<vmem>>, vector<16xf32>,
      %swap3A_151 = arith.index_cast %scan3A_129 : i32 to index
      %swap3A_152 = arith.constant 64 : index
      %swap3A_153 = tpu.vector_load %arg14[%swap3A_151, %swap3A_152] {strides = array<i32>} : memref<80x128xf32, #tpu.memory_space<vmem>>, vector<16xf32>,
      tpu.vector_store %arg14[%swap3A_151, %swap3A_152], %get3A_150 {strides = array<i32>} : memref<80x128xf32, #tpu.memory_space<vmem>>, vector<16xf32>,
      %get3A_154 = arith.constant 80 : index
      %get3A_155 = tpu.vector_load %arg16[%get3A_154] {strides = array<i32>} : memref<128xf32, #tpu.memory_space<vmem>>, vector<16xf32>,
      %swap3A_156 = arith.index_cast %scan3A_129 : i32 to index
      %swap3A_157 = arith.constant 80 : index
      %swap3A_158 = tpu.vector_load %arg14[%swap3A_156, %swap3A_157] {strides = array<i32>} : memref<80x128xf32, #tpu.memory_space<vmem>>, vector<16xf32>,
      tpu.vector_store %arg14[%swap3A_156, %swap3A_157], %get3A_155 {strides = array<i32>} : memref<80x128xf32, #tpu.memory_space<vmem>>, vector<16xf32>,
      %get3A_159 = arith.constant 96 : index
      %get3A_160 = tpu.vector_load %arg16[%get3A_159] {strides = array<i32>} : memref<128xf32, #tpu.memory_space<vmem>>, vector<16xf32>,
      %swap3A_161 = arith.index_cast %scan3A_129 : i32 to index
      %swap3A_162 = arith.constant 96 : index
      %swap3A_163 = tpu.vector_load %arg14[%swap3A_161, %swap3A_162] {strides = array<i32>} : memref<80x128xf32, #tpu.memory_space<vmem>>, vector<16xf32>,
      tpu.vector_store %arg14[%swap3A_161, %swap3A_162], %get3A_160 {strides = array<i32>} : memref<80x128xf32, #tpu.memory_space<vmem>>, vector<16xf32>,
      %get3A_164 = arith.constant 112 : index
      %get3A_165 = tpu.vector_load %arg16[%get3A_164] {strides = array<i32>} : memref<128xf32, #tpu.memory_space<vmem>>, vector<16xf32>,
      %swap3A_166 = arith.index_cast %scan3A_129 : i32 to index
      %swap3A_167 = arith.constant 112 : index
      %swap3A_168 = tpu.vector_load %arg14[%swap3A_166, %swap3A_167] {strides = array<i32>} : memref<80x128xf32, #tpu.memory_space<vmem>>, vector<16xf32>,
      tpu.vector_store %arg14[%swap3A_166, %swap3A_167], %get3A_165 {strides = array<i32>} : memref<80x128xf32, #tpu.memory_space<vmem>>, vector<16xf32>,
      %scan3A_169 = arith.constant 0 : i32
      scf.yield %scan3A_169 : i32
    }
    %scan3A_6 = arith.constant 80 : i32
    %mul3A_7 = arith.constant 640 : i32
    %mul3A_8 = arith.muli %arg1, %mul3A_7 : i32
    %add3A = arith.constant 0 : i32
    %add3A_9 = arith.addi %mul3A_8, %add3A : i32
    "tpu.region"() ({
      %run_scoped3A = tpu.sem_alloc : memref<!tpu.dma_semaphore, #tpu.memory_space<semaphore_mem>>
      %dma_start3A_129 = arith.constant 0 : i32
      %dma_start3A_130 = tpu.memref_slice %arg8[%add3A_9, %dma_start3A_129] : memref<10240x128xf32, #tpu.memory_space<vmem_shared>> -> memref<80x128xf32, #tpu.memory_space<vmem_shared>>
      %dma_start3A_131 = arith.constant 0 : i32
      %dma_start3A_132 = tpu.memref_slice %arg8[%add3A_9, %dma_start3A_131] : memref<10240x128xf32, #tpu.memory_space<vmem_shared>> -> memref<80x128xf32, #tpu.memory_space<vmem_shared>>
      tpu.enqueue_dma source(%arg14 : memref<80x128xf32, #tpu.memory_space<vmem>>) target(%dma_start3A_132 : memref<80x128xf32, #tpu.memory_space<vmem_shared>>) target_semaphore(%run_scoped3A : memref<!tpu.dma_semaphore, #tpu.memory_space<semaphore_mem>>)
      %dma_wait3A_133 = arith.constant 0 : i32
      %dma_wait3A_134 = tpu.memref_slice %arg8[%add3A_9, %dma_wait3A_133] : memref<10240x128xf32, #tpu.memory_space<vmem_shared>> -> memref<80x128xf32, #tpu.memory_space<vmem_shared>>
      %dma_wait3A_135 = arith.constant 0 : i32
      %dma_wait3A_136 = tpu.memref_slice %arg8[%add3A_9, %dma_wait3A_135] : memref<10240x128xf32, #tpu.memory_space<vmem_shared>> -> memref<80x128xf32, #tpu.memory_space<vmem_shared>>
      tpu.wait_dma2 semaphore(%run_scoped3A : memref<!tpu.dma_semaphore, #tpu.memory_space<semaphore_mem>>) src(%arg14 : memref<80x128xf32, #tpu.memory_space<vmem>>) dst(%dma_wait3A_136 : memref<80x128xf32, #tpu.memory_space<vmem_shared>>)
      tpu.yield
    }) : () -> ()
    %mul3A_10 = arith.constant 640 : i32
    %mul3A_11 = arith.muli %arg1, %mul3A_10 : i32
    %add3A_12 = arith.constant 80 : i32
    %add3A_13 = arith.addi %mul3A_11, %add3A_12 : i32
    "tpu.region"() ({
      %run_scoped3A = tpu.sem_alloc : memref<!tpu.dma_semaphore, #tpu.memory_space<semaphore_mem>>
      %dma_start3A_129 = arith.constant 0 : i32
      %dma_start3A_130 = tpu.memref_slice %arg8[%add3A_13, %dma_start3A_129] : memref<10240x128xf32, #tpu.memory_space<vmem_shared>> -> memref<80x128xf32, #tpu.memory_space<vmem_shared>>
      %dma_start3A_131 = arith.constant 0 : i32
      %dma_start3A_132 = tpu.memref_slice %arg8[%add3A_13, %dma_start3A_131] : memref<10240x128xf32, #tpu.memory_space<vmem_shared>> -> memref<80x128xf32, #tpu.memory_space<vmem_shared>>
      tpu.enqueue_dma source(%arg14 : memref<80x128xf32, #tpu.memory_space<vmem>>) target(%dma_start3A_132 : memref<80x128xf32, #tpu.memory_space<vmem_shared>>) target_semaphore(%run_scoped3A : memref<!tpu.dma_semaphore, #tpu.memory_space<semaphore_mem>>)
      %dma_wait3A_133 = arith.constant 0 : i32
      %dma_wait3A_134 = tpu.memref_slice %arg8[%add3A_13, %dma_wait3A_133] : memref<10240x128xf32, #tpu.memory_space<vmem_shared>> -> memref<80x128xf32, #tpu.memory_space<vmem_shared>>
      %dma_wait3A_135 = arith.constant 0 : i32
      %dma_wait3A_136 = tpu.memref_slice %arg8[%add3A_13, %dma_wait3A_135] : memref<10240x128xf32, #tpu.memory_space<vmem_shared>> -> memref<80x128xf32, #tpu.memory_space<vmem_shared>>
      tpu.wait_dma2 semaphore(%run_scoped3A : memref<!tpu.dma_semaphore, #tpu.memory_space<semaphore_mem>>) src(%arg14 : memref<80x128xf32, #tpu.memory_space<vmem>>) dst(%dma_wait3A_136 : memref<80x128xf32, #tpu.memory_space<vmem_shared>>)
      tpu.yield
    }) : () -> ()
    %mul3A_14 = arith.constant 640 : i32
    %mul3A_15 = arith.muli %arg1, %mul3A_14 : i32
    %add3A_16 = arith.constant 160 : i32
    %add3A_17 = arith.addi %mul3A_15, %add3A_16 : i32
    "tpu.region"() ({
      %run_scoped3A = tpu.sem_alloc : memref<!tpu.dma_semaphore, #tpu.memory_space<semaphore_mem>>
      %dma_start3A_129 = arith.constant 0 : i32
      %dma_start3A_130 = tpu.memref_slice %arg8[%add3A_17, %dma_start3A_129] : memref<10240x128xf32, #tpu.memory_space<vmem_shared>> -> memref<80x128xf32, #tpu.memory_space<vmem_shared>>
      %dma_start3A_131 = arith.constant 0 : i32
      %dma_start3A_132 = tpu.memref_slice %arg8[%add3A_17, %dma_start3A_131] : memref<10240x128xf32, #tpu.memory_space<vmem_shared>> -> memref<80x128xf32, #tpu.memory_space<vmem_shared>>
      tpu.enqueue_dma source(%arg14 : memref<80x128xf32, #tpu.memory_space<vmem>>) target(%dma_start3A_132 : memref<80x128xf32, #tpu.memory_space<vmem_shared>>) target_semaphore(%run_scoped3A : memref<!tpu.dma_semaphore, #tpu.memory_space<semaphore_mem>>)
      %dma_wait3A_133 = arith.constant 0 : i32
      %dma_wait3A_134 = tpu.memref_slice %arg8[%add3A_17, %dma_wait3A_133] : memref<10240x128xf32, #tpu.memory_space<vmem_shared>> -> memref<80x128xf32, #tpu.memory_space<vmem_shared>>
      %dma_wait3A_135 = arith.constant 0 : i32
      %dma_wait3A_136 = tpu.memref_slice %arg8[%add3A_17, %dma_wait3A_135] : memref<10240x128xf32, #tpu.memory_space<vmem_shared>> -> memref<80x128xf32, #tpu.memory_space<vmem_shared>>
      tpu.wait_dma2 semaphore(%run_scoped3A : memref<!tpu.dma_semaphore, #tpu.memory_space<semaphore_mem>>) src(%arg14 : memref<80x128xf32, #tpu.memory_space<vmem>>) dst(%dma_wait3A_136 : memref<80x128xf32, #tpu.memory_space<vmem_shared>>)
      tpu.yield
    }) : () -> ()
    %mul3A_18 = arith.constant 640 : i32
    %mul3A_19 = arith.muli %arg1, %mul3A_18 : i32
    %add3A_20 = arith.constant 240 : i32
    %add3A_21 = arith.addi %mul3A_19, %add3A_20 : i32
    "tpu.region"() ({
      %run_scoped3A = tpu.sem_alloc : memref<!tpu.dma_semaphore, #tpu.memory_space<semaphore_mem>>
      %dma_start3A_129 = arith.constant 0 : i32
      %dma_start3A_130 = tpu.memref_slice %arg8[%add3A_21, %dma_start3A_129] : memref<10240x128xf32, #tpu.memory_space<vmem_shared>> -> memref<80x128xf32, #tpu.memory_space<vmem_shared>>
      %dma_start3A_131 = arith.constant 0 : i32
      %dma_start3A_132 = tpu.memref_slice %arg8[%add3A_21, %dma_start3A_131] : memref<10240x128xf32, #tpu.memory_space<vmem_shared>> -> memref<80x128xf32, #tpu.memory_space<vmem_shared>>
      tpu.enqueue_dma source(%arg14 : memref<80x128xf32, #tpu.memory_space<vmem>>) target(%dma_start3A_132 : memref<80x128xf32, #tpu.memory_space<vmem_shared>>) target_semaphore(%run_scoped3A : memref<!tpu.dma_semaphore, #tpu.memory_space<semaphore_mem>>)
      %dma_wait3A_133 = arith.constant 0 : i32
      %dma_wait3A_134 = tpu.memref_slice %arg8[%add3A_21, %dma_wait3A_133] : memref<10240x128xf32, #tpu.memory_space<vmem_shared>> -> memref<80x128xf32, #tpu.memory_space<vmem_shared>>
      %dma_wait3A_135 = arith.constant 0 : i32
      %dma_wait3A_136 = tpu.memref_slice %arg8[%add3A_21, %dma_wait3A_135] : memref<10240x128xf32, #tpu.memory_space<vmem_shared>> -> memref<80x128xf32, #tpu.memory_space<vmem_shared>>
      tpu.wait_dma2 semaphore(%run_scoped3A : memref<!tpu.dma_semaphore, #tpu.memory_space<semaphore_mem>>) src(%arg14 : memref<80x128xf32, #tpu.memory_space<vmem>>) dst(%dma_wait3A_136 : memref<80x128xf32, #tpu.memory_space<vmem_shared>>)
      tpu.yield
    }) : () -> ()
    %mul3A_22 = arith.constant 640 : i32
    %mul3A_23 = arith.muli %arg1, %mul3A_22 : i32
    %add3A_24 = arith.constant 320 : i32
    %add3A_25 = arith.addi %mul3A_23, %add3A_24 : i32
    "tpu.region"() ({
      %run_scoped3A = tpu.sem_alloc : memref<!tpu.dma_semaphore, #tpu.memory_space<semaphore_mem>>
      %dma_start3A_129 = arith.constant 0 : i32
      %dma_start3A_130 = tpu.memref_slice %arg8[%add3A_25, %dma_start3A_129] : memref<10240x128xf32, #tpu.memory_space<vmem_shared>> -> memref<80x128xf32, #tpu.memory_space<vmem_shared>>
      %dma_start3A_131 = arith.constant 0 : i32
      %dma_start3A_132 = tpu.memref_slice %arg8[%add3A_25, %dma_start3A_131] : memref<10240x128xf32, #tpu.memory_space<vmem_shared>> -> memref<80x128xf32, #tpu.memory_space<vmem_shared>>
      tpu.enqueue_dma source(%arg14 : memref<80x128xf32, #tpu.memory_space<vmem>>) target(%dma_start3A_132 : memref<80x128xf32, #tpu.memory_space<vmem_shared>>) target_semaphore(%run_scoped3A : memref<!tpu.dma_semaphore, #tpu.memory_space<semaphore_mem>>)
      %dma_wait3A_133 = arith.constant 0 : i32
      %dma_wait3A_134 = tpu.memref_slice %arg8[%add3A_25, %dma_wait3A_133] : memref<10240x128xf32, #tpu.memory_space<vmem_shared>> -> memref<80x128xf32, #tpu.memory_space<vmem_shared>>
      %dma_wait3A_135 = arith.constant 0 : i32
      %dma_wait3A_136 = tpu.memref_slice %arg8[%add3A_25, %dma_wait3A_135] : memref<10240x128xf32, #tpu.memory_space<vmem_shared>> -> memref<80x128xf32, #tpu.memory_space<vmem_shared>>
      tpu.wait_dma2 semaphore(%run_scoped3A : memref<!tpu.dma_semaphore, #tpu.memory_space<semaphore_mem>>) src(%arg14 : memref<80x128xf32, #tpu.memory_space<vmem>>) dst(%dma_wait3A_136 : memref<80x128xf32, #tpu.memory_space<vmem_shared>>)
      tpu.yield
    }) : () -> ()
    %mul3A_26 = arith.constant 640 : i32
    %mul3A_27 = arith.muli %arg1, %mul3A_26 : i32
    %add3A_28 = arith.constant 400 : i32
    %add3A_29 = arith.addi %mul3A_27, %add3A_28 : i32
    "tpu.region"() ({
      %run_scoped3A = tpu.sem_alloc : memref<!tpu.dma_semaphore, #tpu.memory_space<semaphore_mem>>
      %dma_start3A_129 = arith.constant 0 : i32
      %dma_start3A_130 = tpu.memref_slice %arg8[%add3A_29, %dma_start3A_129] : memref<10240x128xf32, #tpu.memory_space<vmem_shared>> -> memref<80x128xf32, #tpu.memory_space<vmem_shared>>
      %dma_start3A_131 = arith.constant 0 : i32
      %dma_start3A_132 = tpu.memref_slice %arg8[%add3A_29, %dma_start3A_131] : memref<10240x128xf32, #tpu.memory_space<vmem_shared>> -> memref<80x128xf32, #tpu.memory_space<vmem_shared>>
      tpu.enqueue_dma source(%arg14 : memref<80x128xf32, #tpu.memory_space<vmem>>) target(%dma_start3A_132 : memref<80x128xf32, #tpu.memory_space<vmem_shared>>) target_semaphore(%run_scoped3A : memref<!tpu.dma_semaphore, #tpu.memory_space<semaphore_mem>>)
      %dma_wait3A_133 = arith.constant 0 : i32
      %dma_wait3A_134 = tpu.memref_slice %arg8[%add3A_29, %dma_wait3A_133] : memref<10240x128xf32, #tpu.memory_space<vmem_shared>> -> memref<80x128xf32, #tpu.memory_space<vmem_shared>>
      %dma_wait3A_135 = arith.constant 0 : i32
      %dma_wait3A_136 = tpu.memref_slice %arg8[%add3A_29, %dma_wait3A_135] : memref<10240x128xf32, #tpu.memory_space<vmem_shared>> -> memref<80x128xf32, #tpu.memory_space<vmem_shared>>
      tpu.wait_dma2 semaphore(%run_scoped3A : memref<!tpu.dma_semaphore, #tpu.memory_space<semaphore_mem>>) src(%arg14 : memref<80x128xf32, #tpu.memory_space<vmem>>) dst(%dma_wait3A_136 : memref<80x128xf32, #tpu.memory_space<vmem_shared>>)
      tpu.yield
    }) : () -> ()
    %mul3A_30 = arith.constant 640 : i32
    %mul3A_31 = arith.muli %arg1, %mul3A_30 : i32
    %add3A_32 = arith.constant 480 : i32
    %add3A_33 = arith.addi %mul3A_31, %add3A_32 : i32
    "tpu.region"() ({
      %run_scoped3A = tpu.sem_alloc : memref<!tpu.dma_semaphore, #tpu.memory_space<semaphore_mem>>
      %dma_start3A_129 = arith.constant 0 : i32
      %dma_start3A_130 = tpu.memref_slice %arg8[%add3A_33, %dma_start3A_129] : memref<10240x128xf32, #tpu.memory_space<vmem_shared>> -> memref<80x128xf32, #tpu.memory_space<vmem_shared>>
      %dma_start3A_131 = arith.constant 0 : i32
      %dma_start3A_132 = tpu.memref_slice %arg8[%add3A_33, %dma_start3A_131] : memref<10240x128xf32, #tpu.memory_space<vmem_shared>> -> memref<80x128xf32, #tpu.memory_space<vmem_shared>>
      tpu.enqueue_dma source(%arg14 : memref<80x128xf32, #tpu.memory_space<vmem>>) target(%dma_start3A_132 : memref<80x128xf32, #tpu.memory_space<vmem_shared>>) target_semaphore(%run_scoped3A : memref<!tpu.dma_semaphore, #tpu.memory_space<semaphore_mem>>)
      %dma_wait3A_133 = arith.constant 0 : i32
      %dma_wait3A_134 = tpu.memref_slice %arg8[%add3A_33, %dma_wait3A_133] : memref<10240x128xf32, #tpu.memory_space<vmem_shared>> -> memref<80x128xf32, #tpu.memory_space<vmem_shared>>
      %dma_wait3A_135 = arith.constant 0 : i32
      %dma_wait3A_136 = tpu.memref_slice %arg8[%add3A_33, %dma_wait3A_135] : memref<10240x128xf32, #tpu.memory_space<vmem_shared>> -> memref<80x128xf32, #tpu.memory_space<vmem_shared>>
      tpu.wait_dma2 semaphore(%run_scoped3A : memref<!tpu.dma_semaphore, #tpu.memory_space<semaphore_mem>>) src(%arg14 : memref<80x128xf32, #tpu.memory_space<vmem>>) dst(%dma_wait3A_136 : memref<80x128xf32, #tpu.memory_space<vmem_shared>>)
      tpu.yield
    }) : () -> ()
    %mul3A_34 = arith.constant 640 : i32
    %mul3A_35 = arith.muli %arg1, %mul3A_34 : i32
    %add3A_36 = arith.constant 560 : i32
    %add3A_37 = arith.addi %mul3A_35, %add3A_36 : i32
    "tpu.region"() ({
      %run_scoped3A = tpu.sem_alloc : memref<!tpu.dma_semaphore, #tpu.memory_space<semaphore_mem>>
      %dma_start3A_129 = arith.constant 0 : i32
      %dma_start3A_130 = tpu.memref_slice %arg8[%add3A_37, %dma_start3A_129] : memref<10240x128xf32, #tpu.memory_space<vmem_shared>> -> memref<80x128xf32, #tpu.memory_space<vmem_shared>>
      %dma_start3A_131 = arith.constant 0 : i32
      %dma_start3A_132 = tpu.memref_slice %arg8[%add3A_37, %dma_start3A_131] : memref<10240x128xf32, #tpu.memory_space<vmem_shared>> -> memref<80x128xf32, #tpu.memory_space<vmem_shared>>
      tpu.enqueue_dma source(%arg14 : memref<80x128xf32, #tpu.memory_space<vmem>>) target(%dma_start3A_132 : memref<80x128xf32, #tpu.memory_space<vmem_shared>>) target_semaphore(%run_scoped3A : memref<!tpu.dma_semaphore, #tpu.memory_space<semaphore_mem>>)
      %dma_wait3A_133 = arith.constant 0 : i32
      %dma_wait3A_134 = tpu.memref_slice %arg8[%add3A_37, %dma_wait3A_133] : memref<10240x128xf32, #tpu.memory_space<vmem_shared>> -> memref<80x128xf32, #tpu.memory_space<vmem_shared>>
      %dma_wait3A_135 = arith.constant 0 : i32
      %dma_wait3A_136 = tpu.memref_slice %arg8[%add3A_37, %dma_wait3A_135] : memref<10240x128xf32, #tpu.memory_space<vmem_shared>> -> memref<80x128xf32, #tpu.memory_space<vmem_shared>>
      tpu.wait_dma2 semaphore(%run_scoped3A : memref<!tpu.dma_semaphore, #tpu.memory_space<semaphore_mem>>) src(%arg14 : memref<80x128xf32, #tpu.memory_space<vmem>>) dst(%dma_wait3A_136 : memref<80x128xf32, #tpu.memory_space<vmem_shared>>)
      tpu.yield
    }) : () -> ()
    %barrier3A = arith.constant 0 : index
    tpu.barrier barrier_id(%barrier3A)
    %scan3A_38 = arith.constant 0 : i32
    %scan3A_39 = arith.constant 0 : i32
    %scan3A_40 = arith.constant 7 : i32
    %scan3A_41 = arith.addi %scan3A_39, %scan3A_40 : i32
    %scan3A_42 = arith.constant 1 : i32
    %scan3A_43 = scf.for %scan3A_129 = %scan3A_39 to %scan3A_41 step %scan3A_42 iter_args(%scan3A_130 = %scan3A_38) -> (i32)  : i32 {
      %mul3A_131 = arith.constant 16 : i32
      %mul3A_132 = arith.muli %scan3A_129, %mul3A_131 : i32
      "tpu.region"() ({
        %run_scoped3A = tpu.sem_alloc : memref<!tpu.dma_semaphore, #tpu.memory_space<semaphore_mem>>
        %dma_start3A_177 = arith.constant 0 : i32
        %dma_start3A_178 = arith.constant 0 : i32
        %dma_start3A_179 = tpu.memref_slice %arg9[%dma_start3A_177, %dma_start3A_178] : memref<16x80xi32, #tpu.memory_space<vmem>> -> memref<16x80xi32, #tpu.memory_space<vmem>>
        %dma_start3A_180 = arith.constant 0 : i32
        %dma_start3A_181 = arith.constant 0 : i32
        %dma_start3A_182 = tpu.memref_slice %arg3[%arg1, %dma_start3A_180, %dma_start3A_181] : memref<16x125x80xi32, #tpu.memory_space<hbm>> -> memref<1x125x80xi32, #tpu.memory_space<hbm>>
        %dma_start3A_183 = tpu.memref_squeeze %dma_start3A_182 : memref<1x125x80xi32, #tpu.memory_space<hbm>> -> memref<125x80xi32, #tpu.memory_space<hbm>>
        %dma_start3A_184 = arith.constant 0 : i32
        %dma_start3A_185 = tpu.memref_slice %dma_start3A_183[%mul3A_132, %dma_start3A_184] : memref<125x80xi32, #tpu.memory_space<hbm>> -> memref<16x80xi32, #tpu.memory_space<hbm>>
        %dma_start3A_186 = arith.constant 0 : i32
        %dma_start3A_187 = arith.constant 0 : i32
        %dma_start3A_188 = tpu.memref_slice %arg9[%dma_start3A_186, %dma_start3A_187] : memref<16x80xi32, #tpu.memory_space<vmem>> -> memref<16x80xi32, #tpu.memory_space<vmem>>
        %dma_start3A_189 = arith.constant 0 : i32
        %dma_start3A_190 = arith.constant 0 : i32
        %dma_start3A_191 = tpu.memref_slice %arg3[%arg1, %dma_start3A_189, %dma_start3A_190] : memref<16x125x80xi32, #tpu.memory_space<hbm>> -> memref<1x125x80xi32, #tpu.memory_space<hbm>>
        %dma_start3A_192 = tpu.memref_squeeze %dma_start3A_191 : memref<1x125x80xi32, #tpu.memory_space<hbm>> -> memref<125x80xi32, #tpu.memory_space<hbm>>
        %dma_start3A_193 = arith.constant 0 : i32
        %dma_start3A_194 = tpu.memref_slice %dma_start3A_192[%mul3A_132, %dma_start3A_193] : memref<125x80xi32, #tpu.memory_space<hbm>> -> memref<16x80xi32, #tpu.memory_space<hbm>>
        tpu.enqueue_dma source(%dma_start3A_194 : memref<16x80xi32, #tpu.memory_space<hbm>>) target(%dma_start3A_188 : memref<16x80xi32, #tpu.memory_space<vmem>>) target_semaphore(%run_scoped3A : memref<!tpu.dma_semaphore, #tpu.memory_space<semaphore_mem>>)
        %dma_wait3A_195 = arith.constant 0 : i32
        %dma_wait3A_196 = arith.constant 0 : i32
        %dma_wait3A_197 = tpu.memref_slice %arg9[%dma_wait3A_195, %dma_wait3A_196] : memref<16x80xi32, #tpu.memory_space<vmem>> -> memref<16x80xi32, #tpu.memory_space<vmem>>
        %dma_wait3A_198 = arith.constant 0 : i32
        %dma_wait3A_199 = arith.constant 0 : i32
        %dma_wait3A_200 = tpu.memref_slice %arg3[%arg1, %dma_wait3A_198, %dma_wait3A_199] : memref<16x125x80xi32, #tpu.memory_space<hbm>> -> memref<1x125x80xi32, #tpu.memory_space<hbm>>
        %dma_wait3A_201 = tpu.memref_squeeze %dma_wait3A_200 : memref<1x125x80xi32, #tpu.memory_space<hbm>> -> memref<125x80xi32, #tpu.memory_space<hbm>>
        %dma_wait3A_202 = arith.constant 0 : i32
        %dma_wait3A_203 = tpu.memref_slice %dma_wait3A_201[%mul3A_132, %dma_wait3A_202] : memref<125x80xi32, #tpu.memory_space<hbm>> -> memref<16x80xi32, #tpu.memory_space<hbm>>
        %dma_wait3A_204 = arith.constant 0 : i32
        %dma_wait3A_205 = arith.constant 0 : i32
        %dma_wait3A_206 = tpu.memref_slice %arg9[%dma_wait3A_204, %dma_wait3A_205] : memref<16x80xi32, #tpu.memory_space<vmem>> -> memref<16x80xi32, #tpu.memory_space<vmem>>
        %dma_wait3A_207 = arith.constant 0 : i32
        %dma_wait3A_208 = arith.constant 0 : i32
        %dma_wait3A_209 = tpu.memref_slice %arg3[%arg1, %dma_wait3A_207, %dma_wait3A_208] : memref<16x125x80xi32, #tpu.memory_space<hbm>> -> memref<1x125x80xi32, #tpu.memory_space<hbm>>
        %dma_wait3A_210 = tpu.memref_squeeze %dma_wait3A_209 : memref<1x125x80xi32, #tpu.memory_space<hbm>> -> memref<125x80xi32, #tpu.memory_space<hbm>>
        %dma_wait3A_211 = arith.constant 0 : i32
        %dma_wait3A_212 = tpu.memref_slice %dma_wait3A_210[%mul3A_132, %dma_wait3A_211] : memref<125x80xi32, #tpu.memory_space<hbm>> -> memref<16x80xi32, #tpu.memory_space<hbm>>
        tpu.wait_dma2 semaphore(%run_scoped3A : memref<!tpu.dma_semaphore, #tpu.memory_space<semaphore_mem>>) src(%dma_wait3A_212 : memref<16x80xi32, #tpu.memory_space<hbm>>) dst(%dma_wait3A_206 : memref<16x80xi32, #tpu.memory_space<vmem>>)
        tpu.yield
      }) : () -> ()
      "tpu.region"() ({
        %run_scoped3A = tpu.sem_alloc : memref<!tpu.dma_semaphore, #tpu.memory_space<semaphore_mem>>
        %dma_start3A_177 = arith.constant 0 : i32
        %dma_start3A_178 = arith.constant 0 : i32
        %dma_start3A_179 = tpu.memref_slice %arg10[%dma_start3A_177, %dma_start3A_178] : memref<16x80xi32, #tpu.memory_space<vmem>> -> memref<16x80xi32, #tpu.memory_space<vmem>>
        %dma_start3A_180 = arith.constant 0 : i32
        %dma_start3A_181 = arith.constant 0 : i32
        %dma_start3A_182 = tpu.memref_slice %arg4[%arg1, %dma_start3A_180, %dma_start3A_181] : memref<16x125x80xi32, #tpu.memory_space<hbm>> -> memref<1x125x80xi32, #tpu.memory_space<hbm>>
        %dma_start3A_183 = tpu.memref_squeeze %dma_start3A_182 : memref<1x125x80xi32, #tpu.memory_space<hbm>> -> memref<125x80xi32, #tpu.memory_space<hbm>>
        %dma_start3A_184 = arith.constant 0 : i32
        %dma_start3A_185 = tpu.memref_slice %dma_start3A_183[%mul3A_132, %dma_start3A_184] : memref<125x80xi32, #tpu.memory_space<hbm>> -> memref<16x80xi32, #tpu.memory_space<hbm>>
        %dma_start3A_186 = arith.constant 0 : i32
        %dma_start3A_187 = arith.constant 0 : i32
        %dma_start3A_188 = tpu.memref_slice %arg10[%dma_start3A_186, %dma_start3A_187] : memref<16x80xi32, #tpu.memory_space<vmem>> -> memref<16x80xi32, #tpu.memory_space<vmem>>
        %dma_start3A_189 = arith.constant 0 : i32
        %dma_start3A_190 = arith.constant 0 : i32
        %dma_start3A_191 = tpu.memref_slice %arg4[%arg1, %dma_start3A_189, %dma_start3A_190] : memref<16x125x80xi32, #tpu.memory_space<hbm>> -> memref<1x125x80xi32, #tpu.memory_space<hbm>>
        %dma_start3A_192 = tpu.memref_squeeze %dma_start3A_191 : memref<1x125x80xi32, #tpu.memory_space<hbm>> -> memref<125x80xi32, #tpu.memory_space<hbm>>
        %dma_start3A_193 = arith.constant 0 : i32
        %dma_start3A_194 = tpu.memref_slice %dma_start3A_192[%mul3A_132, %dma_start3A_193] : memref<125x80xi32, #tpu.memory_space<hbm>> -> memref<16x80xi32, #tpu.memory_space<hbm>>
        tpu.enqueue_dma source(%dma_start3A_194 : memref<16x80xi32, #tpu.memory_space<hbm>>) target(%dma_start3A_188 : memref<16x80xi32, #tpu.memory_space<vmem>>) target_semaphore(%run_scoped3A : memref<!tpu.dma_semaphore, #tpu.memory_space<semaphore_mem>>)
        %dma_wait3A_195 = arith.constant 0 : i32
        %dma_wait3A_196 = arith.constant 0 : i32
        %dma_wait3A_197 = tpu.memref_slice %arg10[%dma_wait3A_195, %dma_wait3A_196] : memref<16x80xi32, #tpu.memory_space<vmem>> -> memref<16x80xi32, #tpu.memory_space<vmem>>
        %dma_wait3A_198 = arith.constant 0 : i32
        %dma_wait3A_199 = arith.constant 0 : i32
        %dma_wait3A_200 = tpu.memref_slice %arg4[%arg1, %dma_wait3A_198, %dma_wait3A_199] : memref<16x125x80xi32, #tpu.memory_space<hbm>> -> memref<1x125x80xi32, #tpu.memory_space<hbm>>
        %dma_wait3A_201 = tpu.memref_squeeze %dma_wait3A_200 : memref<1x125x80xi32, #tpu.memory_space<hbm>> -> memref<125x80xi32, #tpu.memory_space<hbm>>
        %dma_wait3A_202 = arith.constant 0 : i32
        %dma_wait3A_203 = tpu.memref_slice %dma_wait3A_201[%mul3A_132, %dma_wait3A_202] : memref<125x80xi32, #tpu.memory_space<hbm>> -> memref<16x80xi32, #tpu.memory_space<hbm>>
        %dma_wait3A_204 = arith.constant 0 : i32
        %dma_wait3A_205 = arith.constant 0 : i32
        %dma_wait3A_206 = tpu.memref_slice %arg10[%dma_wait3A_204, %dma_wait3A_205] : memref<16x80xi32, #tpu.memory_space<vmem>> -> memref<16x80xi32, #tpu.memory_space<vmem>>
        %dma_wait3A_207 = arith.constant 0 : i32
        %dma_wait3A_208 = arith.constant 0 : i32
        %dma_wait3A_209 = tpu.memref_slice %arg4[%arg1, %dma_wait3A_207, %dma_wait3A_208] : memref<16x125x80xi32, #tpu.memory_space<hbm>> -> memref<1x125x80xi32, #tpu.memory_space<hbm>>
        %dma_wait3A_210 = tpu.memref_squeeze %dma_wait3A_209 : memref<1x125x80xi32, #tpu.memory_space<hbm>> -> memref<125x80xi32, #tpu.memory_space<hbm>>
        %dma_wait3A_211 = arith.constant 0 : i32
        %dma_wait3A_212 = tpu.memref_slice %dma_wait3A_210[%mul3A_132, %dma_wait3A_211] : memref<125x80xi32, #tpu.memory_space<hbm>> -> memref<16x80xi32, #tpu.memory_space<hbm>>
        tpu.wait_dma2 semaphore(%run_scoped3A : memref<!tpu.dma_semaphore, #tpu.memory_space<semaphore_mem>>) src(%dma_wait3A_212 : memref<16x80xi32, #tpu.memory_space<hbm>>) dst(%dma_wait3A_206 : memref<16x80xi32, #tpu.memory_space<vmem>>)
        tpu.yield
      }) : () -> ()
      "tpu.region"() ({
        %run_scoped3A = tpu.sem_alloc : memref<!tpu.dma_semaphore, #tpu.memory_space<semaphore_mem>>
        %dma_start3A_177 = arith.constant 0 : i32
        %dma_start3A_178 = arith.constant 0 : i32
        %dma_start3A_179 = tpu.memref_slice %arg11[%dma_start3A_177, %dma_start3A_178] : memref<16x80xf32, #tpu.memory_space<vmem>> -> memref<16x80xf32, #tpu.memory_space<vmem>>
        %dma_start3A_180 = arith.constant 0 : i32
        %dma_start3A_181 = arith.constant 0 : i32
        %dma_start3A_182 = tpu.memref_slice %arg5[%arg1, %dma_start3A_180, %dma_start3A_181] : memref<16x125x80xf32, #tpu.memory_space<hbm>> -> memref<1x125x80xf32, #tpu.memory_space<hbm>>
        %dma_start3A_183 = tpu.memref_squeeze %dma_start3A_182 : memref<1x125x80xf32, #tpu.memory_space<hbm>> -> memref<125x80xf32, #tpu.memory_space<hbm>>
        %dma_start3A_184 = arith.constant 0 : i32
        %dma_start3A_185 = tpu.memref_slice %dma_start3A_183[%mul3A_132, %dma_start3A_184] : memref<125x80xf32, #tpu.memory_space<hbm>> -> memref<16x80xf32, #tpu.memory_space<hbm>>
        %dma_start3A_186 = arith.constant 0 : i32
        %dma_start3A_187 = arith.constant 0 : i32
        %dma_start3A_188 = tpu.memref_slice %arg11[%dma_start3A_186, %dma_start3A_187] : memref<16x80xf32, #tpu.memory_space<vmem>> -> memref<16x80xf32, #tpu.memory_space<vmem>>
        %dma_start3A_189 = arith.constant 0 : i32
        %dma_start3A_190 = arith.constant 0 : i32
        %dma_start3A_191 = tpu.memref_slice %arg5[%arg1, %dma_start3A_189, %dma_start3A_190] : memref<16x125x80xf32, #tpu.memory_space<hbm>> -> memref<1x125x80xf32, #tpu.memory_space<hbm>>
        %dma_start3A_192 = tpu.memref_squeeze %dma_start3A_191 : memref<1x125x80xf32, #tpu.memory_space<hbm>> -> memref<125x80xf32, #tpu.memory_space<hbm>>
        %dma_start3A_193 = arith.constant 0 : i32
        %dma_start3A_194 = tpu.memref_slice %dma_start3A_192[%mul3A_132, %dma_start3A_193] : memref<125x80xf32, #tpu.memory_space<hbm>> -> memref<16x80xf32, #tpu.memory_space<hbm>>
        tpu.enqueue_dma source(%dma_start3A_194 : memref<16x80xf32, #tpu.memory_space<hbm>>) target(%dma_start3A_188 : memref<16x80xf32, #tpu.memory_space<vmem>>) target_semaphore(%run_scoped3A : memref<!tpu.dma_semaphore, #tpu.memory_space<semaphore_mem>>)
        %dma_wait3A_195 = arith.constant 0 : i32
        %dma_wait3A_196 = arith.constant 0 : i32
        %dma_wait3A_197 = tpu.memref_slice %arg11[%dma_wait3A_195, %dma_wait3A_196] : memref<16x80xf32, #tpu.memory_space<vmem>> -> memref<16x80xf32, #tpu.memory_space<vmem>>
        %dma_wait3A_198 = arith.constant 0 : i32
        %dma_wait3A_199 = arith.constant 0 : i32
        %dma_wait3A_200 = tpu.memref_slice %arg5[%arg1, %dma_wait3A_198, %dma_wait3A_199] : memref<16x125x80xf32, #tpu.memory_space<hbm>> -> memref<1x125x80xf32, #tpu.memory_space<hbm>>
        %dma_wait3A_201 = tpu.memref_squeeze %dma_wait3A_200 : memref<1x125x80xf32, #tpu.memory_space<hbm>> -> memref<125x80xf32, #tpu.memory_space<hbm>>
        %dma_wait3A_202 = arith.constant 0 : i32
        %dma_wait3A_203 = tpu.memref_slice %dma_wait3A_201[%mul3A_132, %dma_wait3A_202] : memref<125x80xf32, #tpu.memory_space<hbm>> -> memref<16x80xf32, #tpu.memory_space<hbm>>
        %dma_wait3A_204 = arith.constant 0 : i32
        %dma_wait3A_205 = arith.constant 0 : i32
        %dma_wait3A_206 = tpu.memref_slice %arg11[%dma_wait3A_204, %dma_wait3A_205] : memref<16x80xf32, #tpu.memory_space<vmem>> -> memref<16x80xf32, #tpu.memory_space<vmem>>
        %dma_wait3A_207 = arith.constant 0 : i32
        %dma_wait3A_208 = arith.constant 0 : i32
        %dma_wait3A_209 = tpu.memref_slice %arg5[%arg1, %dma_wait3A_207, %dma_wait3A_208] : memref<16x125x80xf32, #tpu.memory_space<hbm>> -> memref<1x125x80xf32, #tpu.memory_space<hbm>>
        %dma_wait3A_210 = tpu.memref_squeeze %dma_wait3A_209 : memref<1x125x80xf32, #tpu.memory_space<hbm>> -> memref<125x80xf32, #tpu.memory_space<hbm>>
        %dma_wait3A_211 = arith.constant 0 : i32
        %dma_wait3A_212 = tpu.memref_slice %dma_wait3A_210[%mul3A_132, %dma_wait3A_211] : memref<125x80xf32, #tpu.memory_space<hbm>> -> memref<16x80xf32, #tpu.memory_space<hbm>>
        tpu.wait_dma2 semaphore(%run_scoped3A : memref<!tpu.dma_semaphore, #tpu.memory_space<semaphore_mem>>) src(%dma_wait3A_212 : memref<16x80xf32, #tpu.memory_space<hbm>>) dst(%dma_wait3A_206 : memref<16x80xf32, #tpu.memory_space<vmem>>)
        tpu.yield
      }) : () -> ()
      %dma_start3A_133 = arith.constant 0 : i32
      %dma_start3A_134 = arith.constant 0 : i32
      %dma_start3A_135 = tpu.memref_slice %arg9[%dma_start3A_133, %dma_start3A_134] : memref<16x80xi32, #tpu.memory_space<vmem>> -> memref<1x80xi32, #tpu.memory_space<vmem>>
      %dma_start3A_136 = tpu.memref_squeeze %dma_start3A_135 : memref<1x80xi32, #tpu.memory_space<vmem>> -> memref<80xi32, #tpu.memory_space<vmem>>
      %dma_start3A_137 = arith.constant 0 : i32
      %dma_start3A_138 = arith.constant 0 : i32
      %dma_start3A_139 = tpu.memref_slice %arg2[%arg0, %dma_start3A_137, %dma_start3A_138] : memref<2x10000x128xf32, #tpu.memory_space<hbm>> -> memref<1x10000x128xf32, #tpu.memory_space<hbm>>
      %dma_start3A_140 = tpu.memref_squeeze %dma_start3A_139 : memref<1x10000x128xf32, #tpu.memory_space<hbm>> -> memref<10000x128xf32, #tpu.memory_space<hbm>>
      %dma_start3A_141 = arith.constant 0 : i32
      %dma_start3A_142 = arith.constant 0 : i32
      %dma_start3A_143 = tpu.memref_slice %dma_start3A_140[%dma_start3A_141, %dma_start3A_142] : memref<10000x128xf32, #tpu.memory_space<hbm>> -> memref<10000x128xf32, #tpu.memory_space<hbm>>
      tpu.enqueue_indirect_dma source(%dma_start3A_143 : memref<10000x128xf32, #tpu.memory_space<hbm>>) target(%arg12 : memref<80x128xf32, #tpu.memory_space<vmem>>) offsets(%dma_start3A_136 : memref<80xi32, #tpu.memory_space<vmem>>) semaphore(%arg17 : memref<!tpu.dma_semaphore, #tpu.memory_space<semaphore_mem>>)
      %dma_start3A_144 = arith.constant 1 : i32
      %dma_start3A_145 = arith.constant 0 : i32
      %dma_start3A_146 = tpu.memref_slice %arg9[%dma_start3A_144, %dma_start3A_145] : memref<16x80xi32, #tpu.memory_space<vmem>> -> memref<1x80xi32, #tpu.memory_space<vmem>>
      %dma_start3A_147 = tpu.memref_squeeze %dma_start3A_146 : memref<1x80xi32, #tpu.memory_space<vmem>> -> memref<80xi32, #tpu.memory_space<vmem>>
      %dma_start3A_148 = arith.constant 0 : i32
      %dma_start3A_149 = arith.constant 0 : i32
      %dma_start3A_150 = tpu.memref_slice %arg2[%arg0, %dma_start3A_148, %dma_start3A_149] : memref<2x10000x128xf32, #tpu.memory_space<hbm>> -> memref<1x10000x128xf32, #tpu.memory_space<hbm>>
      %dma_start3A_151 = tpu.memref_squeeze %dma_start3A_150 : memref<1x10000x128xf32, #tpu.memory_space<hbm>> -> memref<10000x128xf32, #tpu.memory_space<hbm>>
      %dma_start3A_152 = arith.constant 0 : i32
      %dma_start3A_153 = arith.constant 0 : i32
      %dma_start3A_154 = tpu.memref_slice %dma_start3A_151[%dma_start3A_152, %dma_start3A_153] : memref<10000x128xf32, #tpu.memory_space<hbm>> -> memref<10000x128xf32, #tpu.memory_space<hbm>>
      tpu.enqueue_indirect_dma source(%dma_start3A_154 : memref<10000x128xf32, #tpu.memory_space<hbm>>) target(%arg13 : memref<80x128xf32, #tpu.memory_space<vmem>>) offsets(%dma_start3A_147 : memref<80xi32, #tpu.memory_space<vmem>>) semaphore(%arg18 : memref<!tpu.dma_semaphore, #tpu.memory_space<semaphore_mem>>)
      %scan3A_155 = arith.constant 0 : i32
      %scan3A_156 = arith.constant 0 : i32
      %scan3A_157 = arith.constant 8 : i32
      %scan3A_158 = arith.addi %scan3A_156, %scan3A_157 : i32
      %scan3A_159 = arith.constant 1 : i32
      %scan3A_160 = scf.for %scan3A_177 = %scan3A_156 to %scan3A_158 step %scan3A_159 iter_args(%scan3A_178 = %scan3A_155) -> (i32)  : i32 {
        %mul3A_179 = arith.constant 2 : i32
        %mul3A_180 = arith.muli %mul3A_179, %scan3A_177 : i32
        %dma_wait3A_181 = arith.constant 0 : i32
        %dma_wait3A_182 = tpu.memref_slice %arg9[%mul3A_180, %dma_wait3A_181] : memref<16x80xi32, #tpu.memory_space<vmem>> -> memref<1x80xi32, #tpu.memory_space<vmem>>
        %dma_wait3A_183 = tpu.memref_squeeze %dma_wait3A_182 : memref<1x80xi32, #tpu.memory_space<vmem>> -> memref<80xi32, #tpu.memory_space<vmem>>
        %dma_wait3A_184 = arith.constant 0 : i32
        %dma_wait3A_185 = arith.constant 0 : i32
        %dma_wait3A_186 = tpu.memref_slice %arg2[%arg0, %dma_wait3A_184, %dma_wait3A_185] : memref<2x10000x128xf32, #tpu.memory_space<hbm>> -> memref<1x10000x128xf32, #tpu.memory_space<hbm>>
        %dma_wait3A_187 = tpu.memref_squeeze %dma_wait3A_186 : memref<1x10000x128xf32, #tpu.memory_space<hbm>> -> memref<10000x128xf32, #tpu.memory_space<hbm>>
        %dma_wait3A_188 = arith.constant 0 : i32
        %dma_wait3A_189 = arith.constant 0 : i32
        %dma_wait3A_190 = tpu.memref_slice %dma_wait3A_187[%dma_wait3A_188, %dma_wait3A_189] : memref<10000x128xf32, #tpu.memory_space<hbm>> -> memref<10000x128xf32, #tpu.memory_space<hbm>>
        tpu.wait_indirect_dma semaphore(%arg17 : memref<!tpu.dma_semaphore, #tpu.memory_space<semaphore_mem>>) src(%dma_wait3A_190 : memref<10000x128xf32, #tpu.memory_space<hbm>>) dst(%arg12 : memref<80x128xf32, #tpu.memory_space<vmem>>)
        %ge3A = arith.constant 2 : i32
        %ge3A_191 = arith.cmpi sge, %mul3A_180, %ge3A : i32
        %convert_element_type3A_192 = arith.extui %ge3A_191 : i1 to i32
        %cond3A_193 = arith.constant 0 : i32
        %cond3A_194 = arith.cmpi ne, %convert_element_type3A_192, %cond3A_193 : i32
        scf.if %cond3A_194 {
          %dma_wait3A_248 = arith.constant 0 : i32
          %dma_wait3A_249 = arith.constant 0 : i32
          %dma_wait3A_250 = tpu.memref_slice %arg10[%dma_wait3A_248, %dma_wait3A_249] : memref<16x80xi32, #tpu.memory_space<vmem>> -> memref<1x80xi32, #tpu.memory_space<vmem>>
          %dma_wait3A_251 = tpu.memref_squeeze %dma_wait3A_250 : memref<1x80xi32, #tpu.memory_space<vmem>> -> memref<80xi32, #tpu.memory_space<vmem>>
          %dma_wait3A_252 = arith.constant 0 : i32
          %dma_wait3A_253 = arith.constant 0 : i32
          %dma_wait3A_254 = tpu.memref_slice %arg8[%dma_wait3A_252, %dma_wait3A_253] : memref<10240x128xf32, #tpu.memory_space<vmem_shared>> -> memref<10240x128xf32, #tpu.memory_space<vmem_shared>>
          tpu.wait_indirect_dma semaphore(%arg19 : memref<!tpu.dma_semaphore, #tpu.memory_space<semaphore_mem>>) src(%arg14 : memref<80x128xf32, #tpu.memory_space<vmem>>) dst(%dma_wait3A_254 : memref<10240x128xf32, #tpu.memory_space<vmem_shared>>)
        } else {
        }
        %broadcast_in_dim3A_195 = vector.broadcast %mul3A_180 : i32 to vector<16xi32>
        %parallel_loop3A_196 = arith.constant 0 : i32
        %parallel_loop3A_197 = arith.constant 80 : i32
        %parallel_loop3A_198 = arith.constant 1 : i32
        scf.for %parallel_loop3A_248 = %parallel_loop3A_196 to %parallel_loop3A_197 step %parallel_loop3A_198  : i32 {
          %parallel_loop3A_249 = vector.broadcast %parallel_loop3A_248 : i32 to vector<16xi32>
          %parallel_loop3A_250 = tpu.vector_load_idx %arg11[%broadcast_in_dim3A_195, %parallel_loop3A_249] : memref<16x80xf32, #tpu.memory_space<vmem>>[vector<16xi32>, vector<16xi32>], vector<16xf32>,
          %parallel_loop3A_251 = arith.index_cast %parallel_loop3A_248 : i32 to index
          %parallel_loop3A_252 = arith.constant 0 : index
          %parallel_loop3A_253 = tpu.vector_load %arg12[%parallel_loop3A_251, %parallel_loop3A_252] {strides = array<i32>} : memref<80x128xf32, #tpu.memory_space<vmem>>, vector<16xf32>,
          %parallel_loop3A_254 = arith.mulf %parallel_loop3A_253, %parallel_loop3A_250 : vector<16xf32>
          %parallel_loop3A_255 = arith.index_cast %parallel_loop3A_248 : i32 to index
          %parallel_loop3A_256 = arith.constant 0 : index
          %parallel_loop3A_257 = tpu.vector_load %arg14[%parallel_loop3A_255, %parallel_loop3A_256] {strides = array<i32>} : memref<80x128xf32, #tpu.memory_space<vmem>>, vector<16xf32>,
          tpu.vector_store %arg14[%parallel_loop3A_255, %parallel_loop3A_256], %parallel_loop3A_254 {strides = array<i32>} : memref<80x128xf32, #tpu.memory_space<vmem>>, vector<16xf32>,
          %parallel_loop3A_258 = arith.index_cast %parallel_loop3A_248 : i32 to index
          %parallel_loop3A_259 = arith.constant 16 : index
          %parallel_loop3A_260 = tpu.vector_load %arg12[%parallel_loop3A_258, %parallel_loop3A_259] {strides = array<i32>} : memref<80x128xf32, #tpu.memory_space<vmem>>, vector<16xf32>,
          %parallel_loop3A_261 = arith.mulf %parallel_loop3A_260, %parallel_loop3A_250 : vector<16xf32>
          %parallel_loop3A_262 = arith.index_cast %parallel_loop3A_248 : i32 to index
          %parallel_loop3A_263 = arith.constant 16 : index
          %parallel_loop3A_264 = tpu.vector_load %arg14[%parallel_loop3A_262, %parallel_loop3A_263] {strides = array<i32>} : memref<80x128xf32, #tpu.memory_space<vmem>>, vector<16xf32>,
          tpu.vector_store %arg14[%parallel_loop3A_262, %parallel_loop3A_263], %parallel_loop3A_261 {strides = array<i32>} : memref<80x128xf32, #tpu.memory_space<vmem>>, vector<16xf32>,
          %parallel_loop3A_265 = arith.index_cast %parallel_loop3A_248 : i32 to index
          %parallel_loop3A_266 = arith.constant 32 : index
          %parallel_loop3A_267 = tpu.vector_load %arg12[%parallel_loop3A_265, %parallel_loop3A_266] {strides = array<i32>} : memref<80x128xf32, #tpu.memory_space<vmem>>, vector<16xf32>,
          %parallel_loop3A_268 = arith.mulf %parallel_loop3A_267, %parallel_loop3A_250 : vector<16xf32>
          %parallel_loop3A_269 = arith.index_cast %parallel_loop3A_248 : i32 to index
          %parallel_loop3A_270 = arith.constant 32 : index
          %parallel_loop3A_271 = tpu.vector_load %arg14[%parallel_loop3A_269, %parallel_loop3A_270] {strides = array<i32>} : memref<80x128xf32, #tpu.memory_space<vmem>>, vector<16xf32>,
          tpu.vector_store %arg14[%parallel_loop3A_269, %parallel_loop3A_270], %parallel_loop3A_268 {strides = array<i32>} : memref<80x128xf32, #tpu.memory_space<vmem>>, vector<16xf32>,
          %parallel_loop3A_272 = arith.index_cast %parallel_loop3A_248 : i32 to index
          %parallel_loop3A_273 = arith.constant 48 : index
          %parallel_loop3A_274 = tpu.vector_load %arg12[%parallel_loop3A_272, %parallel_loop3A_273] {strides = array<i32>} : memref<80x128xf32, #tpu.memory_space<vmem>>, vector<16xf32>,
          %parallel_loop3A_275 = arith.mulf %parallel_loop3A_274, %parallel_loop3A_250 : vector<16xf32>
          %parallel_loop3A_276 = arith.index_cast %parallel_loop3A_248 : i32 to index
          %parallel_loop3A_277 = arith.constant 48 : index
          %parallel_loop3A_278 = tpu.vector_load %arg14[%parallel_loop3A_276, %parallel_loop3A_277] {strides = array<i32>} : memref<80x128xf32, #tpu.memory_space<vmem>>, vector<16xf32>,
          tpu.vector_store %arg14[%parallel_loop3A_276, %parallel_loop3A_277], %parallel_loop3A_275 {strides = array<i32>} : memref<80x128xf32, #tpu.memory_space<vmem>>, vector<16xf32>,
          %parallel_loop3A_279 = arith.index_cast %parallel_loop3A_248 : i32 to index
          %parallel_loop3A_280 = arith.constant 64 : index
          %parallel_loop3A_281 = tpu.vector_load %arg12[%parallel_loop3A_279, %parallel_loop3A_280] {strides = array<i32>} : memref<80x128xf32, #tpu.memory_space<vmem>>, vector<16xf32>,
          %parallel_loop3A_282 = arith.mulf %parallel_loop3A_281, %parallel_loop3A_250 : vector<16xf32>
          %parallel_loop3A_283 = arith.index_cast %parallel_loop3A_248 : i32 to index
          %parallel_loop3A_284 = arith.constant 64 : index
          %parallel_loop3A_285 = tpu.vector_load %arg14[%parallel_loop3A_283, %parallel_loop3A_284] {strides = array<i32>} : memref<80x128xf32, #tpu.memory_space<vmem>>, vector<16xf32>,
          tpu.vector_store %arg14[%parallel_loop3A_283, %parallel_loop3A_284], %parallel_loop3A_282 {strides = array<i32>} : memref<80x128xf32, #tpu.memory_space<vmem>>, vector<16xf32>,
          %parallel_loop3A_286 = arith.index_cast %parallel_loop3A_248 : i32 to index
          %parallel_loop3A_287 = arith.constant 80 : index
          %parallel_loop3A_288 = tpu.vector_load %arg12[%parallel_loop3A_286, %parallel_loop3A_287] {strides = array<i32>} : memref<80x128xf32, #tpu.memory_space<vmem>>, vector<16xf32>,
          %parallel_loop3A_289 = arith.mulf %parallel_loop3A_288, %parallel_loop3A_250 : vector<16xf32>
          %parallel_loop3A_290 = arith.index_cast %parallel_loop3A_248 : i32 to index
          %parallel_loop3A_291 = arith.constant 80 : index
          %parallel_loop3A_292 = tpu.vector_load %arg14[%parallel_loop3A_290, %parallel_loop3A_291] {strides = array<i32>} : memref<80x128xf32, #tpu.memory_space<vmem>>, vector<16xf32>,
          tpu.vector_store %arg14[%parallel_loop3A_290, %parallel_loop3A_291], %parallel_loop3A_289 {strides = array<i32>} : memref<80x128xf32, #tpu.memory_space<vmem>>, vector<16xf32>,
          %parallel_loop3A_293 = arith.index_cast %parallel_loop3A_248 : i32 to index
          %parallel_loop3A_294 = arith.constant 96 : index
          %parallel_loop3A_295 = tpu.vector_load %arg12[%parallel_loop3A_293, %parallel_loop3A_294] {strides = array<i32>} : memref<80x128xf32, #tpu.memory_space<vmem>>, vector<16xf32>,
          %parallel_loop3A_296 = arith.mulf %parallel_loop3A_295, %parallel_loop3A_250 : vector<16xf32>
          %parallel_loop3A_297 = arith.index_cast %parallel_loop3A_248 : i32 to index
          %parallel_loop3A_298 = arith.constant 96 : index
          %parallel_loop3A_299 = tpu.vector_load %arg14[%parallel_loop3A_297, %parallel_loop3A_298] {strides = array<i32>} : memref<80x128xf32, #tpu.memory_space<vmem>>, vector<16xf32>,
          tpu.vector_store %arg14[%parallel_loop3A_297, %parallel_loop3A_298], %parallel_loop3A_296 {strides = array<i32>} : memref<80x128xf32, #tpu.memory_space<vmem>>, vector<16xf32>,
          %parallel_loop3A_300 = arith.index_cast %parallel_loop3A_248 : i32 to index
          %parallel_loop3A_301 = arith.constant 112 : index
          %parallel_loop3A_302 = tpu.vector_load %arg12[%parallel_loop3A_300, %parallel_loop3A_301] {strides = array<i32>} : memref<80x128xf32, #tpu.memory_space<vmem>>, vector<16xf32>,
          %parallel_loop3A_303 = arith.mulf %parallel_loop3A_302, %parallel_loop3A_250 : vector<16xf32>
          %parallel_loop3A_304 = arith.index_cast %parallel_loop3A_248 : i32 to index
          %parallel_loop3A_305 = arith.constant 112 : index
          %parallel_loop3A_306 = tpu.vector_load %arg14[%parallel_loop3A_304, %parallel_loop3A_305] {strides = array<i32>} : memref<80x128xf32, #tpu.memory_space<vmem>>, vector<16xf32>,
          tpu.vector_store %arg14[%parallel_loop3A_304, %parallel_loop3A_305], %parallel_loop3A_303 {strides = array<i32>} : memref<80x128xf32, #tpu.memory_space<vmem>>, vector<16xf32>,
        } {sc.loop_unroll_factor = 16 : i64, sc.parallel_access}
        %add3A_199 = arith.constant 2 : i32
        %add3A_200 = arith.addi %mul3A_180, %add3A_199 : i32
        %lt3A = arith.constant 16 : i32
        %lt3A_201 = arith.cmpi slt, %add3A_200, %lt3A : i32
        %convert_element_type3A_202 = arith.extui %lt3A_201 : i1 to i32
        %cond3A_203 = arith.constant 0 : i32
        %cond3A_204 = arith.cmpi ne, %convert_element_type3A_202, %cond3A_203 : i32
        scf.if %cond3A_204 {
          %add3A_248 = arith.constant 2 : i32
          %add3A_249 = arith.addi %mul3A_180, %add3A_248 : i32
          %dma_start3A_250 = arith.constant 0 : i32
          %dma_start3A_251 = tpu.memref_slice %arg9[%add3A_249, %dma_start3A_250] : memref<16x80xi32, #tpu.memory_space<vmem>> -> memref<1x80xi32, #tpu.memory_space<vmem>>
          %dma_start3A_252 = tpu.memref_squeeze %dma_start3A_251 : memref<1x80xi32, #tpu.memory_space<vmem>> -> memref<80xi32, #tpu.memory_space<vmem>>
          %dma_start3A_253 = arith.constant 0 : i32
          %dma_start3A_254 = arith.constant 0 : i32
          %dma_start3A_255 = tpu.memref_slice %arg2[%arg0, %dma_start3A_253, %dma_start3A_254] : memref<2x10000x128xf32, #tpu.memory_space<hbm>> -> memref<1x10000x128xf32, #tpu.memory_space<hbm>>
          %dma_start3A_256 = tpu.memref_squeeze %dma_start3A_255 : memref<1x10000x128xf32, #tpu.memory_space<hbm>> -> memref<10000x128xf32, #tpu.memory_space<hbm>>
          %dma_start3A_257 = arith.constant 0 : i32
          %dma_start3A_258 = arith.constant 0 : i32
          %dma_start3A_259 = tpu.memref_slice %dma_start3A_256[%dma_start3A_257, %dma_start3A_258] : memref<10000x128xf32, #tpu.memory_space<hbm>> -> memref<10000x128xf32, #tpu.memory_space<hbm>>
          tpu.enqueue_indirect_dma source(%dma_start3A_259 : memref<10000x128xf32, #tpu.memory_space<hbm>>) target(%arg12 : memref<80x128xf32, #tpu.memory_space<vmem>>) offsets(%dma_start3A_252 : memref<80xi32, #tpu.memory_space<vmem>>) semaphore(%arg17 : memref<!tpu.dma_semaphore, #tpu.memory_space<semaphore_mem>>)
        } else {
        }
        %dma_start3A_205 = arith.constant 0 : i32
        %dma_start3A_206 = tpu.memref_slice %arg10[%mul3A_180, %dma_start3A_205] : memref<16x80xi32, #tpu.memory_space<vmem>> -> memref<1x80xi32, #tpu.memory_space<vmem>>
        %dma_start3A_207 = tpu.memref_squeeze %dma_start3A_206 : memref<1x80xi32, #tpu.memory_space<vmem>> -> memref<80xi32, #tpu.memory_space<vmem>>
        %dma_start3A_208 = arith.constant 0 : i32
        %dma_start3A_209 = arith.constant 0 : i32
        %dma_start3A_210 = tpu.memref_slice %arg8[%dma_start3A_208, %dma_start3A_209] : memref<10240x128xf32, #tpu.memory_space<vmem_shared>> -> memref<10240x128xf32, #tpu.memory_space<vmem_shared>>
        tpu.enqueue_indirect_dma source(%arg14 : memref<80x128xf32, #tpu.memory_space<vmem>>) target(%dma_start3A_210 : memref<10240x128xf32, #tpu.memory_space<vmem_shared>>) offsets(%dma_start3A_207 : memref<80xi32, #tpu.memory_space<vmem>>) semaphore(%arg19 : memref<!tpu.dma_semaphore, #tpu.memory_space<semaphore_mem>>) {add = true}
        %mul3A_211 = arith.constant 2 : i32
        %mul3A_212 = arith.muli %mul3A_211, %scan3A_177 : i32
        %add3A_213 = arith.constant 1 : i32
        %add3A_214 = arith.addi %mul3A_212, %add3A_213 : i32
        %dma_wait3A_215 = arith.constant 0 : i32
        %dma_wait3A_216 = tpu.memref_slice %arg9[%add3A_214, %dma_wait3A_215] : memref<16x80xi32, #tpu.memory_space<vmem>> -> memref<1x80xi32, #tpu.memory_space<vmem>>
        %dma_wait3A_217 = tpu.memref_squeeze %dma_wait3A_216 : memref<1x80xi32, #tpu.memory_space<vmem>> -> memref<80xi32, #tpu.memory_space<vmem>>
        %dma_wait3A_218 = arith.constant 0 : i32
        %dma_wait3A_219 = arith.constant 0 : i32
        %dma_wait3A_220 = tpu.memref_slice %arg2[%arg0, %dma_wait3A_218, %dma_wait3A_219] : memref<2x10000x128xf32, #tpu.memory_space<hbm>> -> memref<1x10000x128xf32, #tpu.memory_space<hbm>>
        %dma_wait3A_221 = tpu.memref_squeeze %dma_wait3A_220 : memref<1x10000x128xf32, #tpu.memory_space<hbm>> -> memref<10000x128xf32, #tpu.memory_space<hbm>>
        %dma_wait3A_222 = arith.constant 0 : i32
        %dma_wait3A_223 = arith.constant 0 : i32
        %dma_wait3A_224 = tpu.memref_slice %dma_wait3A_221[%dma_wait3A_222, %dma_wait3A_223] : memref<10000x128xf32, #tpu.memory_space<hbm>> -> memref<10000x128xf32, #tpu.memory_space<hbm>>
        tpu.wait_indirect_dma semaphore(%arg18 : memref<!tpu.dma_semaphore, #tpu.memory_space<semaphore_mem>>) src(%dma_wait3A_224 : memref<10000x128xf32, #tpu.memory_space<hbm>>) dst(%arg13 : memref<80x128xf32, #tpu.memory_space<vmem>>)
        %ge3A_225 = arith.constant 2 : i32
        %ge3A_226 = arith.cmpi sge, %add3A_214, %ge3A_225 : i32
        %convert_element_type3A_227 = arith.extui %ge3A_226 : i1 to i32
        %cond3A_228 = arith.constant 0 : i32
        %cond3A_229 = arith.cmpi ne, %convert_element_type3A_227, %cond3A_228 : i32
        scf.if %cond3A_229 {
          %dma_wait3A_248 = arith.constant 0 : i32
          %dma_wait3A_249 = arith.constant 0 : i32
          %dma_wait3A_250 = tpu.memref_slice %arg10[%dma_wait3A_248, %dma_wait3A_249] : memref<16x80xi32, #tpu.memory_space<vmem>> -> memref<1x80xi32, #tpu.memory_space<vmem>>
          %dma_wait3A_251 = tpu.memref_squeeze %dma_wait3A_250 : memref<1x80xi32, #tpu.memory_space<vmem>> -> memref<80xi32, #tpu.memory_space<vmem>>
          %dma_wait3A_252 = arith.constant 0 : i32
          %dma_wait3A_253 = arith.constant 0 : i32
          %dma_wait3A_254 = tpu.memref_slice %arg8[%dma_wait3A_252, %dma_wait3A_253] : memref<10240x128xf32, #tpu.memory_space<vmem_shared>> -> memref<10240x128xf32, #tpu.memory_space<vmem_shared>>
          tpu.wait_indirect_dma semaphore(%arg20 : memref<!tpu.dma_semaphore, #tpu.memory_space<semaphore_mem>>) src(%arg15 : memref<80x128xf32, #tpu.memory_space<vmem>>) dst(%dma_wait3A_254 : memref<10240x128xf32, #tpu.memory_space<vmem_shared>>)
        } else {
        }
        %broadcast_in_dim3A_230 = vector.broadcast %add3A_214 : i32 to vector<16xi32>
        %parallel_loop3A_231 = arith.constant 0 : i32
        %parallel_loop3A_232 = arith.constant 80 : i32
        %parallel_loop3A_233 = arith.constant 1 : i32
        scf.for %parallel_loop3A_248 = %parallel_loop3A_231 to %parallel_loop3A_232 step %parallel_loop3A_233  : i32 {
          %parallel_loop3A_249 = vector.broadcast %parallel_loop3A_248 : i32 to vector<16xi32>
          %parallel_loop3A_250 = tpu.vector_load_idx %arg11[%broadcast_in_dim3A_230, %parallel_loop3A_249] : memref<16x80xf32, #tpu.memory_space<vmem>>[vector<16xi32>, vector<16xi32>], vector<16xf32>,
          %parallel_loop3A_251 = arith.index_cast %parallel_loop3A_248 : i32 to index
          %parallel_loop3A_252 = arith.constant 0 : index
          %parallel_loop3A_253 = tpu.vector_load %arg13[%parallel_loop3A_251, %parallel_loop3A_252] {strides = array<i32>} : memref<80x128xf32, #tpu.memory_space<vmem>>, vector<16xf32>,
          %parallel_loop3A_254 = arith.mulf %parallel_loop3A_253, %parallel_loop3A_250 : vector<16xf32>
          %parallel_loop3A_255 = arith.index_cast %parallel_loop3A_248 : i32 to index
          %parallel_loop3A_256 = arith.constant 0 : index
          %parallel_loop3A_257 = tpu.vector_load %arg15[%parallel_loop3A_255, %parallel_loop3A_256] {strides = array<i32>} : memref<80x128xf32, #tpu.memory_space<vmem>>, vector<16xf32>,
          tpu.vector_store %arg15[%parallel_loop3A_255, %parallel_loop3A_256], %parallel_loop3A_254 {strides = array<i32>} : memref<80x128xf32, #tpu.memory_space<vmem>>, vector<16xf32>,
          %parallel_loop3A_258 = arith.index_cast %parallel_loop3A_248 : i32 to index
          %parallel_loop3A_259 = arith.constant 16 : index
          %parallel_loop3A_260 = tpu.vector_load %arg13[%parallel_loop3A_258, %parallel_loop3A_259] {strides = array<i32>} : memref<80x128xf32, #tpu.memory_space<vmem>>, vector<16xf32>,
          %parallel_loop3A_261 = arith.mulf %parallel_loop3A_260, %parallel_loop3A_250 : vector<16xf32>
          %parallel_loop3A_262 = arith.index_cast %parallel_loop3A_248 : i32 to index
          %parallel_loop3A_263 = arith.constant 16 : index
          %parallel_loop3A_264 = tpu.vector_load %arg15[%parallel_loop3A_262, %parallel_loop3A_263] {strides = array<i32>} : memref<80x128xf32, #tpu.memory_space<vmem>>, vector<16xf32>,
          tpu.vector_store %arg15[%parallel_loop3A_262, %parallel_loop3A_263], %parallel_loop3A_261 {strides = array<i32>} : memref<80x128xf32, #tpu.memory_space<vmem>>, vector<16xf32>,
          %parallel_loop3A_265 = arith.index_cast %parallel_loop3A_248 : i32 to index
          %parallel_loop3A_266 = arith.constant 32 : index
          %parallel_loop3A_267 = tpu.vector_load %arg13[%parallel_loop3A_265, %parallel_loop3A_266] {strides = array<i32>} : memref<80x128xf32, #tpu.memory_space<vmem>>, vector<16xf32>,
          %parallel_loop3A_268 = arith.mulf %parallel_loop3A_267, %parallel_loop3A_250 : vector<16xf32>
          %parallel_loop3A_269 = arith.index_cast %parallel_loop3A_248 : i32 to index
          %parallel_loop3A_270 = arith.constant 32 : index
          %parallel_loop3A_271 = tpu.vector_load %arg15[%parallel_loop3A_269, %parallel_loop3A_270] {strides = array<i32>} : memref<80x128xf32, #tpu.memory_space<vmem>>, vector<16xf32>,
          tpu.vector_store %arg15[%parallel_loop3A_269, %parallel_loop3A_270], %parallel_loop3A_268 {strides = array<i32>} : memref<80x128xf32, #tpu.memory_space<vmem>>, vector<16xf32>,
          %parallel_loop3A_272 = arith.index_cast %parallel_loop3A_248 : i32 to index
          %parallel_loop3A_273 = arith.constant 48 : index
          %parallel_loop3A_274 = tpu.vector_load %arg13[%parallel_loop3A_272, %parallel_loop3A_273] {strides = array<i32>} : memref<80x128xf32, #tpu.memory_space<vmem>>, vector<16xf32>,
          %parallel_loop3A_275 = arith.mulf %parallel_loop3A_274, %parallel_loop3A_250 : vector<16xf32>
          %parallel_loop3A_276 = arith.index_cast %parallel_loop3A_248 : i32 to index
          %parallel_loop3A_277 = arith.constant 48 : index
          %parallel_loop3A_278 = tpu.vector_load %arg15[%parallel_loop3A_276, %parallel_loop3A_277] {strides = array<i32>} : memref<80x128xf32, #tpu.memory_space<vmem>>, vector<16xf32>,
          tpu.vector_store %arg15[%parallel_loop3A_276, %parallel_loop3A_277], %parallel_loop3A_275 {strides = array<i32>} : memref<80x128xf32, #tpu.memory_space<vmem>>, vector<16xf32>,
          %parallel_loop3A_279 = arith.index_cast %parallel_loop3A_248 : i32 to index
          %parallel_loop3A_280 = arith.constant 64 : index
          %parallel_loop3A_281 = tpu.vector_load %arg13[%parallel_loop3A_279, %parallel_loop3A_280] {strides = array<i32>} : memref<80x128xf32, #tpu.memory_space<vmem>>, vector<16xf32>,
          %parallel_loop3A_282 = arith.mulf %parallel_loop3A_281, %parallel_loop3A_250 : vector<16xf32>
          %parallel_loop3A_283 = arith.index_cast %parallel_loop3A_248 : i32 to index
          %parallel_loop3A_284 = arith.constant 64 : index
          %parallel_loop3A_285 = tpu.vector_load %arg15[%parallel_loop3A_283, %parallel_loop3A_284] {strides = array<i32>} : memref<80x128xf32, #tpu.memory_space<vmem>>, vector<16xf32>,
          tpu.vector_store %arg15[%parallel_loop3A_283, %parallel_loop3A_284], %parallel_loop3A_282 {strides = array<i32>} : memref<80x128xf32, #tpu.memory_space<vmem>>, vector<16xf32>,
          %parallel_loop3A_286 = arith.index_cast %parallel_loop3A_248 : i32 to index
          %parallel_loop3A_287 = arith.constant 80 : index
          %parallel_loop3A_288 = tpu.vector_load %arg13[%parallel_loop3A_286, %parallel_loop3A_287] {strides = array<i32>} : memref<80x128xf32, #tpu.memory_space<vmem>>, vector<16xf32>,
          %parallel_loop3A_289 = arith.mulf %parallel_loop3A_288, %parallel_loop3A_250 : vector<16xf32>
          %parallel_loop3A_290 = arith.index_cast %parallel_loop3A_248 : i32 to index
          %parallel_loop3A_291 = arith.constant 80 : index
          %parallel_loop3A_292 = tpu.vector_load %arg15[%parallel_loop3A_290, %parallel_loop3A_291] {strides = array<i32>} : memref<80x128xf32, #tpu.memory_space<vmem>>, vector<16xf32>,
          tpu.vector_store %arg15[%parallel_loop3A_290, %parallel_loop3A_291], %parallel_loop3A_289 {strides = array<i32>} : memref<80x128xf32, #tpu.memory_space<vmem>>, vector<16xf32>,
          %parallel_loop3A_293 = arith.index_cast %parallel_loop3A_248 : i32 to index
          %parallel_loop3A_294 = arith.constant 96 : index
          %parallel_loop3A_295 = tpu.vector_load %arg13[%parallel_loop3A_293, %parallel_loop3A_294] {strides = array<i32>} : memref<80x128xf32, #tpu.memory_space<vmem>>, vector<16xf32>,
          %parallel_loop3A_296 = arith.mulf %parallel_loop3A_295, %parallel_loop3A_250 : vector<16xf32>
          %parallel_loop3A_297 = arith.index_cast %parallel_loop3A_248 : i32 to index
          %parallel_loop3A_298 = arith.constant 96 : index
          %parallel_loop3A_299 = tpu.vector_load %arg15[%parallel_loop3A_297, %parallel_loop3A_298] {strides = array<i32>} : memref<80x128xf32, #tpu.memory_space<vmem>>, vector<16xf32>,
          tpu.vector_store %arg15[%parallel_loop3A_297, %parallel_loop3A_298], %parallel_loop3A_296 {strides = array<i32>} : memref<80x128xf32, #tpu.memory_space<vmem>>, vector<16xf32>,
          %parallel_loop3A_300 = arith.index_cast %parallel_loop3A_248 : i32 to index
          %parallel_loop3A_301 = arith.constant 112 : index
          %parallel_loop3A_302 = tpu.vector_load %arg13[%parallel_loop3A_300, %parallel_loop3A_301] {strides = array<i32>} : memref<80x128xf32, #tpu.memory_space<vmem>>, vector<16xf32>,
          %parallel_loop3A_303 = arith.mulf %parallel_loop3A_302, %parallel_loop3A_250 : vector<16xf32>
          %parallel_loop3A_304 = arith.index_cast %parallel_loop3A_248 : i32 to index
          %parallel_loop3A_305 = arith.constant 112 : index
          %parallel_loop3A_306 = tpu.vector_load %arg15[%parallel_loop3A_304, %parallel_loop3A_305] {strides = array<i32>} : memref<80x128xf32, #tpu.memory_space<vmem>>, vector<16xf32>,
          tpu.vector_store %arg15[%parallel_loop3A_304, %parallel_loop3A_305], %parallel_loop3A_303 {strides = array<i32>} : memref<80x128xf32, #tpu.memory_space<vmem>>, vector<16xf32>,
        } {sc.loop_unroll_factor = 16 : i64, sc.parallel_access}
        %add3A_234 = arith.constant 2 : i32
        %add3A_235 = arith.addi %add3A_214, %add3A_234 : i32
        %lt3A_236 = arith.constant 16 : i32
        %lt3A_237 = arith.cmpi slt, %add3A_235, %lt3A_236 : i32
        %convert_element_type3A_238 = arith.extui %lt3A_237 : i1 to i32
        %cond3A_239 = arith.constant 0 : i32
        %cond3A_240 = arith.cmpi ne, %convert_element_type3A_238, %cond3A_239 : i32
        scf.if %cond3A_240 {
          %add3A_248 = arith.constant 2 : i32
          %add3A_249 = arith.addi %add3A_214, %add3A_248 : i32
          %dma_start3A_250 = arith.constant 0 : i32
          %dma_start3A_251 = tpu.memref_slice %arg9[%add3A_249, %dma_start3A_250] : memref<16x80xi32, #tpu.memory_space<vmem>> -> memref<1x80xi32, #tpu.memory_space<vmem>>
          %dma_start3A_252 = tpu.memref_squeeze %dma_start3A_251 : memref<1x80xi32, #tpu.memory_space<vmem>> -> memref<80xi32, #tpu.memory_space<vmem>>
          %dma_start3A_253 = arith.constant 0 : i32
          %dma_start3A_254 = arith.constant 0 : i32
          %dma_start3A_255 = tpu.memref_slice %arg2[%arg0, %dma_start3A_253, %dma_start3A_254] : memref<2x10000x128xf32, #tpu.memory_space<hbm>> -> memref<1x10000x128xf32, #tpu.memory_space<hbm>>
          %dma_start3A_256 = tpu.memref_squeeze %dma_start3A_255 : memref<1x10000x128xf32, #tpu.memory_space<hbm>> -> memref<10000x128xf32, #tpu.memory_space<hbm>>
          %dma_start3A_257 = arith.constant 0 : i32
          %dma_start3A_258 = arith.constant 0 : i32
          %dma_start3A_259 = tpu.memref_slice %dma_start3A_256[%dma_start3A_257, %dma_start3A_258] : memref<10000x128xf32, #tpu.memory_space<hbm>> -> memref<10000x128xf32, #tpu.memory_space<hbm>>
          tpu.enqueue_indirect_dma source(%dma_start3A_259 : memref<10000x128xf32, #tpu.memory_space<hbm>>) target(%arg13 : memref<80x128xf32, #tpu.memory_space<vmem>>) offsets(%dma_start3A_252 : memref<80xi32, #tpu.memory_space<vmem>>) semaphore(%arg18 : memref<!tpu.dma_semaphore, #tpu.memory_space<semaphore_mem>>)
        } else {
        }
        %dma_start3A_241 = arith.constant 0 : i32
        %dma_start3A_242 = tpu.memref_slice %arg10[%add3A_214, %dma_start3A_241] : memref<16x80xi32, #tpu.memory_space<vmem>> -> memref<1x80xi32, #tpu.memory_space<vmem>>
        %dma_start3A_243 = tpu.memref_squeeze %dma_start3A_242 : memref<1x80xi32, #tpu.memory_space<vmem>> -> memref<80xi32, #tpu.memory_space<vmem>>
        %dma_start3A_244 = arith.constant 0 : i32
        %dma_start3A_245 = arith.constant 0 : i32
        %dma_start3A_246 = tpu.memref_slice %arg8[%dma_start3A_244, %dma_start3A_245] : memref<10240x128xf32, #tpu.memory_space<vmem_shared>> -> memref<10240x128xf32, #tpu.memory_space<vmem_shared>>
        tpu.enqueue_indirect_dma source(%arg15 : memref<80x128xf32, #tpu.memory_space<vmem>>) target(%dma_start3A_246 : memref<10240x128xf32, #tpu.memory_space<vmem_shared>>) offsets(%dma_start3A_243 : memref<80xi32, #tpu.memory_space<vmem>>) semaphore(%arg20 : memref<!tpu.dma_semaphore, #tpu.memory_space<semaphore_mem>>) {add = true}
        %scan3A_247 = arith.constant 0 : i32
        scf.yield %scan3A_247 : i32
      }
      %scan3A_161 = arith.constant 8 : i32
      %dma_wait3A_162 = arith.constant 0 : i32
      %dma_wait3A_163 = arith.constant 0 : i32
      %dma_wait3A_164 = tpu.memref_slice %arg10[%dma_wait3A_162, %dma_wait3A_163] : memref<16x80xi32, #tpu.memory_space<vmem>> -> memref<1x80xi32, #tpu.memory_space<vmem>>
      %dma_wait3A_165 = tpu.memref_squeeze %dma_wait3A_164 : memref<1x80xi32, #tpu.memory_space<vmem>> -> memref<80xi32, #tpu.memory_space<vmem>>
      %dma_wait3A_166 = arith.constant 0 : i32
      %dma_wait3A_167 = arith.constant 0 : i32
      %dma_wait3A_168 = tpu.memref_slice %arg8[%dma_wait3A_166, %dma_wait3A_167] : memref<10240x128xf32, #tpu.memory_space<vmem_shared>> -> memref<10240x128xf32, #tpu.memory_space<vmem_shared>>
      tpu.wait_indirect_dma semaphore(%arg19 : memref<!tpu.dma_semaphore, #tpu.memory_space<semaphore_mem>>) src(%arg14 : memref<80x128xf32, #tpu.memory_space<vmem>>) dst(%dma_wait3A_168 : memref<10240x128xf32, #tpu.memory_space<vmem_shared>>)
      %dma_wait3A_169 = arith.constant 0 : i32
      %dma_wait3A_170 = arith.constant 0 : i32
      %dma_wait3A_171 = tpu.memref_slice %arg10[%dma_wait3A_169, %dma_wait3A_170] : memref<16x80xi32, #tpu.memory_space<vmem>> -> memref<1x80xi32, #tpu.memory_space<vmem>>
      %dma_wait3A_172 = tpu.memref_squeeze %dma_wait3A_171 : memref<1x80xi32, #tpu.memory_space<vmem>> -> memref<80xi32, #tpu.memory_space<vmem>>
      %dma_wait3A_173 = arith.constant 0 : i32
      %dma_wait3A_174 = arith.constant 0 : i32
      %dma_wait3A_175 = tpu.memref_slice %arg8[%dma_wait3A_173, %dma_wait3A_174] : memref<10240x128xf32, #tpu.memory_space<vmem_shared>> -> memref<10240x128xf32, #tpu.memory_space<vmem_shared>>
      tpu.wait_indirect_dma semaphore(%arg20 : memref<!tpu.dma_semaphore, #tpu.memory_space<semaphore_mem>>) src(%arg15 : memref<80x128xf32, #tpu.memory_space<vmem>>) dst(%dma_wait3A_175 : memref<10240x128xf32, #tpu.memory_space<vmem_shared>>)
      %scan3A_176 = arith.constant 0 : i32
      scf.yield %scan3A_176 : i32
    }
    %scan3A_44 = arith.constant 7 : i32
    "tpu.region"() ({
      %run_scoped3A = tpu.sem_alloc : memref<!tpu.dma_semaphore, #tpu.memory_space<semaphore_mem>>
      %dma_start3A_129 = arith.constant 0 : i32
      %dma_start3A_130 = arith.constant 0 : i32
      %dma_start3A_131 = tpu.memref_slice %arg9[%dma_start3A_129, %dma_start3A_130] : memref<16x80xi32, #tpu.memory_space<vmem>> -> memref<13x80xi32, #tpu.memory_space<vmem>>
      %dma_start3A_132 = arith.constant 0 : i32
      %dma_start3A_133 = arith.constant 0 : i32
      %dma_start3A_134 = tpu.memref_slice %arg3[%arg1, %dma_start3A_132, %dma_start3A_133] : memref<16x125x80xi32, #tpu.memory_space<hbm>> -> memref<1x125x80xi32, #tpu.memory_space<hbm>>
      %dma_start3A_135 = tpu.memref_squeeze %dma_start3A_134 : memref<1x125x80xi32, #tpu.memory_space<hbm>> -> memref<125x80xi32, #tpu.memory_space<hbm>>
      %dma_start3A_136 = arith.constant 112 : i32
      %dma_start3A_137 = arith.constant 0 : i32
      %dma_start3A_138 = tpu.memref_slice %dma_start3A_135[%dma_start3A_136, %dma_start3A_137] : memref<125x80xi32, #tpu.memory_space<hbm>> -> memref<13x80xi32, #tpu.memory_space<hbm>>
      %dma_start3A_139 = arith.constant 0 : i32
      %dma_start3A_140 = arith.constant 0 : i32
      %dma_start3A_141 = tpu.memref_slice %arg9[%dma_start3A_139, %dma_start3A_140] : memref<16x80xi32, #tpu.memory_space<vmem>> -> memref<13x80xi32, #tpu.memory_space<vmem>>
      %dma_start3A_142 = arith.constant 0 : i32
      %dma_start3A_143 = arith.constant 0 : i32
      %dma_start3A_144 = tpu.memref_slice %arg3[%arg1, %dma_start3A_142, %dma_start3A_143] : memref<16x125x80xi32, #tpu.memory_space<hbm>> -> memref<1x125x80xi32, #tpu.memory_space<hbm>>
      %dma_start3A_145 = tpu.memref_squeeze %dma_start3A_144 : memref<1x125x80xi32, #tpu.memory_space<hbm>> -> memref<125x80xi32, #tpu.memory_space<hbm>>
      %dma_start3A_146 = arith.constant 112 : i32
      %dma_start3A_147 = arith.constant 0 : i32
      %dma_start3A_148 = tpu.memref_slice %dma_start3A_145[%dma_start3A_146, %dma_start3A_147] : memref<125x80xi32, #tpu.memory_space<hbm>> -> memref<13x80xi32, #tpu.memory_space<hbm>>
      tpu.enqueue_dma source(%dma_start3A_148 : memref<13x80xi32, #tpu.memory_space<hbm>>) target(%dma_start3A_141 : memref<13x80xi32, #tpu.memory_space<vmem>>) target_semaphore(%run_scoped3A : memref<!tpu.dma_semaphore, #tpu.memory_space<semaphore_mem>>)
      %dma_wait3A_149 = arith.constant 0 : i32
      %dma_wait3A_150 = arith.constant 0 : i32
      %dma_wait3A_151 = tpu.memref_slice %arg9[%dma_wait3A_149, %dma_wait3A_150] : memref<16x80xi32, #tpu.memory_space<vmem>> -> memref<13x80xi32, #tpu.memory_space<vmem>>
      %dma_wait3A_152 = arith.constant 0 : i32
      %dma_wait3A_153 = arith.constant 0 : i32
      %dma_wait3A_154 = tpu.memref_slice %arg3[%arg1, %dma_wait3A_152, %dma_wait3A_153] : memref<16x125x80xi32, #tpu.memory_space<hbm>> -> memref<1x125x80xi32, #tpu.memory_space<hbm>>
      %dma_wait3A_155 = tpu.memref_squeeze %dma_wait3A_154 : memref<1x125x80xi32, #tpu.memory_space<hbm>> -> memref<125x80xi32, #tpu.memory_space<hbm>>
      %dma_wait3A_156 = arith.constant 112 : i32
      %dma_wait3A_157 = arith.constant 0 : i32
      %dma_wait3A_158 = tpu.memref_slice %dma_wait3A_155[%dma_wait3A_156, %dma_wait3A_157] : memref<125x80xi32, #tpu.memory_space<hbm>> -> memref<13x80xi32, #tpu.memory_space<hbm>>
      %dma_wait3A_159 = arith.constant 0 : i32
      %dma_wait3A_160 = arith.constant 0 : i32
      %dma_wait3A_161 = tpu.memref_slice %arg9[%dma_wait3A_159, %dma_wait3A_160] : memref<16x80xi32, #tpu.memory_space<vmem>> -> memref<13x80xi32, #tpu.memory_space<vmem>>
      %dma_wait3A_162 = arith.constant 0 : i32
      %dma_wait3A_163 = arith.constant 0 : i32
      %dma_wait3A_164 = tpu.memref_slice %arg3[%arg1, %dma_wait3A_162, %dma_wait3A_163] : memref<16x125x80xi32, #tpu.memory_space<hbm>> -> memref<1x125x80xi32, #tpu.memory_space<hbm>>
      %dma_wait3A_165 = tpu.memref_squeeze %dma_wait3A_164 : memref<1x125x80xi32, #tpu.memory_space<hbm>> -> memref<125x80xi32, #tpu.memory_space<hbm>>
      %dma_wait3A_166 = arith.constant 112 : i32
      %dma_wait3A_167 = arith.constant 0 : i32
      %dma_wait3A_168 = tpu.memref_slice %dma_wait3A_165[%dma_wait3A_166, %dma_wait3A_167] : memref<125x80xi32, #tpu.memory_space<hbm>> -> memref<13x80xi32, #tpu.memory_space<hbm>>
      tpu.wait_dma2 semaphore(%run_scoped3A : memref<!tpu.dma_semaphore, #tpu.memory_space<semaphore_mem>>) src(%dma_wait3A_168 : memref<13x80xi32, #tpu.memory_space<hbm>>) dst(%dma_wait3A_161 : memref<13x80xi32, #tpu.memory_space<vmem>>)
      tpu.yield
    }) : () -> ()
    "tpu.region"() ({
      %run_scoped3A = tpu.sem_alloc : memref<!tpu.dma_semaphore, #tpu.memory_space<semaphore_mem>>
      %dma_start3A_129 = arith.constant 0 : i32
      %dma_start3A_130 = arith.constant 0 : i32
      %dma_start3A_131 = tpu.memref_slice %arg10[%dma_start3A_129, %dma_start3A_130] : memref<16x80xi32, #tpu.memory_space<vmem>> -> memref<13x80xi32, #tpu.memory_space<vmem>>
      %dma_start3A_132 = arith.constant 0 : i32
      %dma_start3A_133 = arith.constant 0 : i32
      %dma_start3A_134 = tpu.memref_slice %arg4[%arg1, %dma_start3A_132, %dma_start3A_133] : memref<16x125x80xi32, #tpu.memory_space<hbm>> -> memref<1x125x80xi32, #tpu.memory_space<hbm>>
      %dma_start3A_135 = tpu.memref_squeeze %dma_start3A_134 : memref<1x125x80xi32, #tpu.memory_space<hbm>> -> memref<125x80xi32, #tpu.memory_space<hbm>>
      %dma_start3A_136 = arith.constant 112 : i32
      %dma_start3A_137 = arith.constant 0 : i32
      %dma_start3A_138 = tpu.memref_slice %dma_start3A_135[%dma_start3A_136, %dma_start3A_137] : memref<125x80xi32, #tpu.memory_space<hbm>> -> memref<13x80xi32, #tpu.memory_space<hbm>>
      %dma_start3A_139 = arith.constant 0 : i32
      %dma_start3A_140 = arith.constant 0 : i32
      %dma_start3A_141 = tpu.memref_slice %arg10[%dma_start3A_139, %dma_start3A_140] : memref<16x80xi32, #tpu.memory_space<vmem>> -> memref<13x80xi32, #tpu.memory_space<vmem>>
      %dma_start3A_142 = arith.constant 0 : i32
      %dma_start3A_143 = arith.constant 0 : i32
      %dma_start3A_144 = tpu.memref_slice %arg4[%arg1, %dma_start3A_142, %dma_start3A_143] : memref<16x125x80xi32, #tpu.memory_space<hbm>> -> memref<1x125x80xi32, #tpu.memory_space<hbm>>
      %dma_start3A_145 = tpu.memref_squeeze %dma_start3A_144 : memref<1x125x80xi32, #tpu.memory_space<hbm>> -> memref<125x80xi32, #tpu.memory_space<hbm>>
      %dma_start3A_146 = arith.constant 112 : i32
      %dma_start3A_147 = arith.constant 0 : i32
      %dma_start3A_148 = tpu.memref_slice %dma_start3A_145[%dma_start3A_146, %dma_start3A_147] : memref<125x80xi32, #tpu.memory_space<hbm>> -> memref<13x80xi32, #tpu.memory_space<hbm>>
      tpu.enqueue_dma source(%dma_start3A_148 : memref<13x80xi32, #tpu.memory_space<hbm>>) target(%dma_start3A_141 : memref<13x80xi32, #tpu.memory_space<vmem>>) target_semaphore(%run_scoped3A : memref<!tpu.dma_semaphore, #tpu.memory_space<semaphore_mem>>)
      %dma_wait3A_149 = arith.constant 0 : i32
      %dma_wait3A_150 = arith.constant 0 : i32
      %dma_wait3A_151 = tpu.memref_slice %arg10[%dma_wait3A_149, %dma_wait3A_150] : memref<16x80xi32, #tpu.memory_space<vmem>> -> memref<13x80xi32, #tpu.memory_space<vmem>>
      %dma_wait3A_152 = arith.constant 0 : i32
      %dma_wait3A_153 = arith.constant 0 : i32
      %dma_wait3A_154 = tpu.memref_slice %arg4[%arg1, %dma_wait3A_152, %dma_wait3A_153] : memref<16x125x80xi32, #tpu.memory_space<hbm>> -> memref<1x125x80xi32, #tpu.memory_space<hbm>>
      %dma_wait3A_155 = tpu.memref_squeeze %dma_wait3A_154 : memref<1x125x80xi32, #tpu.memory_space<hbm>> -> memref<125x80xi32, #tpu.memory_space<hbm>>
      %dma_wait3A_156 = arith.constant 112 : i32
      %dma_wait3A_157 = arith.constant 0 : i32
      %dma_wait3A_158 = tpu.memref_slice %dma_wait3A_155[%dma_wait3A_156, %dma_wait3A_157] : memref<125x80xi32, #tpu.memory_space<hbm>> -> memref<13x80xi32, #tpu.memory_space<hbm>>
      %dma_wait3A_159 = arith.constant 0 : i32
      %dma_wait3A_160 = arith.constant 0 : i32
      %dma_wait3A_161 = tpu.memref_slice %arg10[%dma_wait3A_159, %dma_wait3A_160] : memref<16x80xi32, #tpu.memory_space<vmem>> -> memref<13x80xi32, #tpu.memory_space<vmem>>
      %dma_wait3A_162 = arith.constant 0 : i32
      %dma_wait3A_163 = arith.constant 0 : i32
      %dma_wait3A_164 = tpu.memref_slice %arg4[%arg1, %dma_wait3A_162, %dma_wait3A_163] : memref<16x125x80xi32, #tpu.memory_space<hbm>> -> memref<1x125x80xi32, #tpu.memory_space<hbm>>
      %dma_wait3A_165 = tpu.memref_squeeze %dma_wait3A_164 : memref<1x125x80xi32, #tpu.memory_space<hbm>> -> memref<125x80xi32, #tpu.memory_space<hbm>>
      %dma_wait3A_166 = arith.constant 112 : i32
      %dma_wait3A_167 = arith.constant 0 : i32
      %dma_wait3A_168 = tpu.memref_slice %dma_wait3A_165[%dma_wait3A_166, %dma_wait3A_167] : memref<125x80xi32, #tpu.memory_space<hbm>> -> memref<13x80xi32, #tpu.memory_space<hbm>>
      tpu.wait_dma2 semaphore(%run_scoped3A : memref<!tpu.dma_semaphore, #tpu.memory_space<semaphore_mem>>) src(%dma_wait3A_168 : memref<13x80xi32, #tpu.memory_space<hbm>>) dst(%dma_wait3A_161 : memref<13x80xi32, #tpu.memory_space<vmem>>)
      tpu.yield
    }) : () -> ()
    "tpu.region"() ({
      %run_scoped3A = tpu.sem_alloc : memref<!tpu.dma_semaphore, #tpu.memory_space<semaphore_mem>>
      %dma_start3A_129 = arith.constant 0 : i32
      %dma_start3A_130 = arith.constant 0 : i32
      %dma_start3A_131 = tpu.memref_slice %arg11[%dma_start3A_129, %dma_start3A_130] : memref<16x80xf32, #tpu.memory_space<vmem>> -> memref<13x80xf32, #tpu.memory_space<vmem>>
      %dma_start3A_132 = arith.constant 0 : i32
      %dma_start3A_133 = arith.constant 0 : i32
      %dma_start3A_134 = tpu.memref_slice %arg5[%arg1, %dma_start3A_132, %dma_start3A_133] : memref<16x125x80xf32, #tpu.memory_space<hbm>> -> memref<1x125x80xf32, #tpu.memory_space<hbm>>
      %dma_start3A_135 = tpu.memref_squeeze %dma_start3A_134 : memref<1x125x80xf32, #tpu.memory_space<hbm>> -> memref<125x80xf32, #tpu.memory_space<hbm>>
      %dma_start3A_136 = arith.constant 112 : i32
      %dma_start3A_137 = arith.constant 0 : i32
      %dma_start3A_138 = tpu.memref_slice %dma_start3A_135[%dma_start3A_136, %dma_start3A_137] : memref<125x80xf32, #tpu.memory_space<hbm>> -> memref<13x80xf32, #tpu.memory_space<hbm>>
      %dma_start3A_139 = arith.constant 0 : i32
      %dma_start3A_140 = arith.constant 0 : i32
      %dma_start3A_141 = tpu.memref_slice %arg11[%dma_start3A_139, %dma_start3A_140] : memref<16x80xf32, #tpu.memory_space<vmem>> -> memref<13x80xf32, #tpu.memory_space<vmem>>
      %dma_start3A_142 = arith.constant 0 : i32
      %dma_start3A_143 = arith.constant 0 : i32
      %dma_start3A_144 = tpu.memref_slice %arg5[%arg1, %dma_start3A_142, %dma_start3A_143] : memref<16x125x80xf32, #tpu.memory_space<hbm>> -> memref<1x125x80xf32, #tpu.memory_space<hbm>>
      %dma_start3A_145 = tpu.memref_squeeze %dma_start3A_144 : memref<1x125x80xf32, #tpu.memory_space<hbm>> -> memref<125x80xf32, #tpu.memory_space<hbm>>
      %dma_start3A_146 = arith.constant 112 : i32
      %dma_start3A_147 = arith.constant 0 : i32
      %dma_start3A_148 = tpu.memref_slice %dma_start3A_145[%dma_start3A_146, %dma_start3A_147] : memref<125x80xf32, #tpu.memory_space<hbm>> -> memref<13x80xf32, #tpu.memory_space<hbm>>
      tpu.enqueue_dma source(%dma_start3A_148 : memref<13x80xf32, #tpu.memory_space<hbm>>) target(%dma_start3A_141 : memref<13x80xf32, #tpu.memory_space<vmem>>) target_semaphore(%run_scoped3A : memref<!tpu.dma_semaphore, #tpu.memory_space<semaphore_mem>>)
      %dma_wait3A_149 = arith.constant 0 : i32
      %dma_wait3A_150 = arith.constant 0 : i32
      %dma_wait3A_151 = tpu.memref_slice %arg11[%dma_wait3A_149, %dma_wait3A_150] : memref<16x80xf32, #tpu.memory_space<vmem>> -> memref<13x80xf32, #tpu.memory_space<vmem>>
      %dma_wait3A_152 = arith.constant 0 : i32
      %dma_wait3A_153 = arith.constant 0 : i32
      %dma_wait3A_154 = tpu.memref_slice %arg5[%arg1, %dma_wait3A_152, %dma_wait3A_153] : memref<16x125x80xf32, #tpu.memory_space<hbm>> -> memref<1x125x80xf32, #tpu.memory_space<hbm>>
      %dma_wait3A_155 = tpu.memref_squeeze %dma_wait3A_154 : memref<1x125x80xf32, #tpu.memory_space<hbm>> -> memref<125x80xf32, #tpu.memory_space<hbm>>
      %dma_wait3A_156 = arith.constant 112 : i32
      %dma_wait3A_157 = arith.constant 0 : i32
      %dma_wait3A_158 = tpu.memref_slice %dma_wait3A_155[%dma_wait3A_156, %dma_wait3A_157] : memref<125x80xf32, #tpu.memory_space<hbm>> -> memref<13x80xf32, #tpu.memory_space<hbm>>
      %dma_wait3A_159 = arith.constant 0 : i32
      %dma_wait3A_160 = arith.constant 0 : i32
      %dma_wait3A_161 = tpu.memref_slice %arg11[%dma_wait3A_159, %dma_wait3A_160] : memref<16x80xf32, #tpu.memory_space<vmem>> -> memref<13x80xf32, #tpu.memory_space<vmem>>
      %dma_wait3A_162 = arith.constant 0 : i32
      %dma_wait3A_163 = arith.constant 0 : i32
      %dma_wait3A_164 = tpu.memref_slice %arg5[%arg1, %dma_wait3A_162, %dma_wait3A_163] : memref<16x125x80xf32, #tpu.memory_space<hbm>> -> memref<1x125x80xf32, #tpu.memory_space<hbm>>
      %dma_wait3A_165 = tpu.memref_squeeze %dma_wait3A_164 : memref<1x125x80xf32, #tpu.memory_space<hbm>> -> memref<125x80xf32, #tpu.memory_space<hbm>>
      %dma_wait3A_166 = arith.constant 112 : i32
      %dma_wait3A_167 = arith.constant 0 : i32
      %dma_wait3A_168 = tpu.memref_slice %dma_wait3A_165[%dma_wait3A_166, %dma_wait3A_167] : memref<125x80xf32, #tpu.memory_space<hbm>> -> memref<13x80xf32, #tpu.memory_space<hbm>>
      tpu.wait_dma2 semaphore(%run_scoped3A : memref<!tpu.dma_semaphore, #tpu.memory_space<semaphore_mem>>) src(%dma_wait3A_168 : memref<13x80xf32, #tpu.memory_space<hbm>>) dst(%dma_wait3A_161 : memref<13x80xf32, #tpu.memory_space<vmem>>)
      tpu.yield
    }) : () -> ()
    %dma_start3A = arith.constant 0 : i32
    %dma_start3A_45 = arith.constant 0 : i32
    %dma_start3A_46 = tpu.memref_slice %arg9[%dma_start3A, %dma_start3A_45] : memref<16x80xi32, #tpu.memory_space<vmem>> -> memref<1x80xi32, #tpu.memory_space<vmem>>
    %dma_start3A_47 = tpu.memref_squeeze %dma_start3A_46 : memref<1x80xi32, #tpu.memory_space<vmem>> -> memref<80xi32, #tpu.memory_space<vmem>>
    %dma_start3A_48 = arith.constant 0 : i32
    %dma_start3A_49 = arith.constant 0 : i32
    %dma_start3A_50 = tpu.memref_slice %arg2[%arg0, %dma_start3A_48, %dma_start3A_49] : memref<2x10000x128xf32, #tpu.memory_space<hbm>> -> memref<1x10000x128xf32, #tpu.memory_space<hbm>>
    %dma_start3A_51 = tpu.memref_squeeze %dma_start3A_50 : memref<1x10000x128xf32, #tpu.memory_space<hbm>> -> memref<10000x128xf32, #tpu.memory_space<hbm>>
    %dma_start3A_52 = arith.constant 0 : i32
    %dma_start3A_53 = arith.constant 0 : i32
    %dma_start3A_54 = tpu.memref_slice %dma_start3A_51[%dma_start3A_52, %dma_start3A_53] : memref<10000x128xf32, #tpu.memory_space<hbm>> -> memref<10000x128xf32, #tpu.memory_space<hbm>>
    tpu.enqueue_indirect_dma source(%dma_start3A_54 : memref<10000x128xf32, #tpu.memory_space<hbm>>) target(%arg12 : memref<80x128xf32, #tpu.memory_space<vmem>>) offsets(%dma_start3A_47 : memref<80xi32, #tpu.memory_space<vmem>>) semaphore(%arg17 : memref<!tpu.dma_semaphore, #tpu.memory_space<semaphore_mem>>)
    %dma_start3A_55 = arith.constant 1 : i32
    %dma_start3A_56 = arith.constant 0 : i32
    %dma_start3A_57 = tpu.memref_slice %arg9[%dma_start3A_55, %dma_start3A_56] : memref<16x80xi32, #tpu.memory_space<vmem>> -> memref<1x80xi32, #tpu.memory_space<vmem>>
    %dma_start3A_58 = tpu.memref_squeeze %dma_start3A_57 : memref<1x80xi32, #tpu.memory_space<vmem>> -> memref<80xi32, #tpu.memory_space<vmem>>
    %dma_start3A_59 = arith.constant 0 : i32
    %dma_start3A_60 = arith.constant 0 : i32
    %dma_start3A_61 = tpu.memref_slice %arg2[%arg0, %dma_start3A_59, %dma_start3A_60] : memref<2x10000x128xf32, #tpu.memory_space<hbm>> -> memref<1x10000x128xf32, #tpu.memory_space<hbm>>
    %dma_start3A_62 = tpu.memref_squeeze %dma_start3A_61 : memref<1x10000x128xf32, #tpu.memory_space<hbm>> -> memref<10000x128xf32, #tpu.memory_space<hbm>>
    %dma_start3A_63 = arith.constant 0 : i32
    %dma_start3A_64 = arith.constant 0 : i32
    %dma_start3A_65 = tpu.memref_slice %dma_start3A_62[%dma_start3A_63, %dma_start3A_64] : memref<10000x128xf32, #tpu.memory_space<hbm>> -> memref<10000x128xf32, #tpu.memory_space<hbm>>
    tpu.enqueue_indirect_dma source(%dma_start3A_65 : memref<10000x128xf32, #tpu.memory_space<hbm>>) target(%arg13 : memref<80x128xf32, #tpu.memory_space<vmem>>) offsets(%dma_start3A_58 : memref<80xi32, #tpu.memory_space<vmem>>) semaphore(%arg18 : memref<!tpu.dma_semaphore, #tpu.memory_space<semaphore_mem>>)
    %scan3A_66 = arith.constant 0 : i32
    %scan3A_67 = arith.constant 0 : i32
    %scan3A_68 = arith.constant 6 : i32
    %scan3A_69 = arith.addi %scan3A_67, %scan3A_68 : i32
    %scan3A_70 = arith.constant 1 : i32
    %scan3A_71 = scf.for %scan3A_129 = %scan3A_67 to %scan3A_69 step %scan3A_70 iter_args(%scan3A_130 = %scan3A_66) -> (i32)  : i32 {
      %mul3A_131 = arith.constant 2 : i32
      %mul3A_132 = arith.muli %mul3A_131, %scan3A_129 : i32
      %dma_wait3A_133 = arith.constant 0 : i32
      %dma_wait3A_134 = tpu.memref_slice %arg9[%mul3A_132, %dma_wait3A_133] : memref<16x80xi32, #tpu.memory_space<vmem>> -> memref<1x80xi32, #tpu.memory_space<vmem>>
      %dma_wait3A_135 = tpu.memref_squeeze %dma_wait3A_134 : memref<1x80xi32, #tpu.memory_space<vmem>> -> memref<80xi32, #tpu.memory_space<vmem>>
      %dma_wait3A_136 = arith.constant 0 : i32
      %dma_wait3A_137 = arith.constant 0 : i32
      %dma_wait3A_138 = tpu.memref_slice %arg2[%arg0, %dma_wait3A_136, %dma_wait3A_137] : memref<2x10000x128xf32, #tpu.memory_space<hbm>> -> memref<1x10000x128xf32, #tpu.memory_space<hbm>>
      %dma_wait3A_139 = tpu.memref_squeeze %dma_wait3A_138 : memref<1x10000x128xf32, #tpu.memory_space<hbm>> -> memref<10000x128xf32, #tpu.memory_space<hbm>>
      %dma_wait3A_140 = arith.constant 0 : i32
      %dma_wait3A_141 = arith.constant 0 : i32
      %dma_wait3A_142 = tpu.memref_slice %dma_wait3A_139[%dma_wait3A_140, %dma_wait3A_141] : memref<10000x128xf32, #tpu.memory_space<hbm>> -> memref<10000x128xf32, #tpu.memory_space<hbm>>
      tpu.wait_indirect_dma semaphore(%arg17 : memref<!tpu.dma_semaphore, #tpu.memory_space<semaphore_mem>>) src(%dma_wait3A_142 : memref<10000x128xf32, #tpu.memory_space<hbm>>) dst(%arg12 : memref<80x128xf32, #tpu.memory_space<vmem>>)
      %ge3A = arith.constant 2 : i32
      %ge3A_143 = arith.cmpi sge, %mul3A_132, %ge3A : i32
      %convert_element_type3A_144 = arith.extui %ge3A_143 : i1 to i32
      %cond3A_145 = arith.constant 0 : i32
      %cond3A_146 = arith.cmpi ne, %convert_element_type3A_144, %cond3A_145 : i32
      scf.if %cond3A_146 {
        %dma_wait3A_200 = arith.constant 0 : i32
        %dma_wait3A_201 = arith.constant 0 : i32
        %dma_wait3A_202 = tpu.memref_slice %arg10[%dma_wait3A_200, %dma_wait3A_201] : memref<16x80xi32, #tpu.memory_space<vmem>> -> memref<1x80xi32, #tpu.memory_space<vmem>>
        %dma_wait3A_203 = tpu.memref_squeeze %dma_wait3A_202 : memref<1x80xi32, #tpu.memory_space<vmem>> -> memref<80xi32, #tpu.memory_space<vmem>>
        %dma_wait3A_204 = arith.constant 0 : i32
        %dma_wait3A_205 = arith.constant 0 : i32
        %dma_wait3A_206 = tpu.memref_slice %arg8[%dma_wait3A_204, %dma_wait3A_205] : memref<10240x128xf32, #tpu.memory_space<vmem_shared>> -> memref<10240x128xf32, #tpu.memory_space<vmem_shared>>
        tpu.wait_indirect_dma semaphore(%arg19 : memref<!tpu.dma_semaphore, #tpu.memory_space<semaphore_mem>>) src(%arg14 : memref<80x128xf32, #tpu.memory_space<vmem>>) dst(%dma_wait3A_206 : memref<10240x128xf32, #tpu.memory_space<vmem_shared>>)
      } else {
      }
      %broadcast_in_dim3A_147 = vector.broadcast %mul3A_132 : i32 to vector<16xi32>
      %parallel_loop3A_148 = arith.constant 0 : i32
      %parallel_loop3A_149 = arith.constant 80 : i32
      %parallel_loop3A_150 = arith.constant 1 : i32
      scf.for %parallel_loop3A_200 = %parallel_loop3A_148 to %parallel_loop3A_149 step %parallel_loop3A_150  : i32 {
        %parallel_loop3A_201 = vector.broadcast %parallel_loop3A_200 : i32 to vector<16xi32>
        %parallel_loop3A_202 = tpu.vector_load_idx %arg11[%broadcast_in_dim3A_147, %parallel_loop3A_201] : memref<16x80xf32, #tpu.memory_space<vmem>>[vector<16xi32>, vector<16xi32>], vector<16xf32>,
        %parallel_loop3A_203 = arith.index_cast %parallel_loop3A_200 : i32 to index
        %parallel_loop3A_204 = arith.constant 0 : index
        %parallel_loop3A_205 = tpu.vector_load %arg12[%parallel_loop3A_203, %parallel_loop3A_204] {strides = array<i32>} : memref<80x128xf32, #tpu.memory_space<vmem>>, vector<16xf32>,
        %parallel_loop3A_206 = arith.mulf %parallel_loop3A_205, %parallel_loop3A_202 : vector<16xf32>
        %parallel_loop3A_207 = arith.index_cast %parallel_loop3A_200 : i32 to index
        %parallel_loop3A_208 = arith.constant 0 : index
        %parallel_loop3A_209 = tpu.vector_load %arg14[%parallel_loop3A_207, %parallel_loop3A_208] {strides = array<i32>} : memref<80x128xf32, #tpu.memory_space<vmem>>, vector<16xf32>,
        tpu.vector_store %arg14[%parallel_loop3A_207, %parallel_loop3A_208], %parallel_loop3A_206 {strides = array<i32>} : memref<80x128xf32, #tpu.memory_space<vmem>>, vector<16xf32>,
        %parallel_loop3A_210 = arith.index_cast %parallel_loop3A_200 : i32 to index
        %parallel_loop3A_211 = arith.constant 16 : index
        %parallel_loop3A_212 = tpu.vector_load %arg12[%parallel_loop3A_210, %parallel_loop3A_211] {strides = array<i32>} : memref<80x128xf32, #tpu.memory_space<vmem>>, vector<16xf32>,
        %parallel_loop3A_213 = arith.mulf %parallel_loop3A_212, %parallel_loop3A_202 : vector<16xf32>
        %parallel_loop3A_214 = arith.index_cast %parallel_loop3A_200 : i32 to index
        %parallel_loop3A_215 = arith.constant 16 : index
        %parallel_loop3A_216 = tpu.vector_load %arg14[%parallel_loop3A_214, %parallel_loop3A_215] {strides = array<i32>} : memref<80x128xf32, #tpu.memory_space<vmem>>, vector<16xf32>,
        tpu.vector_store %arg14[%parallel_loop3A_214, %parallel_loop3A_215], %parallel_loop3A_213 {strides = array<i32>} : memref<80x128xf32, #tpu.memory_space<vmem>>, vector<16xf32>,
        %parallel_loop3A_217 = arith.index_cast %parallel_loop3A_200 : i32 to index
        %parallel_loop3A_218 = arith.constant 32 : index
        %parallel_loop3A_219 = tpu.vector_load %arg12[%parallel_loop3A_217, %parallel_loop3A_218] {strides = array<i32>} : memref<80x128xf32, #tpu.memory_space<vmem>>, vector<16xf32>,
        %parallel_loop3A_220 = arith.mulf %parallel_loop3A_219, %parallel_loop3A_202 : vector<16xf32>
        %parallel_loop3A_221 = arith.index_cast %parallel_loop3A_200 : i32 to index
        %parallel_loop3A_222 = arith.constant 32 : index
        %parallel_loop3A_223 = tpu.vector_load %arg14[%parallel_loop3A_221, %parallel_loop3A_222] {strides = array<i32>} : memref<80x128xf32, #tpu.memory_space<vmem>>, vector<16xf32>,
        tpu.vector_store %arg14[%parallel_loop3A_221, %parallel_loop3A_222], %parallel_loop3A_220 {strides = array<i32>} : memref<80x128xf32, #tpu.memory_space<vmem>>, vector<16xf32>,
        %parallel_loop3A_224 = arith.index_cast %parallel_loop3A_200 : i32 to index
        %parallel_loop3A_225 = arith.constant 48 : index
        %parallel_loop3A_226 = tpu.vector_load %arg12[%parallel_loop3A_224, %parallel_loop3A_225] {strides = array<i32>} : memref<80x128xf32, #tpu.memory_space<vmem>>, vector<16xf32>,
        %parallel_loop3A_227 = arith.mulf %parallel_loop3A_226, %parallel_loop3A_202 : vector<16xf32>
        %parallel_loop3A_228 = arith.index_cast %parallel_loop3A_200 : i32 to index
        %parallel_loop3A_229 = arith.constant 48 : index
        %parallel_loop3A_230 = tpu.vector_load %arg14[%parallel_loop3A_228, %parallel_loop3A_229] {strides = array<i32>} : memref<80x128xf32, #tpu.memory_space<vmem>>, vector<16xf32>,
        tpu.vector_store %arg14[%parallel_loop3A_228, %parallel_loop3A_229], %parallel_loop3A_227 {strides = array<i32>} : memref<80x128xf32, #tpu.memory_space<vmem>>, vector<16xf32>,
        %parallel_loop3A_231 = arith.index_cast %parallel_loop3A_200 : i32 to index
        %parallel_loop3A_232 = arith.constant 64 : index
        %parallel_loop3A_233 = tpu.vector_load %arg12[%parallel_loop3A_231, %parallel_loop3A_232] {strides = array<i32>} : memref<80x128xf32, #tpu.memory_space<vmem>>, vector<16xf32>,
        %parallel_loop3A_234 = arith.mulf %parallel_loop3A_233, %parallel_loop3A_202 : vector<16xf32>
        %parallel_loop3A_235 = arith.index_cast %parallel_loop3A_200 : i32 to index
        %parallel_loop3A_236 = arith.constant 64 : index
        %parallel_loop3A_237 = tpu.vector_load %arg14[%parallel_loop3A_235, %parallel_loop3A_236] {strides = array<i32>} : memref<80x128xf32, #tpu.memory_space<vmem>>, vector<16xf32>,
        tpu.vector_store %arg14[%parallel_loop3A_235, %parallel_loop3A_236], %parallel_loop3A_234 {strides = array<i32>} : memref<80x128xf32, #tpu.memory_space<vmem>>, vector<16xf32>,
        %parallel_loop3A_238 = arith.index_cast %parallel_loop3A_200 : i32 to index
        %parallel_loop3A_239 = arith.constant 80 : index
        %parallel_loop3A_240 = tpu.vector_load %arg12[%parallel_loop3A_238, %parallel_loop3A_239] {strides = array<i32>} : memref<80x128xf32, #tpu.memory_space<vmem>>, vector<16xf32>,
        %parallel_loop3A_241 = arith.mulf %parallel_loop3A_240, %parallel_loop3A_202 : vector<16xf32>
        %parallel_loop3A_242 = arith.index_cast %parallel_loop3A_200 : i32 to index
        %parallel_loop3A_243 = arith.constant 80 : index
        %parallel_loop3A_244 = tpu.vector_load %arg14[%parallel_loop3A_242, %parallel_loop3A_243] {strides = array<i32>} : memref<80x128xf32, #tpu.memory_space<vmem>>, vector<16xf32>,
        tpu.vector_store %arg14[%parallel_loop3A_242, %parallel_loop3A_243], %parallel_loop3A_241 {strides = array<i32>} : memref<80x128xf32, #tpu.memory_space<vmem>>, vector<16xf32>,
        %parallel_loop3A_245 = arith.index_cast %parallel_loop3A_200 : i32 to index
        %parallel_loop3A_246 = arith.constant 96 : index
        %parallel_loop3A_247 = tpu.vector_load %arg12[%parallel_loop3A_245, %parallel_loop3A_246] {strides = array<i32>} : memref<80x128xf32, #tpu.memory_space<vmem>>, vector<16xf32>,
        %parallel_loop3A_248 = arith.mulf %parallel_loop3A_247, %parallel_loop3A_202 : vector<16xf32>
        %parallel_loop3A_249 = arith.index_cast %parallel_loop3A_200 : i32 to index
        %parallel_loop3A_250 = arith.constant 96 : index
        %parallel_loop3A_251 = tpu.vector_load %arg14[%parallel_loop3A_249, %parallel_loop3A_250] {strides = array<i32>} : memref<80x128xf32, #tpu.memory_space<vmem>>, vector<16xf32>,
        tpu.vector_store %arg14[%parallel_loop3A_249, %parallel_loop3A_250], %parallel_loop3A_248 {strides = array<i32>} : memref<80x128xf32, #tpu.memory_space<vmem>>, vector<16xf32>,
        %parallel_loop3A_252 = arith.index_cast %parallel_loop3A_200 : i32 to index
        %parallel_loop3A_253 = arith.constant 112 : index
        %parallel_loop3A_254 = tpu.vector_load %arg12[%parallel_loop3A_252, %parallel_loop3A_253] {strides = array<i32>} : memref<80x128xf32, #tpu.memory_space<vmem>>, vector<16xf32>,
        %parallel_loop3A_255 = arith.mulf %parallel_loop3A_254, %parallel_loop3A_202 : vector<16xf32>
        %parallel_loop3A_256 = arith.index_cast %parallel_loop3A_200 : i32 to index
        %parallel_loop3A_257 = arith.constant 112 : index
        %parallel_loop3A_258 = tpu.vector_load %arg14[%parallel_loop3A_256, %parallel_loop3A_257] {strides = array<i32>} : memref<80x128xf32, #tpu.memory_space<vmem>>, vector<16xf32>,
        tpu.vector_store %arg14[%parallel_loop3A_256, %parallel_loop3A_257], %parallel_loop3A_255 {strides = array<i32>} : memref<80x128xf32, #tpu.memory_space<vmem>>, vector<16xf32>,
      } {sc.loop_unroll_factor = 16 : i64, sc.parallel_access}
      %add3A_151 = arith.constant 2 : i32
      %add3A_152 = arith.addi %mul3A_132, %add3A_151 : i32
      %lt3A = arith.constant 13 : i32
      %lt3A_153 = arith.cmpi slt, %add3A_152, %lt3A : i32
      %convert_element_type3A_154 = arith.extui %lt3A_153 : i1 to i32
      %cond3A_155 = arith.constant 0 : i32
      %cond3A_156 = arith.cmpi ne, %convert_element_type3A_154, %cond3A_155 : i32
      scf.if %cond3A_156 {
        %add3A_200 = arith.constant 2 : i32
        %add3A_201 = arith.addi %mul3A_132, %add3A_200 : i32
        %dma_start3A_202 = arith.constant 0 : i32
        %dma_start3A_203 = tpu.memref_slice %arg9[%add3A_201, %dma_start3A_202] : memref<16x80xi32, #tpu.memory_space<vmem>> -> memref<1x80xi32, #tpu.memory_space<vmem>>
        %dma_start3A_204 = tpu.memref_squeeze %dma_start3A_203 : memref<1x80xi32, #tpu.memory_space<vmem>> -> memref<80xi32, #tpu.memory_space<vmem>>
        %dma_start3A_205 = arith.constant 0 : i32
        %dma_start3A_206 = arith.constant 0 : i32
        %dma_start3A_207 = tpu.memref_slice %arg2[%arg0, %dma_start3A_205, %dma_start3A_206] : memref<2x10000x128xf32, #tpu.memory_space<hbm>> -> memref<1x10000x128xf32, #tpu.memory_space<hbm>>
        %dma_start3A_208 = tpu.memref_squeeze %dma_start3A_207 : memref<1x10000x128xf32, #tpu.memory_space<hbm>> -> memref<10000x128xf32, #tpu.memory_space<hbm>>
        %dma_start3A_209 = arith.constant 0 : i32
        %dma_start3A_210 = arith.constant 0 : i32
        %dma_start3A_211 = tpu.memref_slice %dma_start3A_208[%dma_start3A_209, %dma_start3A_210] : memref<10000x128xf32, #tpu.memory_space<hbm>> -> memref<10000x128xf32, #tpu.memory_space<hbm>>
        tpu.enqueue_indirect_dma source(%dma_start3A_211 : memref<10000x128xf32, #tpu.memory_space<hbm>>) target(%arg12 : memref<80x128xf32, #tpu.memory_space<vmem>>) offsets(%dma_start3A_204 : memref<80xi32, #tpu.memory_space<vmem>>) semaphore(%arg17 : memref<!tpu.dma_semaphore, #tpu.memory_space<semaphore_mem>>)
      } else {
      }
      %dma_start3A_157 = arith.constant 0 : i32
      %dma_start3A_158 = tpu.memref_slice %arg10[%mul3A_132, %dma_start3A_157] : memref<16x80xi32, #tpu.memory_space<vmem>> -> memref<1x80xi32, #tpu.memory_space<vmem>>
      %dma_start3A_159 = tpu.memref_squeeze %dma_start3A_158 : memref<1x80xi32, #tpu.memory_space<vmem>> -> memref<80xi32, #tpu.memory_space<vmem>>
      %dma_start3A_160 = arith.constant 0 : i32
      %dma_start3A_161 = arith.constant 0 : i32
      %dma_start3A_162 = tpu.memref_slice %arg8[%dma_start3A_160, %dma_start3A_161] : memref<10240x128xf32, #tpu.memory_space<vmem_shared>> -> memref<10240x128xf32, #tpu.memory_space<vmem_shared>>
      tpu.enqueue_indirect_dma source(%arg14 : memref<80x128xf32, #tpu.memory_space<vmem>>) target(%dma_start3A_162 : memref<10240x128xf32, #tpu.memory_space<vmem_shared>>) offsets(%dma_start3A_159 : memref<80xi32, #tpu.memory_space<vmem>>) semaphore(%arg19 : memref<!tpu.dma_semaphore, #tpu.memory_space<semaphore_mem>>) {add = true}
      %mul3A_163 = arith.constant 2 : i32
      %mul3A_164 = arith.muli %mul3A_163, %scan3A_129 : i32
      %add3A_165 = arith.constant 1 : i32
      %add3A_166 = arith.addi %mul3A_164, %add3A_165 : i32
      %dma_wait3A_167 = arith.constant 0 : i32
      %dma_wait3A_168 = tpu.memref_slice %arg9[%add3A_166, %dma_wait3A_167] : memref<16x80xi32, #tpu.memory_space<vmem>> -> memref<1x80xi32, #tpu.memory_space<vmem>>
      %dma_wait3A_169 = tpu.memref_squeeze %dma_wait3A_168 : memref<1x80xi32, #tpu.memory_space<vmem>> -> memref<80xi32, #tpu.memory_space<vmem>>
      %dma_wait3A_170 = arith.constant 0 : i32
      %dma_wait3A_171 = arith.constant 0 : i32
      %dma_wait3A_172 = tpu.memref_slice %arg2[%arg0, %dma_wait3A_170, %dma_wait3A_171] : memref<2x10000x128xf32, #tpu.memory_space<hbm>> -> memref<1x10000x128xf32, #tpu.memory_space<hbm>>
      %dma_wait3A_173 = tpu.memref_squeeze %dma_wait3A_172 : memref<1x10000x128xf32, #tpu.memory_space<hbm>> -> memref<10000x128xf32, #tpu.memory_space<hbm>>
      %dma_wait3A_174 = arith.constant 0 : i32
      %dma_wait3A_175 = arith.constant 0 : i32
      %dma_wait3A_176 = tpu.memref_slice %dma_wait3A_173[%dma_wait3A_174, %dma_wait3A_175] : memref<10000x128xf32, #tpu.memory_space<hbm>> -> memref<10000x128xf32, #tpu.memory_space<hbm>>
      tpu.wait_indirect_dma semaphore(%arg18 : memref<!tpu.dma_semaphore, #tpu.memory_space<semaphore_mem>>) src(%dma_wait3A_176 : memref<10000x128xf32, #tpu.memory_space<hbm>>) dst(%arg13 : memref<80x128xf32, #tpu.memory_space<vmem>>)
      %ge3A_177 = arith.constant 2 : i32
      %ge3A_178 = arith.cmpi sge, %add3A_166, %ge3A_177 : i32
      %convert_element_type3A_179 = arith.extui %ge3A_178 : i1 to i32
      %cond3A_180 = arith.constant 0 : i32
      %cond3A_181 = arith.cmpi ne, %convert_element_type3A_179, %cond3A_180 : i32
      scf.if %cond3A_181 {
        %dma_wait3A_200 = arith.constant 0 : i32
        %dma_wait3A_201 = arith.constant 0 : i32
        %dma_wait3A_202 = tpu.memref_slice %arg10[%dma_wait3A_200, %dma_wait3A_201] : memref<16x80xi32, #tpu.memory_space<vmem>> -> memref<1x80xi32, #tpu.memory_space<vmem>>
        %dma_wait3A_203 = tpu.memref_squeeze %dma_wait3A_202 : memref<1x80xi32, #tpu.memory_space<vmem>> -> memref<80xi32, #tpu.memory_space<vmem>>
        %dma_wait3A_204 = arith.constant 0 : i32
        %dma_wait3A_205 = arith.constant 0 : i32
        %dma_wait3A_206 = tpu.memref_slice %arg8[%dma_wait3A_204, %dma_wait3A_205] : memref<10240x128xf32, #tpu.memory_space<vmem_shared>> -> memref<10240x128xf32, #tpu.memory_space<vmem_shared>>
        tpu.wait_indirect_dma semaphore(%arg20 : memref<!tpu.dma_semaphore, #tpu.memory_space<semaphore_mem>>) src(%arg15 : memref<80x128xf32, #tpu.memory_space<vmem>>) dst(%dma_wait3A_206 : memref<10240x128xf32, #tpu.memory_space<vmem_shared>>)
      } else {
      }
      %broadcast_in_dim3A_182 = vector.broadcast %add3A_166 : i32 to vector<16xi32>
      %parallel_loop3A_183 = arith.constant 0 : i32
      %parallel_loop3A_184 = arith.constant 80 : i32
      %parallel_loop3A_185 = arith.constant 1 : i32
      scf.for %parallel_loop3A_200 = %parallel_loop3A_183 to %parallel_loop3A_184 step %parallel_loop3A_185  : i32 {
        %parallel_loop3A_201 = vector.broadcast %parallel_loop3A_200 : i32 to vector<16xi32>
        %parallel_loop3A_202 = tpu.vector_load_idx %arg11[%broadcast_in_dim3A_182, %parallel_loop3A_201] : memref<16x80xf32, #tpu.memory_space<vmem>>[vector<16xi32>, vector<16xi32>], vector<16xf32>,
        %parallel_loop3A_203 = arith.index_cast %parallel_loop3A_200 : i32 to index
        %parallel_loop3A_204 = arith.constant 0 : index
        %parallel_loop3A_205 = tpu.vector_load %arg13[%parallel_loop3A_203, %parallel_loop3A_204] {strides = array<i32>} : memref<80x128xf32, #tpu.memory_space<vmem>>, vector<16xf32>,
        %parallel_loop3A_206 = arith.mulf %parallel_loop3A_205, %parallel_loop3A_202 : vector<16xf32>
        %parallel_loop3A_207 = arith.index_cast %parallel_loop3A_200 : i32 to index
        %parallel_loop3A_208 = arith.constant 0 : index
        %parallel_loop3A_209 = tpu.vector_load %arg15[%parallel_loop3A_207, %parallel_loop3A_208] {strides = array<i32>} : memref<80x128xf32, #tpu.memory_space<vmem>>, vector<16xf32>,
        tpu.vector_store %arg15[%parallel_loop3A_207, %parallel_loop3A_208], %parallel_loop3A_206 {strides = array<i32>} : memref<80x128xf32, #tpu.memory_space<vmem>>, vector<16xf32>,
        %parallel_loop3A_210 = arith.index_cast %parallel_loop3A_200 : i32 to index
        %parallel_loop3A_211 = arith.constant 16 : index
        %parallel_loop3A_212 = tpu.vector_load %arg13[%parallel_loop3A_210, %parallel_loop3A_211] {strides = array<i32>} : memref<80x128xf32, #tpu.memory_space<vmem>>, vector<16xf32>,
        %parallel_loop3A_213 = arith.mulf %parallel_loop3A_212, %parallel_loop3A_202 : vector<16xf32>
        %parallel_loop3A_214 = arith.index_cast %parallel_loop3A_200 : i32 to index
        %parallel_loop3A_215 = arith.constant 16 : index
        %parallel_loop3A_216 = tpu.vector_load %arg15[%parallel_loop3A_214, %parallel_loop3A_215] {strides = array<i32>} : memref<80x128xf32, #tpu.memory_space<vmem>>, vector<16xf32>,
        tpu.vector_store %arg15[%parallel_loop3A_214, %parallel_loop3A_215], %parallel_loop3A_213 {strides = array<i32>} : memref<80x128xf32, #tpu.memory_space<vmem>>, vector<16xf32>,
        %parallel_loop3A_217 = arith.index_cast %parallel_loop3A_200 : i32 to index
        %parallel_loop3A_218 = arith.constant 32 : index
        %parallel_loop3A_219 = tpu.vector_load %arg13[%parallel_loop3A_217, %parallel_loop3A_218] {strides = array<i32>} : memref<80x128xf32, #tpu.memory_space<vmem>>, vector<16xf32>,
        %parallel_loop3A_220 = arith.mulf %parallel_loop3A_219, %parallel_loop3A_202 : vector<16xf32>
        %parallel_loop3A_221 = arith.index_cast %parallel_loop3A_200 : i32 to index
        %parallel_loop3A_222 = arith.constant 32 : index
        %parallel_loop3A_223 = tpu.vector_load %arg15[%parallel_loop3A_221, %parallel_loop3A_222] {strides = array<i32>} : memref<80x128xf32, #tpu.memory_space<vmem>>, vector<16xf32>,
        tpu.vector_store %arg15[%parallel_loop3A_221, %parallel_loop3A_222], %parallel_loop3A_220 {strides = array<i32>} : memref<80x128xf32, #tpu.memory_space<vmem>>, vector<16xf32>,
        %parallel_loop3A_224 = arith.index_cast %parallel_loop3A_200 : i32 to index
        %parallel_loop3A_225 = arith.constant 48 : index
        %parallel_loop3A_226 = tpu.vector_load %arg13[%parallel_loop3A_224, %parallel_loop3A_225] {strides = array<i32>} : memref<80x128xf32, #tpu.memory_space<vmem>>, vector<16xf32>,
        %parallel_loop3A_227 = arith.mulf %parallel_loop3A_226, %parallel_loop3A_202 : vector<16xf32>
        %parallel_loop3A_228 = arith.index_cast %parallel_loop3A_200 : i32 to index
        %parallel_loop3A_229 = arith.constant 48 : index
        %parallel_loop3A_230 = tpu.vector_load %arg15[%parallel_loop3A_228, %parallel_loop3A_229] {strides = array<i32>} : memref<80x128xf32, #tpu.memory_space<vmem>>, vector<16xf32>,
        tpu.vector_store %arg15[%parallel_loop3A_228, %parallel_loop3A_229], %parallel_loop3A_227 {strides = array<i32>} : memref<80x128xf32, #tpu.memory_space<vmem>>, vector<16xf32>,
        %parallel_loop3A_231 = arith.index_cast %parallel_loop3A_200 : i32 to index
        %parallel_loop3A_232 = arith.constant 64 : index
        %parallel_loop3A_233 = tpu.vector_load %arg13[%parallel_loop3A_231, %parallel_loop3A_232] {strides = array<i32>} : memref<80x128xf32, #tpu.memory_space<vmem>>, vector<16xf32>,
        %parallel_loop3A_234 = arith.mulf %parallel_loop3A_233, %parallel_loop3A_202 : vector<16xf32>
        %parallel_loop3A_235 = arith.index_cast %parallel_loop3A_200 : i32 to index
        %parallel_loop3A_236 = arith.constant 64 : index
        %parallel_loop3A_237 = tpu.vector_load %arg15[%parallel_loop3A_235, %parallel_loop3A_236] {strides = array<i32>} : memref<80x128xf32, #tpu.memory_space<vmem>>, vector<16xf32>,
        tpu.vector_store %arg15[%parallel_loop3A_235, %parallel_loop3A_236], %parallel_loop3A_234 {strides = array<i32>} : memref<80x128xf32, #tpu.memory_space<vmem>>, vector<16xf32>,
        %parallel_loop3A_238 = arith.index_cast %parallel_loop3A_200 : i32 to index
        %parallel_loop3A_239 = arith.constant 80 : index
        %parallel_loop3A_240 = tpu.vector_load %arg13[%parallel_loop3A_238, %parallel_loop3A_239] {strides = array<i32>} : memref<80x128xf32, #tpu.memory_space<vmem>>, vector<16xf32>,
        %parallel_loop3A_241 = arith.mulf %parallel_loop3A_240, %parallel_loop3A_202 : vector<16xf32>
        %parallel_loop3A_242 = arith.index_cast %parallel_loop3A_200 : i32 to index
        %parallel_loop3A_243 = arith.constant 80 : index
        %parallel_loop3A_244 = tpu.vector_load %arg15[%parallel_loop3A_242, %parallel_loop3A_243] {strides = array<i32>} : memref<80x128xf32, #tpu.memory_space<vmem>>, vector<16xf32>,
        tpu.vector_store %arg15[%parallel_loop3A_242, %parallel_loop3A_243], %parallel_loop3A_241 {strides = array<i32>} : memref<80x128xf32, #tpu.memory_space<vmem>>, vector<16xf32>,
        %parallel_loop3A_245 = arith.index_cast %parallel_loop3A_200 : i32 to index
        %parallel_loop3A_246 = arith.constant 96 : index
        %parallel_loop3A_247 = tpu.vector_load %arg13[%parallel_loop3A_245, %parallel_loop3A_246] {strides = array<i32>} : memref<80x128xf32, #tpu.memory_space<vmem>>, vector<16xf32>,
        %parallel_loop3A_248 = arith.mulf %parallel_loop3A_247, %parallel_loop3A_202 : vector<16xf32>
        %parallel_loop3A_249 = arith.index_cast %parallel_loop3A_200 : i32 to index
        %parallel_loop3A_250 = arith.constant 96 : index
        %parallel_loop3A_251 = tpu.vector_load %arg15[%parallel_loop3A_249, %parallel_loop3A_250] {strides = array<i32>} : memref<80x128xf32, #tpu.memory_space<vmem>>, vector<16xf32>,
        tpu.vector_store %arg15[%parallel_loop3A_249, %parallel_loop3A_250], %parallel_loop3A_248 {strides = array<i32>} : memref<80x128xf32, #tpu.memory_space<vmem>>, vector<16xf32>,
        %parallel_loop3A_252 = arith.index_cast %parallel_loop3A_200 : i32 to index
        %parallel_loop3A_253 = arith.constant 112 : index
        %parallel_loop3A_254 = tpu.vector_load %arg13[%parallel_loop3A_252, %parallel_loop3A_253] {strides = array<i32>} : memref<80x128xf32, #tpu.memory_space<vmem>>, vector<16xf32>,
        %parallel_loop3A_255 = arith.mulf %parallel_loop3A_254, %parallel_loop3A_202 : vector<16xf32>
        %parallel_loop3A_256 = arith.index_cast %parallel_loop3A_200 : i32 to index
        %parallel_loop3A_257 = arith.constant 112 : index
        %parallel_loop3A_258 = tpu.vector_load %arg15[%parallel_loop3A_256, %parallel_loop3A_257] {strides = array<i32>} : memref<80x128xf32, #tpu.memory_space<vmem>>, vector<16xf32>,
        tpu.vector_store %arg15[%parallel_loop3A_256, %parallel_loop3A_257], %parallel_loop3A_255 {strides = array<i32>} : memref<80x128xf32, #tpu.memory_space<vmem>>, vector<16xf32>,
      } {sc.loop_unroll_factor = 16 : i64, sc.parallel_access}
      %add3A_186 = arith.constant 2 : i32
      %add3A_187 = arith.addi %add3A_166, %add3A_186 : i32
      %lt3A_188 = arith.constant 13 : i32
      %lt3A_189 = arith.cmpi slt, %add3A_187, %lt3A_188 : i32
      %convert_element_type3A_190 = arith.extui %lt3A_189 : i1 to i32
      %cond3A_191 = arith.constant 0 : i32
      %cond3A_192 = arith.cmpi ne, %convert_element_type3A_190, %cond3A_191 : i32
      scf.if %cond3A_192 {
        %add3A_200 = arith.constant 2 : i32
        %add3A_201 = arith.addi %add3A_166, %add3A_200 : i32
        %dma_start3A_202 = arith.constant 0 : i32
        %dma_start3A_203 = tpu.memref_slice %arg9[%add3A_201, %dma_start3A_202] : memref<16x80xi32, #tpu.memory_space<vmem>> -> memref<1x80xi32, #tpu.memory_space<vmem>>
        %dma_start3A_204 = tpu.memref_squeeze %dma_start3A_203 : memref<1x80xi32, #tpu.memory_space<vmem>> -> memref<80xi32, #tpu.memory_space<vmem>>
        %dma_start3A_205 = arith.constant 0 : i32
        %dma_start3A_206 = arith.constant 0 : i32
        %dma_start3A_207 = tpu.memref_slice %arg2[%arg0, %dma_start3A_205, %dma_start3A_206] : memref<2x10000x128xf32, #tpu.memory_space<hbm>> -> memref<1x10000x128xf32, #tpu.memory_space<hbm>>
        %dma_start3A_208 = tpu.memref_squeeze %dma_start3A_207 : memref<1x10000x128xf32, #tpu.memory_space<hbm>> -> memref<10000x128xf32, #tpu.memory_space<hbm>>
        %dma_start3A_209 = arith.constant 0 : i32
        %dma_start3A_210 = arith.constant 0 : i32
        %dma_start3A_211 = tpu.memref_slice %dma_start3A_208[%dma_start3A_209, %dma_start3A_210] : memref<10000x128xf32, #tpu.memory_space<hbm>> -> memref<10000x128xf32, #tpu.memory_space<hbm>>
        tpu.enqueue_indirect_dma source(%dma_start3A_211 : memref<10000x128xf32, #tpu.memory_space<hbm>>) target(%arg13 : memref<80x128xf32, #tpu.memory_space<vmem>>) offsets(%dma_start3A_204 : memref<80xi32, #tpu.memory_space<vmem>>) semaphore(%arg18 : memref<!tpu.dma_semaphore, #tpu.memory_space<semaphore_mem>>)
      } else {
      }
      %dma_start3A_193 = arith.constant 0 : i32
      %dma_start3A_194 = tpu.memref_slice %arg10[%add3A_166, %dma_start3A_193] : memref<16x80xi32, #tpu.memory_space<vmem>> -> memref<1x80xi32, #tpu.memory_space<vmem>>
      %dma_start3A_195 = tpu.memref_squeeze %dma_start3A_194 : memref<1x80xi32, #tpu.memory_space<vmem>> -> memref<80xi32, #tpu.memory_space<vmem>>
      %dma_start3A_196 = arith.constant 0 : i32
      %dma_start3A_197 = arith.constant 0 : i32
      %dma_start3A_198 = tpu.memref_slice %arg8[%dma_start3A_196, %dma_start3A_197] : memref<10240x128xf32, #tpu.memory_space<vmem_shared>> -> memref<10240x128xf32, #tpu.memory_space<vmem_shared>>
      tpu.enqueue_indirect_dma source(%arg15 : memref<80x128xf32, #tpu.memory_space<vmem>>) target(%dma_start3A_198 : memref<10240x128xf32, #tpu.memory_space<vmem_shared>>) offsets(%dma_start3A_195 : memref<80xi32, #tpu.memory_space<vmem>>) semaphore(%arg20 : memref<!tpu.dma_semaphore, #tpu.memory_space<semaphore_mem>>) {add = true}
      %scan3A_199 = arith.constant 0 : i32
      scf.yield %scan3A_199 : i32
    }
    %scan3A_72 = arith.constant 6 : i32
    %dma_wait3A = arith.constant 12 : i32
    %dma_wait3A_73 = arith.constant 0 : i32
    %dma_wait3A_74 = tpu.memref_slice %arg9[%dma_wait3A, %dma_wait3A_73] : memref<16x80xi32, #tpu.memory_space<vmem>> -> memref<1x80xi32, #tpu.memory_space<vmem>>
    %dma_wait3A_75 = tpu.memref_squeeze %dma_wait3A_74 : memref<1x80xi32, #tpu.memory_space<vmem>> -> memref<80xi32, #tpu.memory_space<vmem>>
    %dma_wait3A_76 = arith.constant 0 : i32
    %dma_wait3A_77 = arith.constant 0 : i32
    %dma_wait3A_78 = tpu.memref_slice %arg2[%arg0, %dma_wait3A_76, %dma_wait3A_77] : memref<2x10000x128xf32, #tpu.memory_space<hbm>> -> memref<1x10000x128xf32, #tpu.memory_space<hbm>>
    %dma_wait3A_79 = tpu.memref_squeeze %dma_wait3A_78 : memref<1x10000x128xf32, #tpu.memory_space<hbm>> -> memref<10000x128xf32, #tpu.memory_space<hbm>>
    %dma_wait3A_80 = arith.constant 0 : i32
    %dma_wait3A_81 = arith.constant 0 : i32
    %dma_wait3A_82 = tpu.memref_slice %dma_wait3A_79[%dma_wait3A_80, %dma_wait3A_81] : memref<10000x128xf32, #tpu.memory_space<hbm>> -> memref<10000x128xf32, #tpu.memory_space<hbm>>
    tpu.wait_indirect_dma semaphore(%arg17 : memref<!tpu.dma_semaphore, #tpu.memory_space<semaphore_mem>>) src(%dma_wait3A_82 : memref<10000x128xf32, #tpu.memory_space<hbm>>) dst(%arg12 : memref<80x128xf32, #tpu.memory_space<vmem>>)
    %dma_wait3A_83 = arith.constant 0 : i32
    %dma_wait3A_84 = arith.constant 0 : i32
    %dma_wait3A_85 = tpu.memref_slice %arg10[%dma_wait3A_83, %dma_wait3A_84] : memref<16x80xi32, #tpu.memory_space<vmem>> -> memref<1x80xi32, #tpu.memory_space<vmem>>
    %dma_wait3A_86 = tpu.memref_squeeze %dma_wait3A_85 : memref<1x80xi32, #tpu.memory_space<vmem>> -> memref<80xi32, #tpu.memory_space<vmem>>
    %dma_wait3A_87 = arith.constant 0 : i32
    %dma_wait3A_88 = arith.constant 0 : i32
    %dma_wait3A_89 = tpu.memref_slice %arg8[%dma_wait3A_87, %dma_wait3A_88] : memref<10240x128xf32, #tpu.memory_space<vmem_shared>> -> memref<10240x128xf32, #tpu.memory_space<vmem_shared>>
    tpu.wait_indirect_dma semaphore(%arg19 : memref<!tpu.dma_semaphore, #tpu.memory_space<semaphore_mem>>) src(%arg14 : memref<80x128xf32, #tpu.memory_space<vmem>>) dst(%dma_wait3A_89 : memref<10240x128xf32, #tpu.memory_space<vmem_shared>>)
    %broadcast_in_dim3A = arith.constant 12 : i32
    %broadcast_in_dim3A_90 = vector.broadcast %broadcast_in_dim3A : i32 to vector<16xi32>
    %parallel_loop3A = arith.constant 0 : i32
    %parallel_loop3A_91 = arith.constant 80 : i32
    %parallel_loop3A_92 = arith.constant 1 : i32
    scf.for %parallel_loop3A_129 = %parallel_loop3A to %parallel_loop3A_91 step %parallel_loop3A_92  : i32 {
      %parallel_loop3A_130 = vector.broadcast %parallel_loop3A_129 : i32 to vector<16xi32>
      %parallel_loop3A_131 = tpu.vector_load_idx %arg11[%broadcast_in_dim3A_90, %parallel_loop3A_130] : memref<16x80xf32, #tpu.memory_space<vmem>>[vector<16xi32>, vector<16xi32>], vector<16xf32>,
      %parallel_loop3A_132 = arith.index_cast %parallel_loop3A_129 : i32 to index
      %parallel_loop3A_133 = arith.constant 0 : index
      %parallel_loop3A_134 = tpu.vector_load %arg12[%parallel_loop3A_132, %parallel_loop3A_133] {strides = array<i32>} : memref<80x128xf32, #tpu.memory_space<vmem>>, vector<16xf32>,
      %parallel_loop3A_135 = arith.mulf %parallel_loop3A_134, %parallel_loop3A_131 : vector<16xf32>
      %parallel_loop3A_136 = arith.index_cast %parallel_loop3A_129 : i32 to index
      %parallel_loop3A_137 = arith.constant 0 : index
      %parallel_loop3A_138 = tpu.vector_load %arg14[%parallel_loop3A_136, %parallel_loop3A_137] {strides = array<i32>} : memref<80x128xf32, #tpu.memory_space<vmem>>, vector<16xf32>,
      tpu.vector_store %arg14[%parallel_loop3A_136, %parallel_loop3A_137], %parallel_loop3A_135 {strides = array<i32>} : memref<80x128xf32, #tpu.memory_space<vmem>>, vector<16xf32>,
      %parallel_loop3A_139 = arith.index_cast %parallel_loop3A_129 : i32 to index
      %parallel_loop3A_140 = arith.constant 16 : index
      %parallel_loop3A_141 = tpu.vector_load %arg12[%parallel_loop3A_139, %parallel_loop3A_140] {strides = array<i32>} : memref<80x128xf32, #tpu.memory_space<vmem>>, vector<16xf32>,
      %parallel_loop3A_142 = arith.mulf %parallel_loop3A_141, %parallel_loop3A_131 : vector<16xf32>
      %parallel_loop3A_143 = arith.index_cast %parallel_loop3A_129 : i32 to index
      %parallel_loop3A_144 = arith.constant 16 : index
      %parallel_loop3A_145 = tpu.vector_load %arg14[%parallel_loop3A_143, %parallel_loop3A_144] {strides = array<i32>} : memref<80x128xf32, #tpu.memory_space<vmem>>, vector<16xf32>,
      tpu.vector_store %arg14[%parallel_loop3A_143, %parallel_loop3A_144], %parallel_loop3A_142 {strides = array<i32>} : memref<80x128xf32, #tpu.memory_space<vmem>>, vector<16xf32>,
      %parallel_loop3A_146 = arith.index_cast %parallel_loop3A_129 : i32 to index
      %parallel_loop3A_147 = arith.constant 32 : index
      %parallel_loop3A_148 = tpu.vector_load %arg12[%parallel_loop3A_146, %parallel_loop3A_147] {strides = array<i32>} : memref<80x128xf32, #tpu.memory_space<vmem>>, vector<16xf32>,
      %parallel_loop3A_149 = arith.mulf %parallel_loop3A_148, %parallel_loop3A_131 : vector<16xf32>
      %parallel_loop3A_150 = arith.index_cast %parallel_loop3A_129 : i32 to index
      %parallel_loop3A_151 = arith.constant 32 : index
      %parallel_loop3A_152 = tpu.vector_load %arg14[%parallel_loop3A_150, %parallel_loop3A_151] {strides = array<i32>} : memref<80x128xf32, #tpu.memory_space<vmem>>, vector<16xf32>,
      tpu.vector_store %arg14[%parallel_loop3A_150, %parallel_loop3A_151], %parallel_loop3A_149 {strides = array<i32>} : memref<80x128xf32, #tpu.memory_space<vmem>>, vector<16xf32>,
      %parallel_loop3A_153 = arith.index_cast %parallel_loop3A_129 : i32 to index
      %parallel_loop3A_154 = arith.constant 48 : index
      %parallel_loop3A_155 = tpu.vector_load %arg12[%parallel_loop3A_153, %parallel_loop3A_154] {strides = array<i32>} : memref<80x128xf32, #tpu.memory_space<vmem>>, vector<16xf32>,
      %parallel_loop3A_156 = arith.mulf %parallel_loop3A_155, %parallel_loop3A_131 : vector<16xf32>
      %parallel_loop3A_157 = arith.index_cast %parallel_loop3A_129 : i32 to index
      %parallel_loop3A_158 = arith.constant 48 : index
      %parallel_loop3A_159 = tpu.vector_load %arg14[%parallel_loop3A_157, %parallel_loop3A_158] {strides = array<i32>} : memref<80x128xf32, #tpu.memory_space<vmem>>, vector<16xf32>,
      tpu.vector_store %arg14[%parallel_loop3A_157, %parallel_loop3A_158], %parallel_loop3A_156 {strides = array<i32>} : memref<80x128xf32, #tpu.memory_space<vmem>>, vector<16xf32>,
      %parallel_loop3A_160 = arith.index_cast %parallel_loop3A_129 : i32 to index
      %parallel_loop3A_161 = arith.constant 64 : index
      %parallel_loop3A_162 = tpu.vector_load %arg12[%parallel_loop3A_160, %parallel_loop3A_161] {strides = array<i32>} : memref<80x128xf32, #tpu.memory_space<vmem>>, vector<16xf32>,
      %parallel_loop3A_163 = arith.mulf %parallel_loop3A_162, %parallel_loop3A_131 : vector<16xf32>
      %parallel_loop3A_164 = arith.index_cast %parallel_loop3A_129 : i32 to index
      %parallel_loop3A_165 = arith.constant 64 : index
      %parallel_loop3A_166 = tpu.vector_load %arg14[%parallel_loop3A_164, %parallel_loop3A_165] {strides = array<i32>} : memref<80x128xf32, #tpu.memory_space<vmem>>, vector<16xf32>,
      tpu.vector_store %arg14[%parallel_loop3A_164, %parallel_loop3A_165], %parallel_loop3A_163 {strides = array<i32>} : memref<80x128xf32, #tpu.memory_space<vmem>>, vector<16xf32>,
      %parallel_loop3A_167 = arith.index_cast %parallel_loop3A_129 : i32 to index
      %parallel_loop3A_168 = arith.constant 80 : index
      %parallel_loop3A_169 = tpu.vector_load %arg12[%parallel_loop3A_167, %parallel_loop3A_168] {strides = array<i32>} : memref<80x128xf32, #tpu.memory_space<vmem>>, vector<16xf32>,
      %parallel_loop3A_170 = arith.mulf %parallel_loop3A_169, %parallel_loop3A_131 : vector<16xf32>
      %parallel_loop3A_171 = arith.index_cast %parallel_loop3A_129 : i32 to index
      %parallel_loop3A_172 = arith.constant 80 : index
      %parallel_loop3A_173 = tpu.vector_load %arg14[%parallel_loop3A_171, %parallel_loop3A_172] {strides = array<i32>} : memref<80x128xf32, #tpu.memory_space<vmem>>, vector<16xf32>,
      tpu.vector_store %arg14[%parallel_loop3A_171, %parallel_loop3A_172], %parallel_loop3A_170 {strides = array<i32>} : memref<80x128xf32, #tpu.memory_space<vmem>>, vector<16xf32>,
      %parallel_loop3A_174 = arith.index_cast %parallel_loop3A_129 : i32 to index
      %parallel_loop3A_175 = arith.constant 96 : index
      %parallel_loop3A_176 = tpu.vector_load %arg12[%parallel_loop3A_174, %parallel_loop3A_175] {strides = array<i32>} : memref<80x128xf32, #tpu.memory_space<vmem>>, vector<16xf32>,
      %parallel_loop3A_177 = arith.mulf %parallel_loop3A_176, %parallel_loop3A_131 : vector<16xf32>
      %parallel_loop3A_178 = arith.index_cast %parallel_loop3A_129 : i32 to index
      %parallel_loop3A_179 = arith.constant 96 : index
      %parallel_loop3A_180 = tpu.vector_load %arg14[%parallel_loop3A_178, %parallel_loop3A_179] {strides = array<i32>} : memref<80x128xf32, #tpu.memory_space<vmem>>, vector<16xf32>,
      tpu.vector_store %arg14[%parallel_loop3A_178, %parallel_loop3A_179], %parallel_loop3A_177 {strides = array<i32>} : memref<80x128xf32, #tpu.memory_space<vmem>>, vector<16xf32>,
      %parallel_loop3A_181 = arith.index_cast %parallel_loop3A_129 : i32 to index
      %parallel_loop3A_182 = arith.constant 112 : index
      %parallel_loop3A_183 = tpu.vector_load %arg12[%parallel_loop3A_181, %parallel_loop3A_182] {strides = array<i32>} : memref<80x128xf32, #tpu.memory_space<vmem>>, vector<16xf32>,
      %parallel_loop3A_184 = arith.mulf %parallel_loop3A_183, %parallel_loop3A_131 : vector<16xf32>
      %parallel_loop3A_185 = arith.index_cast %parallel_loop3A_129 : i32 to index
      %parallel_loop3A_186 = arith.constant 112 : index
      %parallel_loop3A_187 = tpu.vector_load %arg14[%parallel_loop3A_185, %parallel_loop3A_186] {strides = array<i32>} : memref<80x128xf32, #tpu.memory_space<vmem>>, vector<16xf32>,
      tpu.vector_store %arg14[%parallel_loop3A_185, %parallel_loop3A_186], %parallel_loop3A_184 {strides = array<i32>} : memref<80x128xf32, #tpu.memory_space<vmem>>, vector<16xf32>,
    } {sc.loop_unroll_factor = 16 : i64, sc.parallel_access}
    %dma_start3A_93 = arith.constant 12 : i32
    %dma_start3A_94 = arith.constant 0 : i32
    %dma_start3A_95 = tpu.memref_slice %arg10[%dma_start3A_93, %dma_start3A_94] : memref<16x80xi32, #tpu.memory_space<vmem>> -> memref<1x80xi32, #tpu.memory_space<vmem>>
    %dma_start3A_96 = tpu.memref_squeeze %dma_start3A_95 : memref<1x80xi32, #tpu.memory_space<vmem>> -> memref<80xi32, #tpu.memory_space<vmem>>
    %dma_start3A_97 = arith.constant 0 : i32
    %dma_start3A_98 = arith.constant 0 : i32
    %dma_start3A_99 = tpu.memref_slice %arg8[%dma_start3A_97, %dma_start3A_98] : memref<10240x128xf32, #tpu.memory_space<vmem_shared>> -> memref<10240x128xf32, #tpu.memory_space<vmem_shared>>
    tpu.enqueue_indirect_dma source(%arg14 : memref<80x128xf32, #tpu.memory_space<vmem>>) target(%dma_start3A_99 : memref<10240x128xf32, #tpu.memory_space<vmem_shared>>) offsets(%dma_start3A_96 : memref<80xi32, #tpu.memory_space<vmem>>) semaphore(%arg19 : memref<!tpu.dma_semaphore, #tpu.memory_space<semaphore_mem>>) {add = true}
    %dma_wait3A_100 = arith.constant 0 : i32
    %dma_wait3A_101 = arith.constant 0 : i32
    %dma_wait3A_102 = tpu.memref_slice %arg10[%dma_wait3A_100, %dma_wait3A_101] : memref<16x80xi32, #tpu.memory_space<vmem>> -> memref<1x80xi32, #tpu.memory_space<vmem>>
    %dma_wait3A_103 = tpu.memref_squeeze %dma_wait3A_102 : memref<1x80xi32, #tpu.memory_space<vmem>> -> memref<80xi32, #tpu.memory_space<vmem>>
    %dma_wait3A_104 = arith.constant 0 : i32
    %dma_wait3A_105 = arith.constant 0 : i32
    %dma_wait3A_106 = tpu.memref_slice %arg8[%dma_wait3A_104, %dma_wait3A_105] : memref<10240x128xf32, #tpu.memory_space<vmem_shared>> -> memref<10240x128xf32, #tpu.memory_space<vmem_shared>>
    tpu.wait_indirect_dma semaphore(%arg19 : memref<!tpu.dma_semaphore, #tpu.memory_space<semaphore_mem>>) src(%arg14 : memref<80x128xf32, #tpu.memory_space<vmem>>) dst(%dma_wait3A_106 : memref<10240x128xf32, #tpu.memory_space<vmem_shared>>)
    %dma_wait3A_107 = arith.constant 0 : i32
    %dma_wait3A_108 = arith.constant 0 : i32
    %dma_wait3A_109 = tpu.memref_slice %arg10[%dma_wait3A_107, %dma_wait3A_108] : memref<16x80xi32, #tpu.memory_space<vmem>> -> memref<1x80xi32, #tpu.memory_space<vmem>>
    %dma_wait3A_110 = tpu.memref_squeeze %dma_wait3A_109 : memref<1x80xi32, #tpu.memory_space<vmem>> -> memref<80xi32, #tpu.memory_space<vmem>>
    %dma_wait3A_111 = arith.constant 0 : i32
    %dma_wait3A_112 = arith.constant 0 : i32
    %dma_wait3A_113 = tpu.memref_slice %arg8[%dma_wait3A_111, %dma_wait3A_112] : memref<10240x128xf32, #tpu.memory_space<vmem_shared>> -> memref<10240x128xf32, #tpu.memory_space<vmem_shared>>
    tpu.wait_indirect_dma semaphore(%arg20 : memref<!tpu.dma_semaphore, #tpu.memory_space<semaphore_mem>>) src(%arg15 : memref<80x128xf32, #tpu.memory_space<vmem>>) dst(%dma_wait3A_113 : memref<10240x128xf32, #tpu.memory_space<vmem_shared>>)
    %barrier3A_114 = arith.constant 0 : index
    tpu.barrier barrier_id(%barrier3A_114)
    %mul3A_115 = arith.constant 640 : i32
    %mul3A_116 = arith.muli %arg1, %mul3A_115 : i32
    %mul3A_117 = arith.constant 128 : i32
    %mul3A_118 = arith.muli %arg0, %mul3A_117 : i32
    %add3A_119 = arith.constant 640 : i32
    %add3A_120 = arith.addi %mul3A_116, %add3A_119 : i32
    %le3A = arith.constant 10000 : i32
    %le3A_121 = arith.cmpi sle, %add3A_120, %le3A : i32
    %convert_element_type3A = arith.extui %le3A_121 : i1 to i32
    %cond3A = arith.constant 0 : i32
    %cond3A_122 = arith.cmpi ne, %convert_element_type3A, %cond3A : i32
    scf.if %cond3A_122 {
      "tpu.region"() ({
        %run_scoped3A = tpu.sem_alloc : memref<!tpu.dma_semaphore, #tpu.memory_space<semaphore_mem>>
        %dma_start3A_129 = tpu.memref_slice %arg7[%mul3A_116, %mul3A_118] : memref<10000x256xf32, #tpu.memory_space<hbm>> -> memref<640x128xf32, #tpu.memory_space<hbm>>
        %dma_start3A_130 = arith.constant 0 : i32
        %dma_start3A_131 = tpu.memref_slice %arg8[%mul3A_116, %dma_start3A_130] : memref<10240x128xf32, #tpu.memory_space<vmem_shared>> -> memref<640x128xf32, #tpu.memory_space<vmem_shared>>
        tpu.enqueue_dma source(%dma_start3A_131 : memref<640x128xf32, #tpu.memory_space<vmem_shared>>) target(%dma_start3A_129 : memref<640x128xf32, #tpu.memory_space<hbm>>) target_semaphore(%run_scoped3A : memref<!tpu.dma_semaphore, #tpu.memory_space<semaphore_mem>>)
        %dma_wait3A_132 = tpu.memref_slice %arg7[%mul3A_116, %mul3A_118] : memref<10000x256xf32, #tpu.memory_space<hbm>> -> memref<640x128xf32, #tpu.memory_space<hbm>>
        %dma_wait3A_133 = arith.constant 0 : i32
        %dma_wait3A_134 = tpu.memref_slice %arg8[%mul3A_116, %dma_wait3A_133] : memref<10240x128xf32, #tpu.memory_space<vmem_shared>> -> memref<640x128xf32, #tpu.memory_space<vmem_shared>>
        tpu.wait_dma2 semaphore(%run_scoped3A : memref<!tpu.dma_semaphore, #tpu.memory_space<semaphore_mem>>) src(%dma_wait3A_134 : memref<640x128xf32, #tpu.memory_space<vmem_shared>>) dst(%dma_wait3A_132 : memref<640x128xf32, #tpu.memory_space<hbm>>)
        tpu.yield
      }) : () -> ()
    } else {
    }
    %add3A_123 = arith.constant 640 : i32
    %add3A_124 = arith.addi %mul3A_116, %add3A_123 : i32
    %gt3A = arith.constant 10000 : i32
    %gt3A_125 = arith.cmpi sgt, %add3A_124, %gt3A : i32
    %convert_element_type3A_126 = arith.extui %gt3A_125 : i1 to i32
    %cond3A_127 = arith.constant 0 : i32
    %cond3A_128 = arith.cmpi ne, %convert_element_type3A_126, %cond3A_127 : i32
    scf.if %cond3A_128 {
      "tpu.region"() ({
        %run_scoped3A = tpu.sem_alloc : memref<!tpu.dma_semaphore, #tpu.memory_space<semaphore_mem>>
        %dma_start3A_129 = tpu.memref_slice %arg7[%mul3A_116, %mul3A_118] : memref<10000x256xf32, #tpu.memory_space<hbm>> -> memref<400x128xf32, #tpu.memory_space<hbm>>
        %dma_start3A_130 = arith.constant 0 : i32
        %dma_start3A_131 = tpu.memref_slice %arg8[%mul3A_116, %dma_start3A_130] : memref<10240x128xf32, #tpu.memory_space<vmem_shared>> -> memref<400x128xf32, #tpu.memory_space<vmem_shared>>
        tpu.enqueue_dma source(%dma_start3A_131 : memref<400x128xf32, #tpu.memory_space<vmem_shared>>) target(%dma_start3A_129 : memref<400x128xf32, #tpu.memory_space<hbm>>) target_semaphore(%run_scoped3A : memref<!tpu.dma_semaphore, #tpu.memory_space<semaphore_mem>>)
        %dma_wait3A_132 = tpu.memref_slice %arg7[%mul3A_116, %mul3A_118] : memref<10000x256xf32, #tpu.memory_space<hbm>> -> memref<400x128xf32, #tpu.memory_space<hbm>>
        %dma_wait3A_133 = arith.constant 0 : i32
        %dma_wait3A_134 = tpu.memref_slice %arg8[%mul3A_116, %dma_wait3A_133] : memref<10240x128xf32, #tpu.memory_space<vmem_shared>> -> memref<400x128xf32, #tpu.memory_space<vmem_shared>>
        tpu.wait_dma2 semaphore(%run_scoped3A : memref<!tpu.dma_semaphore, #tpu.memory_space<semaphore_mem>>) src(%dma_wait3A_134 : memref<400x128xf32, #tpu.memory_space<vmem_shared>>) dst(%dma_wait3A_132 : memref<400x128xf32, #tpu.memory_space<hbm>>)
        tpu.yield
      }) : () -> ()
    } else {
    }
    return
  }
}

module attributes {stable_mosaic.version = 14 : i64} {
  func.func @_matmul_body(%arg0: i32, %arg1: i32, %arg2: memref<1000x256xf32, #tpu.memory_space<vmem>>, %arg3: memref<256x128xf32, #tpu.memory_space<vmem>>, %arg4: memref<1x1000x128xf32, #tpu.memory_space<vmem>>) attributes {dimension_semantics = [#tpu.dimension_semantics<arbitrary>, #tpu.dimension_semantics<arbitrary>], iteration_bounds = array<i64: 10, 2>, scalar_prefetch = 0 : i64, scratch_operands = 0 : i64, tpu.core_type = #tpu.core_type<tc>, window_params = [{transform_indices = @transform_0, window_bounds = array<i64: 1000, 256>}, {transform_indices = @transform_1, window_bounds = array<i64: 256, 128>}, {transform_indices = @transform_2, window_bounds = array<i64: 1, 1000, 128>}]} {
    %get3A = arith.constant 0 : index
    %get3A_0 = arith.constant 0 : index
    %get3A_1 = vector.load %arg2[%get3A, %get3A_0] : memref<1000x256xf32, #tpu.memory_space<vmem>>, vector<1000x256xf32>
    %get3A_2 = arith.constant 0 : index
    %get3A_3 = arith.constant 0 : index
    %get3A_4 = vector.load %arg3[%get3A_2, %get3A_3] : memref<256x128xf32, #tpu.memory_space<vmem>>, vector<256x128xf32>
    %dot_general3A = arith.constant dense<0.000000e+00> : vector<1000x128xf32>
    %dot_general3A_5 = tpu.matmul %get3A_1, %get3A_4, %dot_general3A {dimension_numbers = #tpu.dot_dimension_numbers<[1], [0], [0], [1], [0, 0, 1, 1], [], []>, transpose_lhs_hint = false} : vector<1000x256xf32>, vector<256x128xf32>, vector<1000x128xf32> -> vector<1000x128xf32>
    %swap3A = arith.constant 0 : index
    %swap3A_6 = arith.constant 0 : index
    %swap3A_7 = arith.constant 0 : index
    %swap3A_8 = vector.load %arg4[%swap3A, %swap3A_6, %swap3A_7] : memref<1x1000x128xf32, #tpu.memory_space<vmem>>, vector<1x1000x128xf32>
    %swap3A_9 = vector.shape_cast %swap3A_8 : vector<1x1000x128xf32> to vector<1000x128xf32>
    %swap3A_10 = vector.shape_cast %dot_general3A_5 : vector<1000x128xf32> to vector<1x1000x128xf32>
    tpu.vector_store %arg4[%swap3A, %swap3A_6, %swap3A_7], %swap3A_10 {strides = array<i32>} : memref<1x1000x128xf32, #tpu.memory_space<vmem>>, vector<1x1000x128xf32>,
    return
  }
  func.func @transform_0(%arg0: i32, %arg1: i32) -> (i32, i32) {
    %c0_i32 = arith.constant 0 : i32
    %c0_i32_0 = arith.constant 0 : i32
    return %arg0, %c0_i32 : i32, i32
  }
  func.func @transform_1(%arg0: i32, %arg1: i32) -> (i32, i32) {
    %c0_i32 = arith.constant 0 : i32
    %c0_i32_0 = arith.constant 0 : i32
    return %c0_i32, %arg1 : i32, i32
  }
  func.func @transform_2(%arg0: i32, %arg1: i32) -> (i32, i32, i32) {
    %c0_i32 = arith.constant 0 : i32
    %c0_i32_0 = arith.constant 0 : i32
    return %arg1, %arg0, %c0_i32 : i32, i32, i32
  }
}

</mosaic_0001>

<sc_bundles>
// kernel: kernel.4.cloned.1.call-start
scs
__scs_entry_jumppad:
0x0: {  	(pc) =	sbr.rel $0x88, $3  }
0x1: {  	(tag) =	ssettag $0x0;
	lr =	simm.s32 $0x1  }
0x2: {  	[smem:$0x3F9C] =	sst lr;
	_ =	strace $0xD0000000  }
0x3: {  	_ = 	snop  }
0x4: {  	_ = 	snop  }
0x5: {  	_ = 	snop  }
0x6: {  	_ = 	snop  }
0x7: {  	_ = 	snop  }
__scs_overlays_trampoline_lowered:
0x8: {  	[smem:$0x3FAB] =	sst s0  }
0x9: {  	[smem:$0x3FAC] =	sst s1  }
0xa: {  	[smem:$0x3FAD] =	sst s2  }
0xb: {  	[smem:$0x3FAE] =	sst s3  }
0xc: {  	[smem:$0x3FAF] =	sst s4  }
0xd: {  	[smem:$0x3FB0] =	sst s5  }
0xe: {  	[smem:$0x3FB1] =	sst s6  }
0xf: {  	[smem:$0x3FB2] =	sst s7  }
0x10: {  	[smem:$0x3FB3] =	sst s8  }
0x11: {  	[smem:$0x3FB4] =	sst s9;
	s0 =	simm.s32 @!p0 $0x0  }
0x12: {  	s1 =	sld [smem:$0x3F9A];
	s0 =	simm.s32 @p0 $0x1  }
0x13: {  	[smem:$0x3FB5] =	sst s0;
	s0 =	simm.s32 @!p1 $0x0  }
0x14: {  	s2 =	sld [smem:$0x3F99];
	s0 =	simm.s32 @p1 $0x1  }
0x15: {  	[smem:$0x3FB6] =	sst s0;
	s0 =	simm.s32 @!p2 $0x0  }
0x16: {  	s3 =	sld [smem:$0x3FDB];
	s0 =	simm.s32 @p2 $0x1  }
0x17: {  	s4 =	simm.s32 $0x1BF5;
	[smem:$0x3FB8] =	sst s0  }
0x18: {  	s0 =	sld [smem:$0x3F9B];
	_ =	swait.ge [sflag:s4], $0x0  }
0x19: {  	s7 =	sld [smem:$0x3F9C]  }
0x1a: {  	s8 =	sadd.s32 $0xFFFFE003, lr  }
0x1b: {  	s9 =	sadd.s32 $0xFFFFFEF7, lr;
	s5 =	simm.s32 $0xFFFFFFFF;
	p2 =	slt.u32 s8, $0xFFFFF086  }
0x1c: {  	p1 =	slt.u32 s9, $0xF7A;
	s5 =	simm.s32 @!p2 $0x0  }
0x1d: {  	s5 =	simm.s32 @p1 $0x1;
	p0 =	seq.s32 s7, s2  }
0x1e: {  	s7 =	smul.u32 @!p0 $0xF7A, s2;
	p2 =	seq.s32 @!p0 s5, $0x0  }
0x1f: {  	s9 =	smul.u32 $0xF7A, s1;
	s8 =	simm.s32 @!p0 $0x1BF5;
	p2 =	por !p2, p0  }
0x20: {  	[sflag:s8] =	ssyncset.s32 @!p0 $0xFFFFF086;
	s6 =	sadd.s32 @!p0 s3, s7;
	s7 =	simm.s32 @!p0 $0x108  }
0x21: {  	s3 =	sadd.s32 s3, s9;
	s6 =	sadd.s32 @!p0 $0x88, s6;
	s7 =	simm.s32 @p2 $0x1082  }
0x22: {  	[simem:s7], [sflag:s8] =	dma.local @!p0 [hbm:s6], $0xF7A  }
0x23: {  	s9 =	sor.u32 $0xD0000000, s2;
	s6 =	simm.s32 $0x108;
	_ =	swait.ge @!p0 [sflag:s8], $0x0  }
0x24: {  	s3 =	sadd.s32 $0x88, s3;
	s6 =	simm.s32 @!p1 $0x1082;
	[sflag:s4] =	ssyncset.s32 $0xFFFFF086  }
0x25: {  	[simem:s6], [sflag:s4] =	dma.local [hbm:s3], $0xF7A  }
0x26: {  	[smem:$0x3F9C] =	sst s1;
	(tag) =	ssettag s2;
	_ =	strace s9  }
0x27: {  	s1 =	sld [smem:$0x3FAC]  }
0x28: {  	s2 =	sld [smem:$0x3FAD]  }
0x29: {  	s4 =	sld [smem:$0x3FAF]  }
0x2a: {  	p0 =	seq.s32 s5, $0x0;
	s5 =	sld [smem:$0x3FB0]  }
0x2b: {  	s6 =	sld [smem:$0x3FB1]  }
0x2c: {  	s7 =	sld [smem:$0x3FB2]  }
0x2d: {  	s3 =	simm.s32 $0x108;
	s8 =	sld [smem:$0x3FB3]  }
0x2e: {  	s3 =	simm.s32 @!p0 $0x1082;
	s9 =	sld [smem:$0x3FB4]  }
0x2f: {  	lr =	sadd.s32 s0, s3;
	s0 =	sld [smem:$0x3FAB]  }
0x30: {  	s3 =	sld [smem:$0x3FAE]  }
0x31: {  	[smem:$0x3FB7] =	sst s10  }
0x32: {  	s10 =	sld [smem:$0x3FB5];
	_ =	sdelay $0x3  }
0x33: {  	p0 =	seq.s32 s10, $0x1;
	s10 =	sld [smem:$0x3FB7];
	_ =	sdelay $0x3  }
0x34: {  	[smem:$0x3FB7] =	sst s10  }
0x35: {  	s10 =	sld [smem:$0x3FB6];
	_ =	sdelay $0x3  }
0x36: {  	p1 =	seq.s32 s10, $0x1;
	s10 =	sld [smem:$0x3FB7];
	_ =	sdelay $0x3  }
0x37: {  	[smem:$0x3FB7] =	sst s10  }
0x38: {  	s10 =	sld [smem:$0x3FB8]  }
0x39: {  	_ = 	snop;
	(pc) =	sbr.ind lr, $3  }
0x3a: {  	_ = 	snop  }
0x3b: {  	_ = 	snop  }
0x3c: {  	p2 =	seq.s32 s10, $0x1;
	s10 =	sld [smem:$0x3FB7]  }
0x3d: {  	_ =	shalt  }
0x3e: {  	_ =	shalt  }
0x3f: {  	_ =	shalt  }
0x40: {  	_ =	shalt  }
0x41: {  	_ =	shalt  }
0x42: {  	_ =	shalt  }
0x43: {  	_ =	shalt  }
0x44: {  	_ =	shalt  }
0x45: {  	_ =	shalt  }
0x46: {  	_ =	shalt  }
0x47: {  	_ =	shalt  }
0x48: {  	_ =	shalt  }
0x49: {  	_ =	shalt  }
0x4a: {  	_ =	shalt  }
0x4b: {  	_ =	shalt  }
0x4c: {  	_ =	shalt  }
0x4d: {  	_ =	shalt  }
0x4e: {  	_ =	shalt  }
0x4f: {  	_ =	shalt  }
0x50: {  	_ =	shalt  }
0x51: {  	_ =	shalt  }
0x52: {  	_ =	shalt  }
0x53: {  	_ =	shalt  }
0x54: {  	_ =	shalt  }
0x55: {  	_ =	shalt  }
0x56: {  	_ =	shalt  }
0x57: {  	_ =	shalt  }
0x58: {  	_ =	shalt  }
0x59: {  	_ =	shalt  }
0x5a: {  	_ =	shalt  }
0x5b: {  	_ =	shalt  }
0x5c: {  	_ =	shalt  }
0x5d: {  	_ =	shalt  }
0x5e: {  	_ =	shalt  }
0x5f: {  	_ =	shalt  }
0x60: {  	_ =	shalt  }
0x61: {  	_ =	shalt  }
0x62: {  	_ =	shalt  }
0x63: {  	_ =	shalt  }
0x64: {  	_ =	shalt  }
0x65: {  	_ =	shalt  }
0x66: {  	_ =	shalt  }
0x67: {  	_ =	shalt  }
0x68: {  	_ =	shalt  }
0x69: {  	_ =	shalt  }
0x6a: {  	_ =	shalt  }
0x6b: {  	_ =	shalt  }
0x6c: {  	_ =	shalt  }
0x6d: {  	_ =	shalt  }
0x6e: {  	_ =	shalt  }
0x6f: {  	_ =	shalt  }
0x70: {  	_ =	shalt  }
0x71: {  	_ =	shalt  }
0x72: {  	_ =	shalt  }
0x73: {  	_ =	shalt  }
0x74: {  	_ =	shalt  }
0x75: {  	_ =	shalt  }
0x76: {  	_ =	shalt  }
0x77: {  	_ =	shalt  }
0x78: {  	_ =	shalt  }
0x79: {  	_ =	shalt  }
0x7a: {  	_ =	shalt  }
0x7b: {  	_ =	shalt  }
0x7c: {  	_ =	shalt  }
0x7d: {  	_ =	shalt  }
0x7e: {  	_ =	shalt  }
0x7f: {  	_ =	shalt  }
0x80: {  	_ =	shalt  }
0x81: {  	_ =	shalt  }
0x82: {  	_ =	shalt  }
0x83: {  	_ =	shalt  }
0x84: {  	_ =	shalt  }
0x85: {  	_ =	shalt  }
0x86: {  	_ =	shalt  }
0x87: {  	_ =	shalt  }
.Lfunc_end0:
.L_simem_size_0:
called_computation_lowered:
.L_overlay_start_0:
0x88: {  	s2 =	sld [smem:$0x3FD9]  }
0x89: {  	s3 =	sld [smem:$0x3FFE];
	_ =	sdelay $0x1  }
0x8a: {  	s1 =	srdreg.scid  }
0x8b: {  	s0 =	sand.u32 $0x1, s1  }
0x8c: {  	s17 =	sshll.u32 s0, $0xA;
	s2 =	sadd.s32 s3, s2  }
0x8d: {  	s2 =	sadd.s32 s2, s17  }
0x8e: {  	[smem:$0x3FC3] =	sst s2  }
0x8f: {  	_ = 	snop  }
0x90: {  	s2 =	sld [smem:$0x3FC5]  }
0x91: {  	s18 =	sld [smem:$0x3FD0];
	(tm) =	ssettm $0x1  }
0x92: {  	s4 =	sld [smem:$0x3FFB];
	_ =	sdelay $0x3  }
0x93: {  	_ =	strace s4  }
0x94: {  	s4 =	sld [smem:$0x3FFC];
	_ =	sdelay $0x3  }
0x95: {  	_ =	strace s4  }
0x96: {  	s4 =	sld [smem:$0x3FFD];
	_ =	sdelay $0x3  }
0x97: {  	_ =	strace s4  }
0x98: {  	_ =	strace $0x8FFFFFFF  }
0x99: {  	s19 =	sld [smem:$0x3FDB];
	_ =	sdelay $0x1  }
0x9a: {  	s5 =	simm.s32 $_scs_section_size  }
0x9b: {  	s6 =	simm.s32 $_size__tile_overlayer_lowered;
	s7 =	simm.s32 $_tile_overlayer_lowered  }
0x9c: {  	s22 =	simm.s32 $0x1BFF;
	s21 =	sshll.u32 s7, $0x1;
	s4 =	sadd.s32 s5, s19  }
0x9d: {  	s8 =	simm.s32 $0x0;
	s20 =	sshll.u32 s6, $0x1;
	s6 =	sadd.s32 s21, s4  }
0x9e: {  	[timem:s8], [sflag:s22] =	dma.local [hbm:s6], s20  }
0x9f: {  	_ =	swait.ge [sflag:s22], s20  }
0xa0: {  	s5 =	ssub.s32 $0x0, s20;
	[sflag:s22] =	ssyncset.done $0x0  }
0xa1: {  	[sflag:s22] =	ssyncadd.s32 s5;
	_ =	sdelay $0x1  }
0xa2: {  	s23 =	simm.s32 $0x1B8B  }
0xa3: {  	_ =	swait.ge [sflag:s23], $0x1  }
0xa4: {  	[sflag:s23] =	ssyncset.done $0x0  }
0xa5: {  	s25 =	simm.s32 $0x1B8E;
	s24 =	sld [smem:$0x3FFE];
	[sflag:s23] =	ssyncadd.s32 $0xFFFFFFFF  }
0xa6: {  	s26 =	simm.s32 $execute0_lowered;
	[smem:$0x3FD2] =	sst s25  }
0xa7: {  	s6 =	sshll.u32 s26, $0x1;
	_ =	strace $0x80000046;
	[dreg:$0x1] =	wrdreg $0xFFFFFFFF  }
0xa8: {  	s28 =	simm.s32 $_size_execute0_lowered;
	s4 =	sadd.s32 s4, s6;
	[dreg:$0x0] =	wrdreg $0x0  }
0xa9: {  	s6 =	sshll.u32 s28, $0x1;
	[dreg:$0x2] =	wrdreg s4  }
0xaa: {  	[dreg:$0x3] =	wrdreg s6  }
0xab: {  	[dreg:$0x4] =	wrdreg $0xC0  }
0xac: {  	_ =	task [dreg:s8], $0x5FFFF  }
0xad: {  	[dreg:$0x1] =	wrdreg $0xFFFFFFFF  }
0xae: {  	[dreg:$0x0] =	wrdreg $0x60  }
0xaf: {  	[dreg:$0x2] =	wrdreg s24  }
0xb0: {  	[dreg:$0x3] =	wrdreg s2  }
0xb1: {  	[dreg:$0x4] =	wrdreg s18  }
0xb2: {  	[dreg:$0x5] =	wrdreg $0x0  }
0xb3: {  	[dreg:$0x6] =	wrdreg $0x9  }
0xb4: {  	_ =	task.clear_ibuf [dreg:s8], $0x7FFFF;
	_ =	strace $0x90000046  }
0xb5: {  	s29 =	simm.s32 $0x9;
	_ =	strace $0x80000048  }
0xb6: {  	_ =	swait.ge [sflag:s29], $0x1  }
0xb7: {  	[sflag:s29] =	ssyncadd.s32 $0xFFFFFFFF  }
0xb8: {  	_ =	strace $0x90000048  }
0xb9: {  	_ =	sfence  }
0xba: {  	s30 =	sld [smem:$0x0];
	_ =	sdelay $0x2  }
0xbb: {  	s31 =	sshll.u32 s1, $0xD;
	s1 =	sshrl.u32 s1, $0x2  }
0xbc: {  	s3 =	sand.u32 $0x4000, s31;
	s1 =	sadd.s32 s1, s30  }
0xbd: {  	s0 =	sor.u32 s3, s0;
	s1 =	sshll.u32 s1, $0x11  }
0xbe: {  	s0 =	sor.u32 s1, s0  }
0xbf: {  	s0 =	sadd.s32 $0x8F2B, s0  }
0xc0: {  	[sflag:s0] =	ssyncadd.remote.s32 $0x1  }
0xc1: {  	_ =	sfence.sel $0xFFFF  }
0xc2: {  	[dreg:$0x0] =	wrdreg $0xFFFFFFFF;
	(pc) =	sbr.abs _section_cstart, $3  }
0xc3: {  	[dreg:$0x1] =	wrdreg $0xFFFFFFFF  }
0xc4: {  	_ =	task.clear_ibuf [dreg:s8], $0x2FFFF;
	_ =	strace $0x9FFFFFFF  }
0xc5: {  	(tm) =	ssettm $0x7FFFFFFF  }
tec
execute0_lowered:
.L_overlay_start_1:
0x0: {  	(tag) =	ssettag $0x1  }
0x1: {  	s0 =	rddreg [dreg:$0x0]  }
0x2: {  	s2 =	rddreg [dreg:$0x1]  }
0x3: {  	s3 =	rddreg [dreg:$0x2]  }
0x4: {  	s1 =	rddreg [dreg:$0x3]  }
0x5: {  	s4 =	srdreg.scid;
	s6 =	simm.s32 $0x0;
	s10 =	stileid.u32  }
0x6: {  	s28 =	simm.s32 $0x15800;
	s29 =	simm.s32 $0x14080;
	s30 =	simm.s32 $0x18000  }
0x7: {  	s31 =	simm.s32 $0x1;
	s4 =	sand.u32 $0x1, s4;
	s25 =	smul.u32 $0x50000, s10  }
0x8: {  	[smem:$0x7FF] =	sst s6;
	s7 =	sshll.u32 s10, $0xB;
	s20 =	smul.u32 $0x28000, s10  }
0x9: {  	p0 =	seq.s32 s10, $0xF;
	s5 =	smul.u32 $0x27100, s4;
	_ =	strace $0x80000047  }
0xa: {  	s26 =	ssub.s32 $0x2, s4;
	s9 =	sshll.u32 s4, $0x4;
	s22 =	sshll.u32 s4, $0xA  }
0xb: {  	s4 =	sshll.u32 s4, $0x7;
	s6 =	sshrl.u32 s25, $0x2;
	s8 =	sshrl.u32 s26, $0x1  }
0xc: {  	s2 =	sadd.s32 s2, s9;
	s24 =	sadd.s32 s4, s3;
	s5 =	sadd.s32 s5, s0  }
0xd: {  	s0 =	sadd.s32 s7, s0;
	[dreg:$0x6] =	wrdreg s2;
	s25 =	sadd.s32 $0x4B000, s24  }
0xe: {  	s11 =	sadd.s32 s6, s1;
	s12 =	ssub.s32 s26, s8;
	[dreg:$0xf] =	wrdreg s25  }
0xf: {  	s2 =	sor.u32 s22, s20;
	s14 =	sadd.s32 $0x2800, s11;
	[dreg:$0x5] =	wrdreg s11  }
0x10: {  	s22 =	simm.s32 $0x1A800;
	s15 =	sadd.s32 $0x5000, s11;
	[dreg:$0x7] =	wrdreg s14  }
0x11: {  	s24 =	simm.s32 $0x14800;
	s16 =	sadd.s32 $0x7800, s11;
	[dreg:$0x8] =	wrdreg s15  }
0x12: {  	s7 =	simm.s32 $0x0;
	s17 =	sadd.s32 $0xA000, s11;
	[dreg:$0x9] =	wrdreg s16  }
0x13: {  	s18 =	sadd.s32 $0xC800, s11;
	s19 =	sadd.s32 $0xF000, s11;
	[dreg:$0xa] =	wrdreg s17  }
0x14: {  	s21 =	sadd.s32 $0x11800, s11;
	s13 =	sadd.s32 $0x10200, s0;
	[dreg:$0xb] =	wrdreg s18  }
0x15: {  	s23 =	sshrl.u32 s2, $0x3;
	s26 =	smax.u32 s12, $0x1;
	[dreg:$0xc] =	wrdreg s19  }
0x16: {  	s25 =	simm.s32 $0x15000;
	s2 =	simm.s32 $0x3;
	[dreg:$0xd] =	wrdreg s21  }
0x17: {  	s14 =	sadd.s32 $0x8200, s0;
	s15 =	sadd.s32 $0x200, s0;
	s16 =	sadd.s32 $0x18200, s5  }
0x18: {  	s0 =	sadd.s32 s3, s23;
	[dreg:$0x10] =	wrdreg s26;
	s21 =	simm.s32 $0x5  }
0x19: {  	s23 =	simm.s32 $0x14000;
	s26 =	simm.s32 $0x50;
	s3 =	simm.s32 $0x1D000  }
0x1a: {  	s5 =	simm.s32 $0x4;
	[dreg:$0xe] =	wrdreg s0;
	s0 =	simm.s32 $0x2  }
.LBB2_1:
0x1b: {  	[dreg:$0x11] =	wrdreg s7  }
0x1c: {  	s4 =	simm.s32 $0x0;
	s6 =	rddreg [dreg:$0x6];
	s20 =	simm.s32 $0x1F800  }
0x1d: {  	[tilespmem:s20], [sflag:$0x5] =	stream.linear.gather [hbm4b:s6+s4], $0x80, $0x38;
	[tilespmem:$0x1F880] =	vst v63  }
0x1e: {  	_ =	swait.ge [sflag:s21], $0x80  }
0x1f: {  	[sflag:s21] =	ssyncset.done $0x0  }
0x20: {  	[sflag:s21] =	ssyncadd.s32 $0xFFFFFF80  }
0x21: {  	s7 =	simm.s32 $0x0;
	s4 =	simm.s32 $0x200;
	v0 =	vld [tilespmem:$0x1F800]  }
.LBB2_2:
0x22: {  	p1 =	sne.s32 s4, $0x9E00;
	_ =	sdelay $0x2  }
0x23: {  	s8 =	sshra.s32 s7, $0x2;
	s7 =	smov.u32 s4  }
0x24: {  	[tilespmem:s8+$0x1A800] =	vst v0  }
0x25: {  	v0 =	vld [tilespmem:$0x1F810];
	_ =	sdelay $0x4  }
0x26: {  	[tilespmem:s8+$0x1A810] =	vst v0  }
0x27: {  	v0 =	vld [tilespmem:$0x1F820];
	_ =	sdelay $0x4  }
0x28: {  	[tilespmem:s8+$0x1A820] =	vst v0  }
0x29: {  	v0 =	vld [tilespmem:$0x1F830];
	_ =	sdelay $0x4  }
0x2a: {  	[tilespmem:s8+$0x1A830] =	vst v0  }
0x2b: {  	v0 =	vld [tilespmem:$0x1F840];
	_ =	sdelay $0x4  }
0x2c: {  	[tilespmem:s8+$0x1A840] =	vst v0  }
0x2d: {  	v0 =	vld [tilespmem:$0x1F850];
	_ =	sdelay $0x4  }
0x2e: {  	[tilespmem:s8+$0x1A850] =	vst v0  }
0x2f: {  	v0 =	vld [tilespmem:$0x1F860];
	_ =	sdelay $0x4  }
0x30: {  	[tilespmem:s8+$0x1A860] =	vst v0  }
0x31: {  	v0 =	vld [tilespmem:$0x1F870];
	_ =	sdelay $0x1  }
.Ltmp0:
0x32: {  	(pc) =	sbr.rel @p1 .LBB2_2-.Ltmp0, $3  }
0x33: {  	_ =	sdelay $0x1  }
0x34: {  	[tilespmem:s8+$0x1A870] =	vst v0  }
0x35: {  	s4 =	sadd.s32 $0x200, s4;
	v0 =	vld [tilespmem:$0x1F800]  }
0x36: {  	_ =	sdelay $0x2  }
0x37: {  	s4 =	sshra.s32 s7, $0x2  }
0x38: {  	[tilespmem:s4+$0x1A800] =	vst v0  }
0x39: {  	v0 =	vld [tilespmem:$0x1F810];
	_ =	sdelay $0x4  }
0x3a: {  	[tilespmem:s4+$0x1A810] =	vst v0  }
0x3b: {  	v0 =	vld [tilespmem:$0x1F820];
	_ =	sdelay $0x4  }
0x3c: {  	[tilespmem:s4+$0x1A820] =	vst v0  }
0x3d: {  	v0 =	vld [tilespmem:$0x1F830];
	_ =	sdelay $0x4  }
0x3e: {  	[tilespmem:s4+$0x1A830] =	vst v0  }
0x3f: {  	v0 =	vld [tilespmem:$0x1F840];
	_ =	sdelay $0x4  }
0x40: {  	[tilespmem:s4+$0x1A840] =	vst v0  }
0x41: {  	v0 =	vld [tilespmem:$0x1F850];
	_ =	sdelay $0x4  }
0x42: {  	[tilespmem:s4+$0x1A850] =	vst v0  }
0x43: {  	v0 =	vld [tilespmem:$0x1F860];
	_ =	sdelay $0x4  }
0x44: {  	[tilespmem:s4+$0x1A860] =	vst v0  }
0x45: {  	v0 =	vld [tilespmem:$0x1F870];
	_ =	sdelay $0x4  }
0x46: {  	[tilespmem:s4+$0x1A870] =	vst v0  }
0x47: {  	[spmem:s11] =	stream.linear.scatter [tilespmem:s22], [sflag:$0x5], $0x2800, $0x38;
	[tilespmem:$0x1F880] =	vst v63  }
0x48: {  	_ =	swait.ge [sflag:s21], $0x2800  }
0x49: {  	[sflag:s21] =	ssyncset.done $0x0  }
0x4a: {  	s10 =	rddreg [dreg:$0x7];
	[sflag:s21] =	ssyncadd.s32 $0xFFFFD800  }
0x4b: {  	[spmem:s10] =	stream.linear.scatter [tilespmem:s22], [sflag:$0x5], $0x2800, $0x38;
	[tilespmem:$0x1F880] =	vst v63  }
0x4c: {  	_ =	swait.ge [sflag:s21], $0x2800  }
0x4d: {  	[sflag:s21] =	ssyncset.done $0x0  }
0x4e: {  	s11 =	rddreg [dreg:$0x8];
	[sflag:s21] =	ssyncadd.s32 $0xFFFFD800  }
0x4f: {  	[spmem:s11] =	stream.linear.scatter [tilespmem:s22], [sflag:$0x5], $0x2800, $0x38;
	[tilespmem:$0x1F880] =	vst v63  }
0x50: {  	_ =	swait.ge [sflag:s21], $0x2800  }
0x51: {  	[sflag:s21] =	ssyncset.done $0x0  }
0x52: {  	s12 =	rddreg [dreg:$0x9];
	[sflag:s21] =	ssyncadd.s32 $0xFFFFD800  }
0x53: {  	[spmem:s12] =	stream.linear.scatter [tilespmem:s22], [sflag:$0x5], $0x2800, $0x38;
	[tilespmem:$0x1F880] =	vst v63  }
0x54: {  	_ =	swait.ge [sflag:s21], $0x2800  }
0x55: {  	[sflag:s21] =	ssyncset.done $0x0  }
0x56: {  	s17 =	rddreg [dreg:$0xa];
	[sflag:s21] =	ssyncadd.s32 $0xFFFFD800  }
0x57: {  	[spmem:s17] =	stream.linear.scatter [tilespmem:s22], [sflag:$0x5], $0x2800, $0x38;
	[tilespmem:$0x1F880] =	vst v63  }
0x58: {  	_ =	swait.ge [sflag:s21], $0x2800  }
0x59: {  	[sflag:s21] =	ssyncset.done $0x0  }
0x5a: {  	s18 =	rddreg [dreg:$0xb];
	[sflag:s21] =	ssyncadd.s32 $0xFFFFD800  }
0x5b: {  	[spmem:s18] =	stream.linear.scatter [tilespmem:s22], [sflag:$0x5], $0x2800, $0x38;
	[tilespmem:$0x1F880] =	vst v63  }
0x5c: {  	_ =	swait.ge [sflag:s21], $0x2800  }
0x5d: {  	[sflag:s21] =	ssyncset.done $0x0  }
0x5e: {  	s19 =	rddreg [dreg:$0xc];
	[sflag:s21] =	ssyncadd.s32 $0xFFFFD800  }
0x5f: {  	[spmem:s19] =	stream.linear.scatter [tilespmem:s22], [sflag:$0x5], $0x2800, $0x38;
	[tilespmem:$0x1F880] =	vst v63  }
0x60: {  	_ =	swait.ge [sflag:s21], $0x2800  }
0x61: {  	[sflag:s21] =	ssyncset.done $0x0  }
0x62: {  	s20 =	rddreg [dreg:$0xd];
	[sflag:s21] =	ssyncadd.s32 $0xFFFFD800  }
0x63: {  	[spmem:s20] =	stream.linear.scatter [tilespmem:s22], [sflag:$0x5], $0x2800, $0x38;
	[tilespmem:$0x1F880] =	vst v63  }
.Ltmp1:
0x64: {  	_ =	swait.ge [sflag:s21], $0x2800;
	(pc) =	sbr.rel .LBB2_4-.Ltmp1, $4  }
0x65: {  	[sflag:s21] =	ssyncset.done $0x0  }
0x66: {  	[sflag:s21] =	ssyncadd.s32 $0xFFFFD800  }
0x67: {  	[bflag:$0x0] =	sbarrier.arrive $0xFFFF  }
0x68: {  	s7 =	simm.s32 $0x0;
	s8 =	simm.s32 $0x0  }
.LBB2_11:
0x69: {  	s4 =	simm.s32 $0x14F80;
	s8 =	sadd.s32 $0x1, s8  }
0x6a: {  	[spmem:s1] =	stream.indirect.scatter.add.f32 [tilespmem:s3], [sflag:$0x4], $0x80, s4, s26, $0xb8;
	[tilespmem:$0x1F880] =	vst v63  }
0x6b: {  	p1 =	sne.s32 s8, $0x7;
	_ =	swait.ge [sflag:s2], $0x2800  }
.Ltmp2:
0x6c: {  	[sflag:s2] =	ssyncset.done $0x0;
	(pc) =	sbr.rel @!p1 .LBB2_12-.Ltmp2, $4  }
0x6d: {  	[sflag:s2] =	ssyncadd.s32 $0xFFFFD800  }
0x6e: {  	_ =	swait.ge [sflag:s5], $0x2800  }
0x6f: {  	[sflag:s5] =	ssyncset.done $0x0  }
0x70: {  	[sflag:s5] =	ssyncadd.s32 $0xFFFFD800  }
.LBB2_4:
0x71: {  	s4 =	sshll.u32 s8, $0x8  }
0x72: {  	s9 =	sadd.s32 s4, s13  }
0x73: {  	[tilespmem:s23], [sflag:$0x5] =	stream.linear.gather [hbm4b:s9+s7], $0x800, $0x38;
	[tilespmem:$0x1F880] =	vst v63  }
0x74: {  	_ =	swait.ge [sflag:s21], $0x800  }
0x75: {  	[sflag:s21] =	ssyncset.done $0x0  }
0x76: {  	s20 =	sadd.s32 s4, s14;
	[sflag:s21] =	ssyncadd.s32 $0xFFFFF800  }
0x77: {  	[tilespmem:s24], [sflag:$0x5] =	stream.linear.gather [hbm4b:s20+s7], $0x800, $0x38;
	[tilespmem:$0x1F880] =	vst v63  }
0x78: {  	_ =	swait.ge [sflag:s21], $0x800  }
0x79: {  	[sflag:s21] =	ssyncset.done $0x0  }
0x7a: {  	s4 =	sadd.s32 s4, s15;
	[sflag:s21] =	ssyncadd.s32 $0xFFFFF800  }
0x7b: {  	[tilespmem:s25], [sflag:$0x5] =	stream.linear.gather [hbm4b:s4+s7], $0x800, $0x38;
	[tilespmem:$0x1F880] =	vst v63  }
0x7c: {  	_ =	swait.ge [sflag:s21], $0x800  }
0x7d: {  	[sflag:s21] =	ssyncset.done $0x0  }
0x7e: {  	[sflag:s21] =	ssyncadd.s32 $0xFFFFF800  }
0x7f: {  	[tilespmem:s28], [sflag:$0x1] =	stream.indirect.gather [hbm4b:s16+s26], $0x80, s23, s26, $0xb8;
	[tilespmem:$0x1F880] =	vst v63  }
0x80: {  	s9 =	simm.s32 $0x0  }
0x81: {  	[tilespmem:s30], [sflag:$0x2] =	stream.indirect.gather [hbm4b:s16+s26], $0x80, s29, s26, $0xb8;
	[tilespmem:$0x1F880] =	vst v63  }
.LBB2_5:
0x82: {  	_ =	swait.ge [sflag:s31], $0x2800  }
0x83: {  	p1 =	seq.s32 s9, $0x0;
	[sflag:s31] =	ssyncset.done $0x0  }
0x84: {  	s4 =	simm.s32 @!p1 $0x3;
	[sflag:s31] =	ssyncadd.s32 $0xFFFFD800  }
0x85: {  	s10 =	sshll.u32 s9, $0x1;
	_ =	swait.ge @!p1 [sflag:s4], $0x2800  }
0x86: {  	s11 =	sshll.u32 s10, $0x7;
	[sflag:s4] =	ssyncset.done @!p1 $0x0  }
0x87: {  	v0 =	vmov s11;
	s11 =	simm.s32 $0x0;
	[sflag:s4] =	ssyncadd.s32 @!p1 $0xFFFFD800  }
.LBB2_6:
0x88: {  	s18 =	sshll.u32 s11, $0x7  }
0x89: {  	v3 =	vld [tilespmem:s18+$0x15800]  }
0x8a: {  	v4 =	vld [tilespmem:s18+$0x15810]  }
0x8b: {  	v5 =	vld [tilespmem:s18+$0x15820]  }
0x8c: {  	v6 =	vld [tilespmem:s18+$0x15830]  }
0x8d: {  	v7 =	vld [tilespmem:s18+$0x15840]  }
0x8e: {  	v8 =	vld [tilespmem:s18+$0x15850]  }
0x8f: {  	s4 =	sor.u32 $0x1, s11;
	v9 =	vld [tilespmem:s18+$0x15860]  }
0x90: {  	v1 =	vmov s11;
	v2 =	vmov s4;
	v10 =	vld [tilespmem:s18+$0x15870];
	s4 =	sshll.u32 s4, $0x7  }
0x91: {  	v1 =	vand.u32 $0x70, v1;
	v12 =	vld [tilespmem:s4+$0x15800]  }
0x92: {  	v1 =	vor.u32 v0, v1;
	v13 =	vld [tilespmem:s4+$0x15810]  }
0x93: {  	v14 =	vld [tilespmem:s4+$0x15820];
	v1 =	vbroadcast v1, $0x0  }
0x94: {  	v15 =	vld [tilespmem:s4+$0x15830]  }
0x95: {  	v16 =	vld [tilespmem:s4+$0x15840]  }
0x96: {  	v17 =	vld [tilespmem:s4+$0x15850]  }
0x97: {  	v18 =	vld [tilespmem:s4+$0x15860]  }
0x98: {  	s12 =	sor.u32 $0x2, s11;
	v19 =	vld [tilespmem:s4+$0x15870]  }
0x99: {  	s17 =	sshll.u32 s12, $0x7;
	v2 =	vand.u32 $0x71, v2;
	v1 =	vld.idx.msk [tilespmem:v1+s25+$0x0], $0xffff  }
0x9a: {  	v21 =	vld [tilespmem:s17+$0x15800];
	v2 =	vor.u32 v0, v2  }
0x9b: {  	v22 =	vld [tilespmem:s17+$0x15810];
	v2 =	vbroadcast v2, $0x0  }
0x9c: {  	v23 =	vld [tilespmem:s17+$0x15820]  }
0x9d: {  	v24 =	vld [tilespmem:s17+$0x15830]  }
0x9e: {  	v26 =	vld [tilespmem:s17+$0x15840];
	v3 =	vmul.f32 v3, v1  }
0x9f: {  	v28 =	vld [tilespmem:s17+$0x15850];
	v4 =	vmul.f32 v4, v1  }
0xa0: {  	v11 =	vmov s12;
	v29 =	vld [tilespmem:s17+$0x15860];
	[tilespmem:s18+$0x1A800] =	vst v3;
	v3 =	vmul.f32 v5, v1  }
0xa1: {  	s19 =	sor.u32 $0x3, s11;
	v11 =	vand.u32 $0x72, v11;
	v2 =	vld.idx.msk [tilespmem:v2+s25+$0x0], $0xffff;
	v27 =	vmul.f32 v6, v1;
	[tilespmem:s18+$0x1A810] =	vst v4  }
0xa2: {  	s12 =	sshll.u32 s19, $0x7;
	v31 =	vld [tilespmem:s17+$0x15870];
	v11 =	vor.u32 v0, v11;
	[tilespmem:s18+$0x1A820] =	vst v3;
	v3 =	vmul.f32 v7, v1  }
0xa3: {  	v34 =	vld [tilespmem:s12+$0x15800];
	v11 =	vbroadcast v11, $0x0;
	v30 =	vmul.f32 v8, v1;
	[tilespmem:s18+$0x1A830] =	vst v27  }
0xa4: {  	v36 =	vld [tilespmem:s12+$0x15810];
	[tilespmem:s18+$0x1A840] =	vst v3;
	v3 =	vmul.f32 v9, v1  }
0xa5: {  	v37 =	vld [tilespmem:s12+$0x15820];
	[tilespmem:s18+$0x1A850] =	vst v30;
	v1 =	vmul.f32 v10, v1  }
0xa6: {  	v38 =	vld [tilespmem:s12+$0x15830];
	[tilespmem:s18+$0x1A860] =	vst v3;
	v3 =	vmul.f32 v12, v2  }
0xa7: {  	v39 =	vld [tilespmem:s12+$0x15840];
	[tilespmem:s18+$0x1A870] =	vst v1;
	v1 =	vmul.f32 v13, v2  }
0xa8: {  	v20 =	vmov s19;
	v40 =	vld [tilespmem:s12+$0x15850];
	[tilespmem:s4+$0x1A800] =	vst v3;
	v3 =	vmul.f32 v14, v2  }
0xa9: {  	v20 =	vand.u32 $0x73, v20;
	v11 =	vld.idx.msk [tilespmem:v11+s25+$0x0], $0xffff;
	[tilespmem:s4+$0x1A810] =	vst v1;
	v1 =	vmul.f32 v15, v2  }
0xaa: {  	s20 =	sor.u32 $0x5, s11;
	v41 =	vld [tilespmem:s12+$0x15860];
	v20 =	vor.u32 v0, v20;
	[tilespmem:s4+$0x1A820] =	vst v3;
	v3 =	vmul.f32 v16, v2  }
0xab: {  	s19 =	sshll.u32 s20, $0x7;
	v42 =	vld [tilespmem:s12+$0x15870];
	v20 =	vbroadcast v20, $0x0;
	[tilespmem:s4+$0x1A830] =	vst v1;
	v1 =	vmul.f32 v17, v2  }
0xac: {  	v54 =	vld [tilespmem:s19+$0x15800];
	[tilespmem:s4+$0x1A840] =	vst v3;
	v3 =	vmul.f32 v18, v2  }
0xad: {  	s6 =	sor.u32 $0x4, s11;
	v55 =	vld [tilespmem:s19+$0x15810];
	[tilespmem:s4+$0x1A850] =	vst v1;
	v1 =	vmul.f32 v19, v2  }
0xae: {  	v33 =	vmov s6;
	v56 =	vld [tilespmem:s19+$0x15820];
	[tilespmem:s4+$0x1A860] =	vst v3;
	v3 =	vmul.f32 v21, v11  }
0xaf: {  	v35 =	vand.u32 $0x74, v33;
	v57 =	vld [tilespmem:s19+$0x15830];
	[tilespmem:s4+$0x1A870] =	vst v1;
	v1 =	vmul.f32 v22, v11  }
0xb0: {  	v58 =	vld [tilespmem:s19+$0x15840];
	v10 =	vor.u32 v0, v35;
	[tilespmem:s17+$0x1A800] =	vst v3;
	v3 =	vmul.f32 v23, v11  }
0xb1: {  	v32 =	vld.idx.msk [tilespmem:v20+s25+$0x0], $0xffff;
	v10 =	vbroadcast v10, $0x0;
	[tilespmem:s17+$0x1A810] =	vst v1;
	v1 =	vmul.f32 v24, v11  }
0xb2: {  	v59 =	vld [tilespmem:s19+$0x15850];
	[tilespmem:s17+$0x1A820] =	vst v3;
	v3 =	vmul.f32 v26, v11  }
0xb3: {  	v60 =	vld [tilespmem:s19+$0x15860];
	[tilespmem:s17+$0x1A830] =	vst v1;
	v1 =	vmul.f32 v28, v11  }
0xb4: {  	v61 =	vld [tilespmem:s19+$0x15870];
	s18 =	sshll.u32 s6, $0x7;
	[tilespmem:s17+$0x1A840] =	vst v3;
	v3 =	vmul.f32 v29, v11  }
0xb5: {  	v44 =	vld [tilespmem:s18+$0x15800];
	[tilespmem:s17+$0x1A850] =	vst v1;
	v1 =	vmul.f32 v31, v11  }
0xb6: {  	v43 =	vmov s20;
	v45 =	vld [tilespmem:s18+$0x15810];
	[tilespmem:s17+$0x1A860] =	vst v3;
	v3 =	vmul.f32 v34, v32  }
0xb7: {  	v2 =	vld.idx.msk [tilespmem:v10+s25+$0x0], $0xffff;
	v10 =	vand.u32 $0x75, v43;
	[tilespmem:s17+$0x1A870] =	vst v1;
	v1 =	vmul.f32 v36, v32  }
0xb8: {  	v46 =	vld [tilespmem:s18+$0x15820];
	v10 =	vor.u32 v0, v10;
	[tilespmem:s12+$0x1A800] =	vst v3;
	v3 =	vmul.f32 v37, v32  }
0xb9: {  	v47 =	vld [tilespmem:s18+$0x15830];
	v10 =	vbroadcast v10, $0x0;
	[tilespmem:s12+$0x1A810] =	vst v1;
	v1 =	vmul.f32 v38, v32  }
0xba: {  	v48 =	vld [tilespmem:s18+$0x15840];
	[tilespmem:s12+$0x1A820] =	vst v3;
	v3 =	vmul.f32 v39, v32  }
0xbb: {  	v49 =	vld [tilespmem:s18+$0x15850];
	[tilespmem:s12+$0x1A830] =	vst v1;
	v1 =	vmul.f32 v40, v32  }
0xbc: {  	s20 =	sor.u32 $0x7, s11;
	s6 =	sor.u32 $0x6, s11;
	v50 =	vld [tilespmem:s18+$0x15860];
	[tilespmem:s12+$0x1A840] =	vst v3;
	v3 =	vmul.f32 v41, v32  }
0xbd: {  	v62 =	vmov s20;
	v51 =	vld [tilespmem:s18+$0x15870];
	s4 =	sshll.u32 s6, $0x7;
	[tilespmem:s12+$0x1A850] =	vst v1;
	v1 =	vmul.f32 v42, v32  }
0xbe: {  	v53 =	vmov s6;
	v18 =	vand.u32 $0x77, v62;
	v63 =	vld [tilespmem:s4+$0x15800];
	[tilespmem:s12+$0x1A860] =	vst v3;
	v3 =	vmul.f32 v44, v2  }
0xbf: {  	v18 =	vor.u32 v0, v18;
	v52 =	vld.idx.msk [tilespmem:v10+s25+$0x0], $0xffff;
	v10 =	vand.u32 $0x76, v53;
	[tilespmem:s12+$0x1A870] =	vst v1;
	v1 =	vmul.f32 v45, v2  }
0xc0: {  	v18 =	vbroadcast v18, $0x0;
	v25 =	vld [tilespmem:s4+$0x15820];
	v10 =	vor.u32 v0, v10;
	[tilespmem:s18+$0x1A800] =	vst v3;
	v3 =	vmul.f32 v46, v2  }
0xc1: {  	v27 =	vld [tilespmem:s4+$0x15840];
	v10 =	vbroadcast v10, $0x0;
	[tilespmem:s18+$0x1A810] =	vst v1;
	v1 =	vmul.f32 v47, v2  }
0xc2: {  	v24 =	vld [tilespmem:s4+$0x15810];
	[tilespmem:s18+$0x1A820] =	vst v3;
	v3 =	vmul.f32 v48, v2  }
0xc3: {  	v26 =	vld [tilespmem:s4+$0x15830];
	[tilespmem:s18+$0x1A830] =	vst v1;
	v1 =	vmul.f32 v49, v2  }
0xc4: {  	v28 =	vld [tilespmem:s4+$0x15860];
	[tilespmem:s18+$0x1A840] =	vst v3;
	v3 =	vmul.f32 v50, v2  }
0xc5: {  	v29 =	vld [tilespmem:s4+$0x15870];
	[tilespmem:s18+$0x1A850] =	vst v1;
	v1 =	vmul.f32 v51, v2  }
0xc6: {  	v30 =	vld.idx.msk [tilespmem:v18+s25+$0x0], $0xffff;
	s12 =	sor.u32 $0x8, s11;
	[tilespmem:s18+$0x1A860] =	vst v3;
	v3 =	vmul.f32 v54, v52  }
0xc7: {  	v10 =	vld.idx.msk [tilespmem:v10+s25+$0x0], $0xffff;
	s17 =	sshll.u32 s12, $0x7;
	[tilespmem:s18+$0x1A870] =	vst v1;
	v1 =	vmul.f32 v55, v52  }
0xc8: {  	v42 =	vld [tilespmem:s17+$0x15800];
	[tilespmem:s19+$0x1A800] =	vst v3;
	v3 =	vmul.f32 v56, v52  }
0xc9: {  	v43 =	vld [tilespmem:s17+$0x15820];
	[tilespmem:s19+$0x1A810] =	vst v1;
	v1 =	vmul.f32 v57, v52  }
0xca: {  	v44 =	vld [tilespmem:s17+$0x15830];
	[tilespmem:s19+$0x1A820] =	vst v3;
	v3 =	vmul.f32 v58, v52  }
0xcb: {  	v45 =	vld [tilespmem:s17+$0x15840];
	[tilespmem:s19+$0x1A830] =	vst v1;
	v1 =	vmul.f32 v59, v52  }
0xcc: {  	v46 =	vld [tilespmem:s17+$0x15850];
	[tilespmem:s19+$0x1A840] =	vst v3;
	v3 =	vmul.f32 v60, v52  }
0xcd: {  	v31 =	vmov s12;
	v47 =	vld [tilespmem:s17+$0x15860];
	[tilespmem:s19+$0x1A850] =	vst v1;
	v1 =	vmul.f32 v61, v52  }
0xce: {  	v13 =	vand.u32 $0x78, v31;
	v2 =	vld [tilespmem:s4+$0x15850];
	[tilespmem:s19+$0x1A860] =	vst v3;
	v3 =	vmul.f32 v63, v10  }
0xcf: {  	v13 =	vor.u32 v0, v13;
	v48 =	vld [tilespmem:s17+$0x15870];
	s18 =	sshll.u32 s20, $0x7;
	[tilespmem:s19+$0x1A870] =	vst v1;
	v1 =	vmul.f32 v24, v10  }
0xd0: {  	v13 =	vbroadcast v13, $0x0;
	v32 =	vld [tilespmem:s18+$0x15800];
	[tilespmem:s4+$0x1A800] =	vst v3;
	v3 =	vmul.f32 v25, v10  }
0xd1: {  	v33 =	vld [tilespmem:s18+$0x15810];
	[tilespmem:s4+$0x1A810] =	vst v1;
	v1 =	vmul.f32 v26, v10  }
0xd2: {  	v34 =	vld [tilespmem:s18+$0x15820];
	[tilespmem:s4+$0x1A820] =	vst v3;
	v3 =	vmul.f32 v27, v10  }
0xd3: {  	v35 =	vld [tilespmem:s18+$0x15830];
	[tilespmem:s4+$0x1A830] =	vst v1;
	v1 =	vmul.f32 v2, v10  }
0xd4: {  	v36 =	vld [tilespmem:s18+$0x15840];
	s19 =	sor.u32 $0x9, s11;
	[tilespmem:s4+$0x1A840] =	vst v3;
	v3 =	vmul.f32 v28, v10  }
0xd5: {  	v37 =	vld [tilespmem:s18+$0x15850];
	v41 =	vmov s19;
	[tilespmem:s4+$0x1A850] =	vst v1;
	v1 =	vmul.f32 v29, v10  }
0xd6: {  	v40 =	vld.idx.msk [tilespmem:v13+s25+$0x0], $0xffff;
	v13 =	vand.u32 $0x79, v41;
	[tilespmem:s4+$0x1A860] =	vst v3;
	v3 =	vmul.f32 v32, v30  }
0xd7: {  	s20 =	sor.u32 $0xA, s11;
	v38 =	vld [tilespmem:s18+$0x15860];
	v13 =	vor.u32 v0, v13;
	[tilespmem:s4+$0x1A870] =	vst v1;
	v1 =	vmul.f32 v33, v30  }
0xd8: {  	v39 =	vld [tilespmem:s18+$0x15870];
	s12 =	sshll.u32 s20, $0x7;
	v13 =	vbroadcast v13, $0x0;
	[tilespmem:s18+$0x1A800] =	vst v3;
	v3 =	vmul.f32 v34, v30  }
0xd9: {  	v18 =	vld [tilespmem:s12+$0x15830];
	[tilespmem:s18+$0x1A810] =	vst v1;
	v1 =	vmul.f32 v35, v30  }
0xda: {  	v2 =	vld [tilespmem:s17+$0x15810];
	[tilespmem:s18+$0x1A820] =	vst v3;
	v3 =	vmul.f32 v36, v30  }
0xdb: {  	v19 =	vld [tilespmem:s12+$0x15840];
	[tilespmem:s18+$0x1A830] =	vst v1;
	v1 =	vmul.f32 v37, v30  }
0xdc: {  	v20 =	vld [tilespmem:s12+$0x15850];
	[tilespmem:s18+$0x1A840] =	vst v3;
	v3 =	vmul.f32 v38, v30  }
0xdd: {  	v21 =	vld [tilespmem:s12+$0x15870];
	[tilespmem:s18+$0x1A850] =	vst v1;
	v1 =	vmul.f32 v39, v30  }
0xde: {  	s4 =	sshll.u32 s19, $0x7;
	v49 =	vld.idx.msk [tilespmem:v13+s25+$0x0], $0xffff;
	[tilespmem:s18+$0x1A860] =	vst v3;
	v3 =	vmul.f32 v42, v40  }
0xdf: {  	[tilespmem:s18+$0x1A870] =	vst v1;
	v1 =	vmul.f32 v2, v40;
	v2 =	vld [tilespmem:s4+$0x15840]  }
0xe0: {  	v50 =	vmov s20;
	s20 =	sor.u32 $0xC, s11;
	v60 =	vld [tilespmem:s12+$0x15800];
	[tilespmem:s17+$0x1A800] =	vst v3;
	v3 =	vmul.f32 v43, v40  }
0xe1: {  	v22 =	vmov s20;
	v61 =	vld [tilespmem:s12+$0x15810];
	v13 =	vand.u32 $0x7A, v50;
	[tilespmem:s17+$0x1A810] =	vst v1;
	v1 =	vmul.f32 v44, v40  }
0xe2: {  	v10 =	vand.u32 $0x7C, v22;
	s19 =	sor.u32 $0xB, s11;
	v52 =	vld [tilespmem:s4+$0x15810];
	v13 =	vor.u32 v0, v13;
	[tilespmem:s17+$0x1A820] =	vst v3;
	v3 =	vmul.f32 v45, v40  }
0xe3: {  	v57 =	vld [tilespmem:s4+$0x15860];
	v59 =	vmov s19;
	v54 =	vbroadcast v13, $0x0;
	[tilespmem:s17+$0x1A830] =	vst v1;
	v1 =	vmul.f32 v46, v40  }
0xe4: {  	v10 =	vor.u32 v0, v10;
	v55 =	vld [tilespmem:s4+$0x15830];
	v13 =	vand.u32 $0x7B, v59;
	v2 =	vmul.f32 v2, v49;
	[tilespmem:s17+$0x1A840] =	vst v3  }
0xe5: {  	v10 =	vbroadcast v10, $0x0;
	v51 =	vld [tilespmem:s4+$0x15800];
	v62 =	vor.u32 v0, v13;
	[tilespmem:s17+$0x1A850] =	vst v1;
	v1 =	vmul.f32 v48, v40  }
0xe6: {  	v56 =	vld [tilespmem:s4+$0x15850];
	v9 =	vbroadcast v62, $0x0;
	v3 =	vmul.f32 v47, v40;
	[tilespmem:s4+$0x1A840] =	vst v2  }
0xe7: {  	v53 =	vld [tilespmem:s4+$0x15820];
	[tilespmem:s17+$0x1A870] =	vst v1;
	v1 =	vmul.f32 v52, v49  }
0xe8: {  	v58 =	vld [tilespmem:s4+$0x15870];
	v2 =	vmul.f32 v57, v49;
	[tilespmem:s17+$0x1A860] =	vst v3  }
0xe9: {  	v12 =	vld.idx.msk [tilespmem:v54+s25+$0x0], $0xffff;
	[tilespmem:s4+$0x1A810] =	vst v1;
	v1 =	vmul.f32 v55, v49  }
0xea: {  	v63 =	vld [tilespmem:s12+$0x15820];
	v3 =	vmul.f32 v51, v49;
	[tilespmem:s4+$0x1A860] =	vst v2  }
0xeb: {  	v30 =	vld.idx.msk [tilespmem:v10+s25+$0x0], $0xffff;
	[tilespmem:s4+$0x1A830] =	vst v1;
	v1 =	vmul.f32 v56, v49  }
0xec: {  	v9 =	vld.idx.msk [tilespmem:v9+s25+$0x0], $0xffff;
	s17 =	sshll.u32 s19, $0x7;
	[tilespmem:s4+$0x1A800] =	vst v3;
	v3 =	vmul.f32 v53, v49  }
0xed: {  	v23 =	vld [tilespmem:s17+$0x15800];
	[tilespmem:s4+$0x1A850] =	vst v1;
	v1 =	vmul.f32 v58, v49  }
0xee: {  	v2 =	vmul.f32 v60, v12;
	v24 =	vld [tilespmem:s17+$0x15810];
	[tilespmem:s4+$0x1A820] =	vst v3  }
0xef: {  	v3 =	vld [tilespmem:s12+$0x15860];
	[tilespmem:s4+$0x1A870] =	vst v1;
	v1 =	vmul.f32 v61, v12  }
0xf0: {  	v25 =	vld [tilespmem:s17+$0x15820];
	[tilespmem:s12+$0x1A800] =	vst v2;
	v2 =	vmul.f32 v63, v12  }
0xf1: {  	v26 =	vld [tilespmem:s17+$0x15830];
	[tilespmem:s12+$0x1A810] =	vst v1;
	v1 =	vmul.f32 v18, v12  }
0xf2: {  	v27 =	vld [tilespmem:s17+$0x15840];
	[tilespmem:s12+$0x1A820] =	vst v2;
	v2 =	vmul.f32 v19, v12  }
0xf3: {  	v28 =	vld [tilespmem:s17+$0x15850];
	[tilespmem:s12+$0x1A830] =	vst v1;
	v1 =	vmul.f32 v20, v12  }
0xf4: {  	s19 =	sshll.u32 s20, $0x7;
	v29 =	vld [tilespmem:s17+$0x15860];
	[tilespmem:s12+$0x1A840] =	vst v2;
	v2 =	vmul.f32 v3, v12  }
0xf5: {  	v32 =	vld [tilespmem:s19+$0x15800];
	[tilespmem:s12+$0x1A850] =	vst v1;
	v1 =	vmul.f32 v21, v12  }
0xf6: {  	v33 =	vld [tilespmem:s19+$0x15810];
	[tilespmem:s12+$0x1A860] =	vst v2;
	v2 =	vmul.f32 v23, v9  }
0xf7: {  	v34 =	vld [tilespmem:s19+$0x15820];
	s4 =	sor.u32 $0xD, s11;
	[tilespmem:s12+$0x1A870] =	vst v1;
	v1 =	vmul.f32 v24, v9  }
0xf8: {  	v3 =	vld [tilespmem:s17+$0x15870];
	v31 =	vmov s4;
	[tilespmem:s17+$0x1A800] =	vst v2;
	v2 =	vmul.f32 v25, v9  }
0xf9: {  	v35 =	vld [tilespmem:s19+$0x15830];
	v10 =	vand.u32 $0x7D, v31;
	[tilespmem:s17+$0x1A810] =	vst v1;
	v1 =	vmul.f32 v26, v9  }
0xfa: {  	v36 =	vld [tilespmem:s19+$0x15840];
	v10 =	vor.u32 v0, v10;
	[tilespmem:s17+$0x1A820] =	vst v2;
	v2 =	vmul.f32 v27, v9  }
0xfb: {  	v37 =	vld [tilespmem:s19+$0x15850];
	v10 =	vbroadcast v10, $0x0;
	[tilespmem:s17+$0x1A830] =	vst v1;
	v1 =	vmul.f32 v28, v9  }
0xfc: {  	v38 =	vld [tilespmem:s19+$0x15860];
	s6 =	sshll.u32 s4, $0x7;
	[tilespmem:s17+$0x1A840] =	vst v2;
	v2 =	vmul.f32 v29, v9  }
0xfd: {  	s20 =	sor.u32 $0xE, s11;
	v41 =	vld [tilespmem:s6+$0x15800];
	[tilespmem:s17+$0x1A850] =	vst v1;
	v1 =	vmul.f32 v3, v9  }
0xfe: {  	v40 =	vmov s20;
	v42 =	vld [tilespmem:s6+$0x15810];
	[tilespmem:s17+$0x1A860] =	vst v2;
	v2 =	vmul.f32 v32, v30  }
0xff: {  	v43 =	vld [tilespmem:s6+$0x15820];
	v9 =	vand.u32 $0x7E, v40;
	[tilespmem:s17+$0x1A870] =	vst v1;
	v1 =	vmul.f32 v33, v30  }
0x100: {  	[tilespmem:s19+$0x1A800] =	vst v2;
	v2 =	vmul.f32 v34, v30;
	v3 =	vld [tilespmem:s19+$0x15870];
	v9 =	vor.u32 v0, v9  }
0x101: {  	v39 =	vld.idx.msk [tilespmem:v10+s25+$0x0], $0xffff;
	v9 =	vbroadcast v9, $0x0;
	[tilespmem:s19+$0x1A810] =	vst v1;
	v1 =	vmul.f32 v35, v30  }
0x102: {  	v44 =	vld [tilespmem:s6+$0x15830];
	[tilespmem:s19+$0x1A820] =	vst v2;
	v2 =	vmul.f32 v36, v30  }
0x103: {  	v45 =	vld [tilespmem:s6+$0x15840];
	[tilespmem:s19+$0x1A830] =	vst v1;
	v1 =	vmul.f32 v37, v30  }
0x104: {  	v46 =	vld [tilespmem:s6+$0x15850];
	[tilespmem:s19+$0x1A840] =	vst v2;
	v2 =	vmul.f32 v38, v30  }
0x105: {  	v47 =	vld [tilespmem:s6+$0x15870];
	[tilespmem:s19+$0x1A850] =	vst v1;
	v1 =	vmul.f32 v3, v30  }
0x106: {  	[tilespmem:s19+$0x1A860] =	vst v2;
	v2 =	vmul.f32 v41, v39;
	v3 =	vld [tilespmem:s6+$0x15860]  }
0x107: {  	s18 =	sor.u32 $0xF, s11;
	v48 =	vld.idx.msk [tilespmem:v9+s25+$0x0], $0xffff;
	[tilespmem:s19+$0x1A870] =	vst v1;
	v1 =	vmul.f32 v42, v39;
	s19 =	sshll.u32 s20, $0x7  }
0x108: {  	v49 =	vmov s18;
	[tilespmem:s6+$0x1A800] =	vst v2;
	v2 =	vmul.f32 v43, v39;
	v50 =	vld [tilespmem:s19+$0x15800]  }
0x109: {  	v9 =	vand.u32 $0x7F, v49;
	v51 =	vld [tilespmem:s19+$0x15810];
	[tilespmem:s6+$0x1A810] =	vst v1;
	v1 =	vmul.f32 v44, v39  }
0x10a: {  	v9 =	vor.u32 v0, v9;
	[tilespmem:s6+$0x1A820] =	vst v2;
	v2 =	vmul.f32 v45, v39;
	v52 =	vld [tilespmem:s19+$0x15820]  }
0x10b: {  	v9 =	vbroadcast v9, $0x0;
	v53 =	vld [tilespmem:s19+$0x15830];
	[tilespmem:s6+$0x1A830] =	vst v1;
	v1 =	vmul.f32 v46, v39  }
0x10c: {  	[tilespmem:s6+$0x1A840] =	vst v2;
	v54 =	vld [tilespmem:s19+$0x15850];
	v2 =	vmul.f32 v3, v39  }
0x10d: {  	v3 =	vld [tilespmem:s19+$0x15840];
	[tilespmem:s6+$0x1A850] =	vst v1;
	v1 =	vmul.f32 v47, v39  }
0x10e: {  	v55 =	vld [tilespmem:s19+$0x15860];
	[tilespmem:s6+$0x1A860] =	vst v2;
	v2 =	vmul.f32 v50, v48  }
0x10f: {  	s20 =	sshll.u32 s18, $0x7;
	v56 =	vld [tilespmem:s19+$0x15870];
	[tilespmem:s6+$0x1A870] =	vst v1;
	v1 =	vmul.f32 v51, v48  }
0x110: {  	v58 =	vld [tilespmem:s20+$0x15800];
	[tilespmem:s19+$0x1A800] =	vst v2;
	v2 =	vmul.f32 v52, v48  }
0x111: {  	v57 =	vld.idx.msk [tilespmem:v9+s25+$0x0], $0xffff;
	[tilespmem:s19+$0x1A810] =	vst v1;
	v1 =	vmul.f32 v53, v48  }
0x112: {  	[tilespmem:s19+$0x1A820] =	vst v2;
	v2 =	vmul.f32 v3, v48;
	v3 =	vld [tilespmem:s20+$0x15810]  }
0x113: {  	v59 =	vld [tilespmem:s20+$0x15820];
	[tilespmem:s19+$0x1A830] =	vst v1;
	v1 =	vmul.f32 v54, v48  }
0x114: {  	v60 =	vld [tilespmem:s20+$0x15830];
	[tilespmem:s19+$0x1A840] =	vst v2;
	v2 =	vmul.f32 v55, v48  }
0x115: {  	v61 =	vld [tilespmem:s20+$0x15840];
	[tilespmem:s19+$0x1A850] =	vst v1;
	v1 =	vmul.f32 v56, v48  }
0x116: {  	v62 =	vld [tilespmem:s20+$0x15850];
	[tilespmem:s19+$0x1A860] =	vst v2;
	v2 =	vmul.f32 v58, v57  }
0x117: {  	[tilespmem:s19+$0x1A870] =	vst v1;
	v1 =	vmul.f32 v3, v57;
	v3 =	vld [tilespmem:s20+$0x15860]  }
0x118: {  	v63 =	vld [tilespmem:s20+$0x15870];
	[tilespmem:s20+$0x1A800] =	vst v2;
	v2 =	vmul.f32 v59, v57  }
0x119: {  	[tilespmem:s20+$0x1A810] =	vst v1;
	v1 =	vmul.f32 v60, v57  }
0x11a: {  	p2 =	slt.u32 s11, $0x40;
	[tilespmem:s20+$0x1A820] =	vst v2;
	v2 =	vmul.f32 v61, v57  }
.Ltmp3:
0x11b: {  	[tilespmem:s20+$0x1A830] =	vst v1;
	v1 =	vmul.f32 v62, v57;
	(pc) =	sbr.rel @p2 .LBB2_6-.Ltmp3, $4  }
0x11c: {  	[tilespmem:s20+$0x1A840] =	vst v2;
	v2 =	vmul.f32 v3, v57  }
0x11d: {  	[tilespmem:s20+$0x1A850] =	vst v1;
	v1 =	vmul.f32 v63, v57  }
0x11e: {  	[tilespmem:s20+$0x1A860] =	vst v2  }
0x11f: {  	s11 =	sadd.s32 $0x10, s11;
	[tilespmem:s20+$0x1A870] =	vst v1  }
0x120: {  	p2 =	seq.s32 s9, $0x7  }
0x121: {  	s4 =	sshll.u32 @!p2 s9, $0xA  }
0x122: {  	s11 =	simm.s32 @!p2 $0x50;
	s6 =	sshrl.u32 @!p2 s4, $0x2  }
0x123: {  	s12 =	simm.s32 @!p2 $0x15800;
	s4 =	simm.s32 @p2 $0x1C00;
	s6 =	sadd.s32 @!p2 $0x14100, s6  }
0x124: {  	[tilespmem:s12], [sflag:$0x1] =	stream.indirect.gather @!p2 [hbm4b:s16+s11], $0x80, s6, s11, $0xb8;
	[tilespmem:$0x1F880] =	vst v63  }
0x125: {  	s11 =	sshrl.u32 s4, $0x2  }
0x126: {  	s4 =	sadd.s32 $0x14800, s11  }
0x127: {  	[spmem:s1] =	stream.indirect.scatter.add.f32 [tilespmem:s22], [sflag:$0x3], $0x80, s4, s26, $0xb8;
	[tilespmem:$0x1F880] =	vst v63  }
0x128: {  	_ =	swait.ge [sflag:s0], $0x2800  }
0x129: {  	[sflag:s0] =	ssyncset.done $0x0  }
0x12a: {  	s4 =	simm.s32 @!p1 $0x4;
	[sflag:s0] =	ssyncadd.s32 $0xFFFFD800  }
0x12b: {  	s20 =	sor.u32 $0x1, s10;
	_ =	swait.ge @!p1 [sflag:s4], $0x2800  }
0x12c: {  	s10 =	sshll.u32 s20, $0x7;
	[sflag:s4] =	ssyncset.done @!p1 $0x0  }
0x12d: {  	v0 =	vmov s10;
	s12 =	simm.s32 $0x0;
	[sflag:s4] =	ssyncadd.s32 @!p1 $0xFFFFD800  }
.LBB2_8:
0x12e: {  	s19 =	sshll.u32 s12, $0x7  }
0x12f: {  	v3 =	vld [tilespmem:s19+$0x18000]  }
0x130: {  	v4 =	vld [tilespmem:s19+$0x18010]  }
0x131: {  	v5 =	vld [tilespmem:s19+$0x18020]  }
0x132: {  	v6 =	vld [tilespmem:s19+$0x18030]  }
0x133: {  	v7 =	vld [tilespmem:s19+$0x18040]  }
0x134: {  	v8 =	vld [tilespmem:s19+$0x18050]  }
0x135: {  	s4 =	sor.u32 $0x1, s12;
	v9 =	vld [tilespmem:s19+$0x18060]  }
0x136: {  	v1 =	vmov s12;
	v2 =	vmov s4;
	v10 =	vld [tilespmem:s19+$0x18070];
	s4 =	sshll.u32 s4, $0x7  }
0x137: {  	v1 =	vand.u32 $0x70, v1;
	v12 =	vld [tilespmem:s4+$0x18000]  }
0x138: {  	v1 =	vor.u32 v0, v1;
	v13 =	vld [tilespmem:s4+$0x18010]  }
0x139: {  	v14 =	vld [tilespmem:s4+$0x18020];
	v1 =	vbroadcast v1, $0x0  }
0x13a: {  	v15 =	vld [tilespmem:s4+$0x18030]  }
0x13b: {  	v16 =	vld [tilespmem:s4+$0x18040]  }
0x13c: {  	v17 =	vld [tilespmem:s4+$0x18050]  }
0x13d: {  	v18 =	vld [tilespmem:s4+$0x18060]  }
0x13e: {  	s6 =	sor.u32 $0x2, s12;
	v19 =	vld [tilespmem:s4+$0x18070]  }
0x13f: {  	s18 =	sshll.u32 s6, $0x7;
	v2 =	vand.u32 $0x71, v2;
	v1 =	vld.idx.msk [tilespmem:v1+s25+$0x0], $0xffff  }
0x140: {  	v21 =	vld [tilespmem:s18+$0x18000];
	v2 =	vor.u32 v0, v2  }
0x141: {  	v22 =	vld [tilespmem:s18+$0x18010];
	v2 =	vbroadcast v2, $0x0  }
0x142: {  	v23 =	vld [tilespmem:s18+$0x18020]  }
0x143: {  	v24 =	vld [tilespmem:s18+$0x18030]  }
0x144: {  	v26 =	vld [tilespmem:s18+$0x18040];
	v3 =	vmul.f32 v3, v1  }
0x145: {  	v28 =	vld [tilespmem:s18+$0x18050];
	v4 =	vmul.f32 v4, v1  }
0x146: {  	v11 =	vmov s6;
	v29 =	vld [tilespmem:s18+$0x18060];
	[tilespmem:s19+$0x1D000] =	vst v3;
	v3 =	vmul.f32 v5, v1  }
0x147: {  	s17 =	sor.u32 $0x3, s12;
	v11 =	vand.u32 $0x72, v11;
	v2 =	vld.idx.msk [tilespmem:v2+s25+$0x0], $0xffff;
	v27 =	vmul.f32 v6, v1;
	[tilespmem:s19+$0x1D010] =	vst v4  }
0x148: {  	v20 =	vmov s17;
	s17 =	sshll.u32 s17, $0x7;
	v31 =	vld [tilespmem:s18+$0x18070];
	v11 =	vor.u32 v0, v11;
	[tilespmem:s19+$0x1D020] =	vst v3;
	v3 =	vmul.f32 v7, v1  }
0x149: {  	v34 =	vld [tilespmem:s17+$0x18000];
	v11 =	vbroadcast v11, $0x0;
	v30 =	vmul.f32 v8, v1;
	[tilespmem:s19+$0x1D030] =	vst v27  }
0x14a: {  	v20 =	vand.u32 $0x73, v20;
	v36 =	vld [tilespmem:s17+$0x18010];
	[tilespmem:s19+$0x1D040] =	vst v3;
	v3 =	vmul.f32 v9, v1  }
0x14b: {  	v37 =	vld [tilespmem:s17+$0x18020];
	v20 =	vor.u32 v0, v20;
	[tilespmem:s19+$0x1D050] =	vst v30;
	v1 =	vmul.f32 v10, v1  }
0x14c: {  	v38 =	vld [tilespmem:s17+$0x18030];
	v20 =	vbroadcast v20, $0x0;
	[tilespmem:s19+$0x1D060] =	vst v3;
	v3 =	vmul.f32 v12, v2  }
0x14d: {  	v39 =	vld [tilespmem:s17+$0x18040];
	[tilespmem:s19+$0x1D070] =	vst v1;
	v1 =	vmul.f32 v13, v2  }
0x14e: {  	v40 =	vld [tilespmem:s17+$0x18050];
	[tilespmem:s4+$0x1D000] =	vst v3;
	v3 =	vmul.f32 v14, v2  }
0x14f: {  	v11 =	vld.idx.msk [tilespmem:v11+s25+$0x0], $0xffff;
	[tilespmem:s4+$0x1D010] =	vst v1;
	v1 =	vmul.f32 v15, v2  }
0x150: {  	v41 =	vld [tilespmem:s17+$0x18060];
	[tilespmem:s4+$0x1D020] =	vst v3;
	v3 =	vmul.f32 v16, v2  }
0x151: {  	s6 =	sor.u32 $0x4, s12;
	v42 =	vld [tilespmem:s17+$0x18070];
	[tilespmem:s4+$0x1D030] =	vst v1;
	v1 =	vmul.f32 v17, v2  }
0x152: {  	v33 =	vmov s6;
	v32 =	vld.idx.msk [tilespmem:v20+s25+$0x0], $0xffff;
	s19 =	sshll.u32 s6, $0x7;
	[tilespmem:s4+$0x1D040] =	vst v3;
	v3 =	vmul.f32 v18, v2  }
0x153: {  	v35 =	vand.u32 $0x74, v33;
	v44 =	vld [tilespmem:s19+$0x18000];
	[tilespmem:s4+$0x1D050] =	vst v1;
	v1 =	vmul.f32 v19, v2  }
0x154: {  	v10 =	vor.u32 v0, v35;
	v45 =	vld [tilespmem:s19+$0x18010];
	[tilespmem:s4+$0x1D060] =	vst v3;
	v3 =	vmul.f32 v21, v11  }
0x155: {  	v10 =	vbroadcast v10, $0x0;
	v46 =	vld [tilespmem:s19+$0x18020];
	[tilespmem:s4+$0x1D070] =	vst v1;
	v1 =	vmul.f32 v22, v11  }
0x156: {  	v47 =	vld [tilespmem:s19+$0x18030];
	[tilespmem:s18+$0x1D000] =	vst v3;
	v3 =	vmul.f32 v23, v11  }
0x157: {  	v48 =	vld [tilespmem:s19+$0x18040];
	[tilespmem:s18+$0x1D010] =	vst v1;
	v1 =	vmul.f32 v24, v11  }
0x158: {  	v49 =	vld [tilespmem:s19+$0x18050];
	[tilespmem:s18+$0x1D020] =	vst v3;
	v3 =	vmul.f32 v26, v11  }
0x159: {  	v50 =	vld [tilespmem:s19+$0x18060];
	[tilespmem:s18+$0x1D030] =	vst v1;
	v1 =	vmul.f32 v28, v11  }
0x15a: {  	s20 =	sor.u32 $0x5, s12;
	v51 =	vld [tilespmem:s19+$0x18070];
	[tilespmem:s18+$0x1D040] =	vst v3;
	v3 =	vmul.f32 v29, v11  }
0x15b: {  	v43 =	vmov s20;
	v2 =	vld.idx.msk [tilespmem:v10+s25+$0x0], $0xffff;
	s4 =	sshll.u32 s20, $0x7;
	[tilespmem:s18+$0x1D050] =	vst v1;
	v1 =	vmul.f32 v31, v11  }
0x15c: {  	v10 =	vand.u32 $0x75, v43;
	v54 =	vld [tilespmem:s4+$0x18000];
	[tilespmem:s18+$0x1D060] =	vst v3;
	v3 =	vmul.f32 v34, v32  }
0x15d: {  	v10 =	vor.u32 v0, v10;
	v55 =	vld [tilespmem:s4+$0x18010];
	[tilespmem:s18+$0x1D070] =	vst v1;
	v1 =	vmul.f32 v36, v32  }
0x15e: {  	v10 =	vbroadcast v10, $0x0;
	v56 =	vld [tilespmem:s4+$0x18020];
	[tilespmem:s17+$0x1D000] =	vst v3;
	v3 =	vmul.f32 v37, v32  }
0x15f: {  	s20 =	sor.u32 $0x7, s12;
	v57 =	vld [tilespmem:s4+$0x18030];
	[tilespmem:s17+$0x1D010] =	vst v1;
	v1 =	vmul.f32 v38, v32  }
0x160: {  	v58 =	vld [tilespmem:s4+$0x18040];
	v62 =	vmov s20;
	[tilespmem:s17+$0x1D020] =	vst v3;
	v3 =	vmul.f32 v39, v32  }
0x161: {  	v59 =	vld [tilespmem:s4+$0x18050];
	v18 =	vand.u32 $0x77, v62;
	[tilespmem:s17+$0x1D030] =	vst v1;
	v1 =	vmul.f32 v40, v32  }
0x162: {  	v60 =	vld [tilespmem:s4+$0x18060];
	v18 =	vor.u32 v0, v18;
	[tilespmem:s17+$0x1D040] =	vst v3;
	v3 =	vmul.f32 v41, v32  }
0x163: {  	s6 =	sor.u32 $0x6, s12;
	v61 =	vld [tilespmem:s4+$0x18070];
	v18 =	vbroadcast v18, $0x0;
	[tilespmem:s17+$0x1D050] =	vst v1;
	v1 =	vmul.f32 v42, v32  }
0x164: {  	v53 =	vmov s6;
	v52 =	vld.idx.msk [tilespmem:v10+s25+$0x0], $0xffff;
	s18 =	sshll.u32 s20, $0x7;
	[tilespmem:s17+$0x1D060] =	vst v3;
	v3 =	vmul.f32 v44, v2  }
0x165: {  	v10 =	vand.u32 $0x76, v53;
	v33 =	vld [tilespmem:s18+$0x18010];
	[tilespmem:s17+$0x1D070] =	vst v1;
	v1 =	vmul.f32 v45, v2  }
0x166: {  	v10 =	vor.u32 v0, v10;
	v34 =	vld [tilespmem:s18+$0x18020];
	[tilespmem:s19+$0x1D000] =	vst v3;
	v3 =	vmul.f32 v46, v2  }
0x167: {  	v10 =	vbroadcast v10, $0x0;
	v35 =	vld [tilespmem:s18+$0x18030];
	[tilespmem:s19+$0x1D010] =	vst v1;
	v1 =	vmul.f32 v47, v2  }
0x168: {  	v36 =	vld [tilespmem:s18+$0x18040];
	[tilespmem:s19+$0x1D020] =	vst v3;
	v3 =	vmul.f32 v48, v2  }
0x169: {  	v30 =	vld.idx.msk [tilespmem:v18+s25+$0x0], $0xffff;
	[tilespmem:s19+$0x1D030] =	vst v1;
	v1 =	vmul.f32 v49, v2  }
0x16a: {  	v37 =	vld [tilespmem:s18+$0x18050];
	[tilespmem:s19+$0x1D040] =	vst v3;
	v3 =	vmul.f32 v50, v2  }
0x16b: {  	v38 =	vld [tilespmem:s18+$0x18060];
	[tilespmem:s19+$0x1D050] =	vst v1;
	v1 =	vmul.f32 v51, v2  }
0x16c: {  	v39 =	vld [tilespmem:s18+$0x18070];
	[tilespmem:s19+$0x1D060] =	vst v3;
	v3 =	vmul.f32 v54, v52  }
0x16d: {  	v10 =	vld.idx.msk [tilespmem:v10+s25+$0x0], $0xffff;
	[tilespmem:s19+$0x1D070] =	vst v1;
	v1 =	vmul.f32 v55, v52  }
0x16e: {  	v32 =	vld [tilespmem:s18+$0x18000];
	s17 =	sshll.u32 s6, $0x7;
	[tilespmem:s4+$0x1D000] =	vst v3;
	v3 =	vmul.f32 v56, v52  }
0x16f: {  	v63 =	vld [tilespmem:s17+$0x18000];
	[tilespmem:s4+$0x1D010] =	vst v1;
	v1 =	vmul.f32 v57, v52  }
0x170: {  	v24 =	vld [tilespmem:s17+$0x18010];
	[tilespmem:s4+$0x1D020] =	vst v3;
	v3 =	vmul.f32 v58, v52  }
0x171: {  	v25 =	vld [tilespmem:s17+$0x18020];
	[tilespmem:s4+$0x1D030] =	vst v1;
	v1 =	vmul.f32 v59, v52  }
0x172: {  	v26 =	vld [tilespmem:s17+$0x18030];
	s19 =	sor.u32 $0x8, s12;
	[tilespmem:s4+$0x1D040] =	vst v3;
	v3 =	vmul.f32 v60, v52  }
0x173: {  	v27 =	vld [tilespmem:s17+$0x18040];
	v31 =	vmov s19;
	[tilespmem:s4+$0x1D050] =	vst v1;
	v1 =	vmul.f32 v61, v52  }
0x174: {  	v2 =	vld [tilespmem:s17+$0x18050];
	v13 =	vand.u32 $0x78, v31;
	[tilespmem:s4+$0x1D060] =	vst v3;
	v3 =	vmul.f32 v63, v10  }
0x175: {  	v28 =	vld [tilespmem:s17+$0x18060];
	v13 =	vor.u32 v0, v13;
	[tilespmem:s4+$0x1D070] =	vst v1;
	v1 =	vmul.f32 v24, v10  }
0x176: {  	v29 =	vld [tilespmem:s17+$0x18070];
	v13 =	vbroadcast v13, $0x0;
	s4 =	sshll.u32 s19, $0x7;
	[tilespmem:s17+$0x1D000] =	vst v3;
	v3 =	vmul.f32 v25, v10  }
0x177: {  	v42 =	vld [tilespmem:s4+$0x18000];
	[tilespmem:s17+$0x1D010] =	vst v1;
	v1 =	vmul.f32 v26, v10  }
0x178: {  	v43 =	vld [tilespmem:s4+$0x18020];
	[tilespmem:s17+$0x1D020] =	vst v3;
	v3 =	vmul.f32 v27, v10  }
0x179: {  	v44 =	vld [tilespmem:s4+$0x18030];
	[tilespmem:s17+$0x1D030] =	vst v1;
	v1 =	vmul.f32 v2, v10  }
0x17a: {  	s20 =	sor.u32 $0x9, s12;
	v45 =	vld [tilespmem:s4+$0x18040];
	[tilespmem:s17+$0x1D040] =	vst v3;
	v3 =	vmul.f32 v28, v10  }
0x17b: {  	v41 =	vmov s20;
	v46 =	vld [tilespmem:s4+$0x18050];
	[tilespmem:s17+$0x1D050] =	vst v1;
	v1 =	vmul.f32 v29, v10  }
0x17c: {  	v40 =	vld.idx.msk [tilespmem:v13+s25+$0x0], $0xffff;
	v13 =	vand.u32 $0x79, v41;
	[tilespmem:s17+$0x1D060] =	vst v3;
	v3 =	vmul.f32 v32, v30  }
0x17d: {  	v47 =	vld [tilespmem:s4+$0x18060];
	v13 =	vor.u32 v0, v13;
	[tilespmem:s17+$0x1D070] =	vst v1;
	v1 =	vmul.f32 v33, v30  }
0x17e: {  	v48 =	vld [tilespmem:s4+$0x18070];
	v13 =	vbroadcast v13, $0x0;
	[tilespmem:s18+$0x1D000] =	vst v3;
	v3 =	vmul.f32 v34, v30  }
0x17f: {  	v2 =	vld [tilespmem:s4+$0x18010];
	s17 =	sshll.u32 s20, $0x7;
	[tilespmem:s18+$0x1D010] =	vst v1;
	v1 =	vmul.f32 v35, v30  }
0x180: {  	v51 =	vld [tilespmem:s17+$0x18000];
	[tilespmem:s18+$0x1D020] =	vst v3;
	v3 =	vmul.f32 v36, v30  }
0x181: {  	v52 =	vld [tilespmem:s17+$0x18010];
	[tilespmem:s18+$0x1D030] =	vst v1;
	v1 =	vmul.f32 v37, v30  }
0x182: {  	v53 =	vld [tilespmem:s17+$0x18020];
	[tilespmem:s18+$0x1D040] =	vst v3;
	v3 =	vmul.f32 v38, v30  }
0x183: {  	v55 =	vld [tilespmem:s17+$0x18030];
	[tilespmem:s18+$0x1D050] =	vst v1;
	v1 =	vmul.f32 v39, v30  }
0x184: {  	v49 =	vld.idx.msk [tilespmem:v13+s25+$0x0], $0xffff;
	[tilespmem:s18+$0x1D060] =	vst v3;
	v3 =	vmul.f32 v42, v40  }
0x185: {  	s6 =	sor.u32 $0xA, s12;
	[tilespmem:s18+$0x1D070] =	vst v1;
	v1 =	vmul.f32 v2, v40;
	v2 =	vld [tilespmem:s17+$0x18040]  }
0x186: {  	v50 =	vmov s6;
	v56 =	vld [tilespmem:s17+$0x18050];
	[tilespmem:s4+$0x1D000] =	vst v3;
	v3 =	vmul.f32 v43, v40  }
0x187: {  	v57 =	vld [tilespmem:s17+$0x18060];
	v13 =	vand.u32 $0x7A, v50;
	[tilespmem:s4+$0x1D010] =	vst v1;
	v1 =	vmul.f32 v44, v40  }
0x188: {  	v58 =	vld [tilespmem:s17+$0x18070];
	v13 =	vor.u32 v0, v13;
	s18 =	sshll.u32 s6, $0x7;
	[tilespmem:s4+$0x1D020] =	vst v3;
	v3 =	vmul.f32 v45, v40  }
0x189: {  	v54 =	vbroadcast v13, $0x0;
	v60 =	vld [tilespmem:s18+$0x18000];
	[tilespmem:s4+$0x1D030] =	vst v1;
	v1 =	vmul.f32 v46, v40  }
0x18a: {  	v61 =	vld [tilespmem:s18+$0x18010];
	v2 =	vmul.f32 v2, v49;
	[tilespmem:s4+$0x1D040] =	vst v3  }
0x18b: {  	v63 =	vld [tilespmem:s18+$0x18020];
	[tilespmem:s4+$0x1D050] =	vst v1;
	v1 =	vmul.f32 v48, v40  }
0x18c: {  	s20 =	sor.u32 $0xB, s12;
	v18 =	vld [tilespmem:s18+$0x18030];
	v3 =	vmul.f32 v47, v40;
	[tilespmem:s17+$0x1D040] =	vst v2  }
0x18d: {  	v59 =	vmov s20;
	v19 =	vld [tilespmem:s18+$0x18040];
	[tilespmem:s4+$0x1D070] =	vst v1;
	v1 =	vmul.f32 v52, v49  }
0x18e: {  	v13 =	vand.u32 $0x7B, v59;
	v20 =	vld [tilespmem:s18+$0x18050];
	v2 =	vmul.f32 v57, v49;
	[tilespmem:s4+$0x1D060] =	vst v3  }
0x18f: {  	v62 =	vor.u32 v0, v13;
	s6 =	sor.u32 $0xC, s12;
	v12 =	vld.idx.msk [tilespmem:v54+s25+$0x0], $0xffff;
	[tilespmem:s17+$0x1D010] =	vst v1;
	v1 =	vmul.f32 v55, v49  }
0x190: {  	v9 =	vbroadcast v62, $0x0;
	v21 =	vld [tilespmem:s18+$0x18070];
	v22 =	vmov s6;
	s6 =	sshll.u32 s6, $0x7;
	v3 =	vmul.f32 v51, v49;
	[tilespmem:s17+$0x1D060] =	vst v2  }
0x191: {  	v32 =	vld [tilespmem:s6+$0x18000];
	[tilespmem:s17+$0x1D030] =	vst v1;
	v1 =	vmul.f32 v56, v49  }
0x192: {  	v33 =	vld [tilespmem:s6+$0x18010];
	[tilespmem:s17+$0x1D000] =	vst v3;
	v3 =	vmul.f32 v53, v49  }
0x193: {  	v34 =	vld [tilespmem:s6+$0x18020];
	[tilespmem:s17+$0x1D050] =	vst v1;
	v1 =	vmul.f32 v58, v49  }
0x194: {  	v35 =	vld [tilespmem:s6+$0x18030];
	v2 =	vmul.f32 v60, v12;
	[tilespmem:s17+$0x1D020] =	vst v3  }
0x195: {  	v3 =	vld [tilespmem:s18+$0x18060];
	[tilespmem:s17+$0x1D070] =	vst v1;
	v1 =	vmul.f32 v61, v12  }
0x196: {  	v9 =	vld.idx.msk [tilespmem:v9+s25+$0x0], $0xffff;
	s4 =	sshll.u32 s20, $0x7;
	[tilespmem:s18+$0x1D000] =	vst v2;
	v2 =	vmul.f32 v63, v12  }
0x197: {  	v10 =	vand.u32 $0x7C, v22;
	v23 =	vld [tilespmem:s4+$0x18000];
	[tilespmem:s18+$0x1D010] =	vst v1;
	v1 =	vmul.f32 v18, v12  }
0x198: {  	v10 =	vor.u32 v0, v10;
	v24 =	vld [tilespmem:s4+$0x18010];
	[tilespmem:s18+$0x1D020] =	vst v2;
	v2 =	vmul.f32 v19, v12  }
0x199: {  	v10 =	vbroadcast v10, $0x0;
	v25 =	vld [tilespmem:s4+$0x18020];
	[tilespmem:s18+$0x1D030] =	vst v1;
	v1 =	vmul.f32 v20, v12  }
0x19a: {  	v26 =	vld [tilespmem:s4+$0x18030];
	[tilespmem:s18+$0x1D040] =	vst v2;
	v2 =	vmul.f32 v3, v12  }
0x19b: {  	v27 =	vld [tilespmem:s4+$0x18040];
	[tilespmem:s18+$0x1D050] =	vst v1;
	v1 =	vmul.f32 v21, v12  }
0x19c: {  	v28 =	vld [tilespmem:s4+$0x18050];
	[tilespmem:s18+$0x1D060] =	vst v2;
	v2 =	vmul.f32 v23, v9  }
0x19d: {  	s20 =	sor.u32 $0xD, s12;
	v29 =	vld [tilespmem:s4+$0x18060];
	[tilespmem:s18+$0x1D070] =	vst v1;
	v1 =	vmul.f32 v24, v9  }
0x19e: {  	v31 =	vmov s20;
	v3 =	vld [tilespmem:s4+$0x18070];
	[tilespmem:s4+$0x1D000] =	vst v2;
	v2 =	vmul.f32 v25, v9  }
0x19f: {  	v30 =	vld.idx.msk [tilespmem:v10+s25+$0x0], $0xffff;
	v10 =	vand.u32 $0x7D, v31;
	[tilespmem:s4+$0x1D010] =	vst v1;
	v1 =	vmul.f32 v26, v9  }
0x1a0: {  	v36 =	vld [tilespmem:s6+$0x18040];
	v10 =	vor.u32 v0, v10;
	[tilespmem:s4+$0x1D020] =	vst v2;
	v2 =	vmul.f32 v27, v9  }
0x1a1: {  	v37 =	vld [tilespmem:s6+$0x18050];
	v10 =	vbroadcast v10, $0x0;
	[tilespmem:s4+$0x1D030] =	vst v1;
	v1 =	vmul.f32 v28, v9  }
0x1a2: {  	v38 =	vld [tilespmem:s6+$0x18060];
	s19 =	sshll.u32 s20, $0x7;
	[tilespmem:s4+$0x1D040] =	vst v2;
	v2 =	vmul.f32 v29, v9  }
0x1a3: {  	v41 =	vld [tilespmem:s19+$0x18000];
	[tilespmem:s4+$0x1D050] =	vst v1;
	v1 =	vmul.f32 v3, v9  }
0x1a4: {  	v42 =	vld [tilespmem:s19+$0x18010];
	s18 =	sor.u32 $0xE, s12;
	[tilespmem:s4+$0x1D060] =	vst v2;
	v2 =	vmul.f32 v32, v30  }
0x1a5: {  	v43 =	vld [tilespmem:s19+$0x18020];
	v40 =	vmov s18;
	[tilespmem:s4+$0x1D070] =	vst v1;
	v1 =	vmul.f32 v33, v30  }
0x1a6: {  	[tilespmem:s6+$0x1D000] =	vst v2;
	v2 =	vmul.f32 v34, v30;
	v3 =	vld [tilespmem:s6+$0x18070];
	v9 =	vand.u32 $0x7E, v40  }
0x1a7: {  	v39 =	vld.idx.msk [tilespmem:v10+s25+$0x0], $0xffff;
	v9 =	vor.u32 v0, v9;
	[tilespmem:s6+$0x1D010] =	vst v1;
	v1 =	vmul.f32 v35, v30  }
0x1a8: {  	v44 =	vld [tilespmem:s19+$0x18030];
	[tilespmem:s6+$0x1D020] =	vst v2;
	v2 =	vmul.f32 v36, v30;
	v9 =	vbroadcast v9, $0x0  }
0x1a9: {  	v45 =	vld [tilespmem:s19+$0x18040];
	[tilespmem:s6+$0x1D030] =	vst v1;
	v1 =	vmul.f32 v37, v30  }
0x1aa: {  	s20 =	sor.u32 $0xF, s12;
	v46 =	vld [tilespmem:s19+$0x18050];
	[tilespmem:s6+$0x1D040] =	vst v2;
	v2 =	vmul.f32 v38, v30  }
0x1ab: {  	v47 =	vld [tilespmem:s19+$0x18070];
	s4 =	sshll.u32 s20, $0x7;
	[tilespmem:s6+$0x1D050] =	vst v1;
	v1 =	vmul.f32 v3, v30  }
0x1ac: {  	v58 =	vld [tilespmem:s4+$0x18000];
	[tilespmem:s6+$0x1D060] =	vst v2;
	v2 =	vmul.f32 v41, v39  }
0x1ad: {  	v3 =	vld [tilespmem:s19+$0x18060];
	[tilespmem:s6+$0x1D070] =	vst v1;
	v1 =	vmul.f32 v42, v39  }
0x1ae: {  	v49 =	vmov s20;
	[tilespmem:s19+$0x1D000] =	vst v2;
	v2 =	vmul.f32 v43, v39;
	v48 =	vld.idx.msk [tilespmem:v9+s25+$0x0], $0xffff;
	s6 =	sshll.u32 s18, $0x7  }
0x1af: {  	v9 =	vand.u32 $0x7F, v49;
	v50 =	vld [tilespmem:s6+$0x18000];
	[tilespmem:s19+$0x1D010] =	vst v1;
	v1 =	vmul.f32 v44, v39  }
0x1b0: {  	v9 =	vor.u32 v0, v9;
	[tilespmem:s19+$0x1D020] =	vst v2;
	v2 =	vmul.f32 v45, v39;
	v51 =	vld [tilespmem:s6+$0x18010]  }
0x1b1: {  	v9 =	vbroadcast v9, $0x0;
	v52 =	vld [tilespmem:s6+$0x18020];
	[tilespmem:s19+$0x1D030] =	vst v1;
	v1 =	vmul.f32 v46, v39  }
0x1b2: {  	v53 =	vld [tilespmem:s6+$0x18030];
	[tilespmem:s19+$0x1D040] =	vst v2;
	v2 =	vmul.f32 v3, v39  }
0x1b3: {  	v3 =	vld [tilespmem:s6+$0x18040];
	[tilespmem:s19+$0x1D050] =	vst v1;
	v1 =	vmul.f32 v47, v39  }
0x1b4: {  	v54 =	vld [tilespmem:s6+$0x18050];
	[tilespmem:s19+$0x1D060] =	vst v2;
	v2 =	vmul.f32 v50, v48  }
0x1b5: {  	v55 =	vld [tilespmem:s6+$0x18060];
	[tilespmem:s19+$0x1D070] =	vst v1;
	v1 =	vmul.f32 v51, v48  }
0x1b6: {  	v56 =	vld [tilespmem:s6+$0x18070];
	[tilespmem:s6+$0x1D000] =	vst v2;
	v2 =	vmul.f32 v52, v48  }
0x1b7: {  	v57 =	vld.idx.msk [tilespmem:v9+s25+$0x0], $0xffff;
	[tilespmem:s6+$0x1D010] =	vst v1;
	v1 =	vmul.f32 v53, v48  }
0x1b8: {  	[tilespmem:s6+$0x1D020] =	vst v2;
	v2 =	vmul.f32 v3, v48;
	v3 =	vld [tilespmem:s4+$0x18010]  }
0x1b9: {  	v59 =	vld [tilespmem:s4+$0x18020];
	[tilespmem:s6+$0x1D030] =	vst v1;
	v1 =	vmul.f32 v54, v48  }
0x1ba: {  	v60 =	vld [tilespmem:s4+$0x18030];
	[tilespmem:s6+$0x1D040] =	vst v2;
	v2 =	vmul.f32 v55, v48  }
0x1bb: {  	v61 =	vld [tilespmem:s4+$0x18040];
	[tilespmem:s6+$0x1D050] =	vst v1;
	v1 =	vmul.f32 v56, v48  }
0x1bc: {  	v62 =	vld [tilespmem:s4+$0x18050];
	[tilespmem:s6+$0x1D060] =	vst v2;
	v2 =	vmul.f32 v58, v57  }
0x1bd: {  	[tilespmem:s6+$0x1D070] =	vst v1;
	v1 =	vmul.f32 v3, v57;
	v3 =	vld [tilespmem:s4+$0x18060]  }
0x1be: {  	v63 =	vld [tilespmem:s4+$0x18070];
	[tilespmem:s4+$0x1D000] =	vst v2;
	v2 =	vmul.f32 v59, v57  }
0x1bf: {  	[tilespmem:s4+$0x1D010] =	vst v1;
	v1 =	vmul.f32 v60, v57  }
0x1c0: {  	p1 =	slt.u32 s12, $0x40;
	[tilespmem:s4+$0x1D020] =	vst v2;
	v2 =	vmul.f32 v61, v57  }
.Ltmp4:
0x1c1: {  	[tilespmem:s4+$0x1D030] =	vst v1;
	v1 =	vmul.f32 v62, v57;
	(pc) =	sbr.rel @p1 .LBB2_8-.Ltmp4, $4  }
0x1c2: {  	[tilespmem:s4+$0x1D040] =	vst v2;
	v2 =	vmul.f32 v3, v57  }
0x1c3: {  	[tilespmem:s4+$0x1D050] =	vst v1;
	v1 =	vmul.f32 v63, v57  }
0x1c4: {  	[tilespmem:s4+$0x1D060] =	vst v2  }
0x1c5: {  	s12 =	sadd.s32 $0x10, s12;
	[tilespmem:s4+$0x1D070] =	vst v1  }
.Ltmp5:
0x1c6: {  	(pc) =	sbr.rel @p2 .LBB2_11-.Ltmp5, $1  }
0x1c7: {  	_ =	sdelay $0x3  }
.Ltmp6:
0x1c8: {  	(pc) =	sbr.rel .LBB2_5-.Ltmp6, $4  }
0x1c9: {  	s4 =	sadd.s32 $0x14180, s11;
	s20 =	sand.u32 $0x3FFFFF80, s10  }
0x1ca: {  	[tilespmem:s30], [sflag:$0x2] =	stream.indirect.gather [hbm4b:s16+s26], $0x80, s4, s26, $0xb8;
	[tilespmem:$0x1F880] =	vst v63  }
0x1cb: {  	s9 =	sadd.s32 $0x1, s9;
	s4 =	sadd.s32 $0x14800, s20  }
0x1cc: {  	[spmem:s1] =	stream.indirect.scatter.add.f32 [tilespmem:s3], [sflag:$0x4], $0x80, s4, s26, $0xb8;
	[tilespmem:$0x1F880] =	vst v63  }
.LBB2_12:
0x1cd: {  	s4 =	sadd.s32 $0x700, s13;
	s7 =	simm.s32 $0x0  }
0x1ce: {  	[tilespmem:s23], [sflag:$0x5] =	stream.linear.gather [hbm4b:s4+s7], $0x680, $0x38;
	[tilespmem:$0x1F880] =	vst v63  }
0x1cf: {  	_ =	swait.ge [sflag:s21], $0x680  }
0x1d0: {  	[sflag:s21] =	ssyncset.done $0x0  }
0x1d1: {  	s19 =	sadd.s32 $0x700, s14;
	[sflag:s21] =	ssyncadd.s32 $0xFFFFF980  }
0x1d2: {  	[tilespmem:s24], [sflag:$0x5] =	stream.linear.gather [hbm4b:s19+s7], $0x680, $0x38;
	[tilespmem:$0x1F880] =	vst v63  }
0x1d3: {  	_ =	swait.ge [sflag:s21], $0x680  }
0x1d4: {  	[sflag:s21] =	ssyncset.done $0x0  }
0x1d5: {  	s20 =	sadd.s32 $0x700, s15;
	[sflag:s21] =	ssyncadd.s32 $0xFFFFF980  }
0x1d6: {  	[tilespmem:s25], [sflag:$0x5] =	stream.linear.gather [hbm4b:s20+s7], $0x680, $0x38;
	[tilespmem:$0x1F880] =	vst v63  }
0x1d7: {  	_ =	swait.ge [sflag:s21], $0x680  }
0x1d8: {  	[sflag:s21] =	ssyncset.done $0x0  }
0x1d9: {  	[sflag:s21] =	ssyncadd.s32 $0xFFFFF980  }
0x1da: {  	[tilespmem:s28], [sflag:$0x1] =	stream.indirect.gather [hbm4b:s16+s26], $0x80, s23, s26, $0xb8;
	[tilespmem:$0x1F880] =	vst v63  }
0x1db: {  	_ = 	snop  }
0x1dc: {  	[tilespmem:s30], [sflag:$0x2] =	stream.indirect.gather [hbm4b:s16+s26], $0x80, s29, s26, $0xb8;
	[tilespmem:$0x1F880] =	vst v63  }
.LBB2_13:
0x1dd: {  	_ =	swait.ge [sflag:s31], $0x2800  }
0x1de: {  	p1 =	seq.s32 s7, $0x0;
	[sflag:s31] =	ssyncset.done $0x0  }
0x1df: {  	s4 =	simm.s32 @!p1 $0x3;
	[sflag:s31] =	ssyncadd.s32 $0xFFFFD800  }
0x1e0: {  	s9 =	sshll.u32 s7, $0x1;
	_ =	swait.ge @!p1 [sflag:s4], $0x2800  }
0x1e1: {  	s6 =	sshll.u32 s9, $0x7;
	[sflag:s4] =	ssyncset.done @!p1 $0x0  }
0x1e2: {  	s8 =	simm.s32 $0x0;
	v0 =	vmov s6;
	[sflag:s4] =	ssyncadd.s32 @!p1 $0xFFFFD800  }
.LBB2_14:
0x1e3: {  	s12 =	sshll.u32 s8, $0x7  }
0x1e4: {  	v3 =	vld [tilespmem:s12+$0x15800]  }
0x1e5: {  	v4 =	vld [tilespmem:s12+$0x15810]  }
0x1e6: {  	v5 =	vld [tilespmem:s12+$0x15820]  }
0x1e7: {  	v6 =	vld [tilespmem:s12+$0x15830]  }
0x1e8: {  	v7 =	vld [tilespmem:s12+$0x15840]  }
0x1e9: {  	v8 =	vld [tilespmem:s12+$0x15850]  }
0x1ea: {  	s4 =	sor.u32 $0x1, s8;
	v9 =	vld [tilespmem:s12+$0x15860]  }
0x1eb: {  	v1 =	vmov s8;
	v2 =	vmov s4;
	v10 =	vld [tilespmem:s12+$0x15870];
	s4 =	sshll.u32 s4, $0x7  }
0x1ec: {  	v1 =	vand.u32 $0x70, v1;
	v12 =	vld [tilespmem:s4+$0x15800]  }
0x1ed: {  	v1 =	vor.u32 v0, v1;
	v13 =	vld [tilespmem:s4+$0x15810]  }
0x1ee: {  	v14 =	vld [tilespmem:s4+$0x15820];
	v1 =	vbroadcast v1, $0x0  }
0x1ef: {  	v15 =	vld [tilespmem:s4+$0x15830]  }
0x1f0: {  	v16 =	vld [tilespmem:s4+$0x15840]  }
0x1f1: {  	v17 =	vld [tilespmem:s4+$0x15850]  }
0x1f2: {  	v18 =	vld [tilespmem:s4+$0x15860]  }
0x1f3: {  	s6 =	sor.u32 $0x2, s8;
	v19 =	vld [tilespmem:s4+$0x15870]  }
0x1f4: {  	s11 =	sshll.u32 s6, $0x7;
	v2 =	vand.u32 $0x71, v2;
	v1 =	vld.idx.msk [tilespmem:v1+s25+$0x0], $0xffff  }
0x1f5: {  	v21 =	vld [tilespmem:s11+$0x15800];
	v2 =	vor.u32 v0, v2  }
0x1f6: {  	v22 =	vld [tilespmem:s11+$0x15810];
	v2 =	vbroadcast v2, $0x0  }
0x1f7: {  	v23 =	vld [tilespmem:s11+$0x15820]  }
0x1f8: {  	v24 =	vld [tilespmem:s11+$0x15830]  }
0x1f9: {  	v26 =	vld [tilespmem:s11+$0x15840];
	v3 =	vmul.f32 v3, v1  }
0x1fa: {  	v28 =	vld [tilespmem:s11+$0x15850];
	v4 =	vmul.f32 v4, v1  }
0x1fb: {  	v11 =	vmov s6;
	v29 =	vld [tilespmem:s11+$0x15860];
	[tilespmem:s12+$0x1A800] =	vst v3;
	v3 =	vmul.f32 v5, v1  }
0x1fc: {  	s10 =	sor.u32 $0x3, s8;
	v11 =	vand.u32 $0x72, v11;
	v2 =	vld.idx.msk [tilespmem:v2+s25+$0x0], $0xffff;
	v27 =	vmul.f32 v6, v1;
	[tilespmem:s12+$0x1A810] =	vst v4  }
0x1fd: {  	v20 =	vmov s10;
	s10 =	sshll.u32 s10, $0x7;
	v31 =	vld [tilespmem:s11+$0x15870];
	v11 =	vor.u32 v0, v11;
	[tilespmem:s12+$0x1A820] =	vst v3;
	v3 =	vmul.f32 v7, v1  }
0x1fe: {  	v34 =	vld [tilespmem:s10+$0x15800];
	v11 =	vbroadcast v11, $0x0;
	v30 =	vmul.f32 v8, v1;
	[tilespmem:s12+$0x1A830] =	vst v27  }
0x1ff: {  	v36 =	vld [tilespmem:s10+$0x15810];
	[tilespmem:s12+$0x1A840] =	vst v3;
	v3 =	vmul.f32 v9, v1  }
0x200: {  	v37 =	vld [tilespmem:s10+$0x15820];
	[tilespmem:s12+$0x1A850] =	vst v30;
	v1 =	vmul.f32 v10, v1  }
0x201: {  	v38 =	vld [tilespmem:s10+$0x15830];
	[tilespmem:s12+$0x1A860] =	vst v3;
	v3 =	vmul.f32 v12, v2  }
0x202: {  	v39 =	vld [tilespmem:s10+$0x15840];
	[tilespmem:s12+$0x1A870] =	vst v1;
	v1 =	vmul.f32 v13, v2  }
0x203: {  	v40 =	vld [tilespmem:s10+$0x15850];
	[tilespmem:s4+$0x1A800] =	vst v3;
	v3 =	vmul.f32 v14, v2  }
0x204: {  	v20 =	vand.u32 $0x73, v20;
	v11 =	vld.idx.msk [tilespmem:v11+s25+$0x0], $0xffff;
	[tilespmem:s4+$0x1A810] =	vst v1;
	v1 =	vmul.f32 v15, v2  }
0x205: {  	s17 =	sor.u32 $0x5, s8;
	v41 =	vld [tilespmem:s10+$0x15860];
	v20 =	vor.u32 v0, v20;
	[tilespmem:s4+$0x1A820] =	vst v3;
	v3 =	vmul.f32 v16, v2  }
0x206: {  	s18 =	sshll.u32 s17, $0x7;
	v42 =	vld [tilespmem:s10+$0x15870];
	v20 =	vbroadcast v20, $0x0;
	[tilespmem:s4+$0x1A830] =	vst v1;
	v1 =	vmul.f32 v17, v2  }
0x207: {  	v54 =	vld [tilespmem:s18+$0x15800];
	[tilespmem:s4+$0x1A840] =	vst v3;
	v3 =	vmul.f32 v18, v2  }
0x208: {  	v55 =	vld [tilespmem:s18+$0x15810];
	[tilespmem:s4+$0x1A850] =	vst v1;
	v1 =	vmul.f32 v19, v2  }
0x209: {  	v56 =	vld [tilespmem:s18+$0x15820];
	[tilespmem:s4+$0x1A860] =	vst v3;
	v3 =	vmul.f32 v21, v11  }
0x20a: {  	s20 =	sor.u32 $0x4, s8;
	v57 =	vld [tilespmem:s18+$0x15830];
	[tilespmem:s4+$0x1A870] =	vst v1;
	v1 =	vmul.f32 v22, v11  }
0x20b: {  	v33 =	vmov s20;
	v58 =	vld [tilespmem:s18+$0x15840];
	[tilespmem:s11+$0x1A800] =	vst v3;
	v3 =	vmul.f32 v23, v11  }
0x20c: {  	v35 =	vand.u32 $0x74, v33;
	v32 =	vld.idx.msk [tilespmem:v20+s25+$0x0], $0xffff;
	[tilespmem:s11+$0x1A810] =	vst v1;
	v1 =	vmul.f32 v24, v11  }
0x20d: {  	v59 =	vld [tilespmem:s18+$0x15850];
	v10 =	vor.u32 v0, v35;
	[tilespmem:s11+$0x1A820] =	vst v3;
	v3 =	vmul.f32 v26, v11  }
0x20e: {  	v60 =	vld [tilespmem:s18+$0x15860];
	v10 =	vbroadcast v10, $0x0;
	[tilespmem:s11+$0x1A830] =	vst v1;
	v1 =	vmul.f32 v28, v11  }
0x20f: {  	v61 =	vld [tilespmem:s18+$0x15870];
	s12 =	sshll.u32 s20, $0x7;
	[tilespmem:s11+$0x1A840] =	vst v3;
	v3 =	vmul.f32 v29, v11  }
0x210: {  	v44 =	vld [tilespmem:s12+$0x15800];
	[tilespmem:s11+$0x1A850] =	vst v1;
	v1 =	vmul.f32 v31, v11  }
0x211: {  	v45 =	vld [tilespmem:s12+$0x15810];
	[tilespmem:s11+$0x1A860] =	vst v3;
	v3 =	vmul.f32 v34, v32  }
0x212: {  	v46 =	vld [tilespmem:s12+$0x15820];
	[tilespmem:s11+$0x1A870] =	vst v1;
	v1 =	vmul.f32 v36, v32  }
0x213: {  	v43 =	vmov s17;
	v47 =	vld [tilespmem:s12+$0x15830];
	[tilespmem:s10+$0x1A800] =	vst v3;
	v3 =	vmul.f32 v37, v32  }
0x214: {  	v2 =	vld.idx.msk [tilespmem:v10+s25+$0x0], $0xffff;
	v10 =	vand.u32 $0x75, v43;
	[tilespmem:s10+$0x1A810] =	vst v1;
	v1 =	vmul.f32 v38, v32  }
0x215: {  	v48 =	vld [tilespmem:s12+$0x15840];
	v10 =	vor.u32 v0, v10;
	[tilespmem:s10+$0x1A820] =	vst v3;
	v3 =	vmul.f32 v39, v32  }
0x216: {  	v49 =	vld [tilespmem:s12+$0x15850];
	v10 =	vbroadcast v10, $0x0;
	[tilespmem:s10+$0x1A830] =	vst v1;
	v1 =	vmul.f32 v40, v32  }
0x217: {  	s19 =	sor.u32 $0x7, s8;
	v50 =	vld [tilespmem:s12+$0x15860];
	s4 =	sor.u32 $0x6, s8;
	[tilespmem:s10+$0x1A840] =	vst v3;
	v3 =	vmul.f32 v41, v32  }
0x218: {  	v62 =	vmov s19;
	v51 =	vld [tilespmem:s12+$0x15870];
	s20 =	sshll.u32 s4, $0x7;
	[tilespmem:s10+$0x1A850] =	vst v1;
	v1 =	vmul.f32 v42, v32  }
0x219: {  	v18 =	vand.u32 $0x77, v62;
	v63 =	vld [tilespmem:s20+$0x15800];
	[tilespmem:s10+$0x1A860] =	vst v3;
	v3 =	vmul.f32 v44, v2  }
0x21a: {  	v18 =	vor.u32 v0, v18;
	v24 =	vld [tilespmem:s20+$0x15810];
	[tilespmem:s10+$0x1A870] =	vst v1;
	v1 =	vmul.f32 v45, v2  }
0x21b: {  	v18 =	vbroadcast v18, $0x0;
	v53 =	vmov s4;
	v25 =	vld [tilespmem:s20+$0x15820];
	[tilespmem:s12+$0x1A800] =	vst v3;
	v3 =	vmul.f32 v46, v2  }
0x21c: {  	v52 =	vld.idx.msk [tilespmem:v10+s25+$0x0], $0xffff;
	v10 =	vand.u32 $0x76, v53;
	[tilespmem:s12+$0x1A810] =	vst v1;
	v1 =	vmul.f32 v47, v2  }
0x21d: {  	v27 =	vld [tilespmem:s20+$0x15840];
	v10 =	vor.u32 v0, v10;
	[tilespmem:s12+$0x1A820] =	vst v3;
	v3 =	vmul.f32 v48, v2  }
0x21e: {  	v26 =	vld [tilespmem:s20+$0x15830];
	v10 =	vbroadcast v10, $0x0;
	[tilespmem:s12+$0x1A830] =	vst v1;
	v1 =	vmul.f32 v49, v2  }
0x21f: {  	v28 =	vld [tilespmem:s20+$0x15860];
	[tilespmem:s12+$0x1A840] =	vst v3;
	v3 =	vmul.f32 v50, v2  }
0x220: {  	v29 =	vld [tilespmem:s20+$0x15870];
	[tilespmem:s12+$0x1A850] =	vst v1;
	v1 =	vmul.f32 v51, v2  }
0x221: {  	v30 =	vld.idx.msk [tilespmem:v18+s25+$0x0], $0xffff;
	s11 =	sshll.u32 s19, $0x7;
	[tilespmem:s12+$0x1A860] =	vst v3;
	v3 =	vmul.f32 v54, v52  }
0x222: {  	v33 =	vld [tilespmem:s11+$0x15810];
	[tilespmem:s12+$0x1A870] =	vst v1;
	v1 =	vmul.f32 v55, v52  }
0x223: {  	v34 =	vld [tilespmem:s11+$0x15820];
	[tilespmem:s18+$0x1A800] =	vst v3;
	v3 =	vmul.f32 v56, v52  }
0x224: {  	s17 =	sor.u32 $0x8, s8;
	v10 =	vld.idx.msk [tilespmem:v10+s25+$0x0], $0xffff;
	[tilespmem:s18+$0x1A810] =	vst v1;
	v1 =	vmul.f32 v57, v52  }
0x225: {  	v31 =	vmov s17;
	v35 =	vld [tilespmem:s11+$0x15830];
	[tilespmem:s18+$0x1A820] =	vst v3;
	v3 =	vmul.f32 v58, v52  }
0x226: {  	v13 =	vand.u32 $0x78, v31;
	s19 =	sshll.u32 s17, $0x7;
	v36 =	vld [tilespmem:s11+$0x15840];
	[tilespmem:s18+$0x1A830] =	vst v1;
	v1 =	vmul.f32 v59, v52  }
0x227: {  	v13 =	vor.u32 v0, v13;
	v43 =	vld [tilespmem:s19+$0x15820];
	[tilespmem:s18+$0x1A840] =	vst v3;
	v3 =	vmul.f32 v60, v52  }
0x228: {  	v13 =	vbroadcast v13, $0x0;
	v37 =	vld [tilespmem:s11+$0x15850];
	[tilespmem:s18+$0x1A850] =	vst v1;
	v1 =	vmul.f32 v61, v52  }
0x229: {  	v2 =	vld [tilespmem:s20+$0x15850];
	[tilespmem:s18+$0x1A860] =	vst v3;
	v3 =	vmul.f32 v63, v10  }
0x22a: {  	v38 =	vld [tilespmem:s11+$0x15860];
	[tilespmem:s18+$0x1A870] =	vst v1;
	v1 =	vmul.f32 v24, v10  }
0x22b: {  	v39 =	vld [tilespmem:s11+$0x15870];
	[tilespmem:s20+$0x1A800] =	vst v3;
	v3 =	vmul.f32 v25, v10  }
0x22c: {  	v32 =	vld [tilespmem:s11+$0x15800];
	[tilespmem:s20+$0x1A810] =	vst v1;
	v1 =	vmul.f32 v26, v10  }
0x22d: {  	v42 =	vld [tilespmem:s19+$0x15800];
	[tilespmem:s20+$0x1A820] =	vst v3;
	v3 =	vmul.f32 v27, v10  }
0x22e: {  	v40 =	vld.idx.msk [tilespmem:v13+s25+$0x0], $0xffff;
	[tilespmem:s20+$0x1A830] =	vst v1;
	v1 =	vmul.f32 v2, v10  }
0x22f: {  	v44 =	vld [tilespmem:s19+$0x15830];
	s18 =	sor.u32 $0x9, s8;
	[tilespmem:s20+$0x1A840] =	vst v3;
	v3 =	vmul.f32 v28, v10  }
0x230: {  	v45 =	vld [tilespmem:s19+$0x15840];
	v41 =	vmov s18;
	[tilespmem:s20+$0x1A850] =	vst v1;
	v1 =	vmul.f32 v29, v10  }
0x231: {  	v46 =	vld [tilespmem:s19+$0x15850];
	v13 =	vand.u32 $0x79, v41;
	[tilespmem:s20+$0x1A860] =	vst v3;
	v3 =	vmul.f32 v32, v30  }
0x232: {  	v47 =	vld [tilespmem:s19+$0x15860];
	v13 =	vor.u32 v0, v13;
	[tilespmem:s20+$0x1A870] =	vst v1;
	v1 =	vmul.f32 v33, v30  }
0x233: {  	v48 =	vld [tilespmem:s19+$0x15870];
	s10 =	sshll.u32 s18, $0x7;
	v13 =	vbroadcast v13, $0x0;
	[tilespmem:s11+$0x1A800] =	vst v3;
	v3 =	vmul.f32 v34, v30  }
0x234: {  	v51 =	vld [tilespmem:s10+$0x15800];
	[tilespmem:s11+$0x1A810] =	vst v1;
	v1 =	vmul.f32 v35, v30  }
0x235: {  	v2 =	vld [tilespmem:s19+$0x15810];
	[tilespmem:s11+$0x1A820] =	vst v3;
	v3 =	vmul.f32 v36, v30  }
0x236: {  	v52 =	vld [tilespmem:s10+$0x15810];
	[tilespmem:s11+$0x1A830] =	vst v1;
	v1 =	vmul.f32 v37, v30  }
0x237: {  	v53 =	vld [tilespmem:s10+$0x15820];
	[tilespmem:s11+$0x1A840] =	vst v3;
	v3 =	vmul.f32 v38, v30  }
0x238: {  	v55 =	vld [tilespmem:s10+$0x15830];
	[tilespmem:s11+$0x1A850] =	vst v1;
	v1 =	vmul.f32 v39, v30  }
0x239: {  	v49 =	vld.idx.msk [tilespmem:v13+s25+$0x0], $0xffff;
	[tilespmem:s11+$0x1A860] =	vst v3;
	v3 =	vmul.f32 v42, v40  }
0x23a: {  	s20 =	sor.u32 $0xA, s8;
	[tilespmem:s11+$0x1A870] =	vst v1;
	v1 =	vmul.f32 v2, v40;
	v2 =	vld [tilespmem:s10+$0x15840]  }
0x23b: {  	v56 =	vld [tilespmem:s10+$0x15850];
	v50 =	vmov s20;
	[tilespmem:s19+$0x1A800] =	vst v3;
	v3 =	vmul.f32 v43, v40  }
0x23c: {  	v57 =	vld [tilespmem:s10+$0x15860];
	v13 =	vand.u32 $0x7A, v50;
	[tilespmem:s19+$0x1A810] =	vst v1;
	v1 =	vmul.f32 v44, v40  }
0x23d: {  	v58 =	vld [tilespmem:s10+$0x15870];
	s18 =	sshll.u32 s20, $0x7;
	v13 =	vor.u32 v0, v13;
	[tilespmem:s19+$0x1A820] =	vst v3;
	v3 =	vmul.f32 v45, v40  }
0x23e: {  	v60 =	vld [tilespmem:s18+$0x15800];
	v54 =	vbroadcast v13, $0x0;
	[tilespmem:s19+$0x1A830] =	vst v1;
	v1 =	vmul.f32 v46, v40  }
0x23f: {  	v61 =	vld [tilespmem:s18+$0x15810];
	v2 =	vmul.f32 v2, v49;
	[tilespmem:s19+$0x1A840] =	vst v3  }
0x240: {  	v63 =	vld [tilespmem:s18+$0x15820];
	[tilespmem:s19+$0x1A850] =	vst v1;
	v1 =	vmul.f32 v48, v40  }
0x241: {  	v18 =	vld [tilespmem:s18+$0x15830];
	v3 =	vmul.f32 v47, v40;
	[tilespmem:s10+$0x1A840] =	vst v2  }
0x242: {  	s17 =	sor.u32 $0xB, s8;
	v19 =	vld [tilespmem:s18+$0x15840];
	[tilespmem:s19+$0x1A870] =	vst v1;
	v1 =	vmul.f32 v52, v49  }
0x243: {  	v59 =	vmov s17;
	v20 =	vld [tilespmem:s18+$0x15850];
	v2 =	vmul.f32 v57, v49;
	[tilespmem:s19+$0x1A860] =	vst v3  }
0x244: {  	v13 =	vand.u32 $0x7B, v59;
	v12 =	vld.idx.msk [tilespmem:v54+s25+$0x0], $0xffff;
	[tilespmem:s10+$0x1A810] =	vst v1;
	v1 =	vmul.f32 v55, v49  }
0x245: {  	s20 =	sshll.u32 s17, $0x7;
	v21 =	vld [tilespmem:s18+$0x15870];
	v62 =	vor.u32 v0, v13;
	v3 =	vmul.f32 v51, v49;
	[tilespmem:s10+$0x1A860] =	vst v2  }
0x246: {  	v23 =	vld [tilespmem:s20+$0x15800];
	v9 =	vbroadcast v62, $0x0;
	[tilespmem:s10+$0x1A830] =	vst v1;
	v1 =	vmul.f32 v56, v49  }
0x247: {  	v24 =	vld [tilespmem:s20+$0x15810];
	[tilespmem:s10+$0x1A800] =	vst v3;
	v3 =	vmul.f32 v53, v49  }
0x248: {  	v25 =	vld [tilespmem:s20+$0x15820];
	[tilespmem:s10+$0x1A850] =	vst v1;
	v1 =	vmul.f32 v58, v49  }
0x249: {  	v26 =	vld [tilespmem:s20+$0x15830];
	v2 =	vmul.f32 v60, v12;
	[tilespmem:s10+$0x1A820] =	vst v3  }
0x24a: {  	s19 =	sor.u32 $0xC, s8;
	v3 =	vld [tilespmem:s18+$0x15860];
	[tilespmem:s10+$0x1A870] =	vst v1;
	v1 =	vmul.f32 v61, v12  }
0x24b: {  	v27 =	vld [tilespmem:s20+$0x15840];
	v22 =	vmov s19;
	[tilespmem:s18+$0x1A800] =	vst v2;
	v2 =	vmul.f32 v63, v12  }
0x24c: {  	v9 =	vld.idx.msk [tilespmem:v9+s25+$0x0], $0xffff;
	v10 =	vand.u32 $0x7C, v22;
	[tilespmem:s18+$0x1A810] =	vst v1;
	v1 =	vmul.f32 v18, v12  }
0x24d: {  	v28 =	vld [tilespmem:s20+$0x15850];
	v10 =	vor.u32 v0, v10;
	[tilespmem:s18+$0x1A820] =	vst v2;
	v2 =	vmul.f32 v19, v12  }
0x24e: {  	v29 =	vld [tilespmem:s20+$0x15860];
	s17 =	sshll.u32 s19, $0x7;
	v10 =	vbroadcast v10, $0x0;
	[tilespmem:s18+$0x1A830] =	vst v1;
	v1 =	vmul.f32 v20, v12  }
0x24f: {  	v32 =	vld [tilespmem:s17+$0x15800];
	[tilespmem:s18+$0x1A840] =	vst v2;
	v2 =	vmul.f32 v3, v12  }
0x250: {  	v33 =	vld [tilespmem:s17+$0x15810];
	[tilespmem:s18+$0x1A850] =	vst v1;
	v1 =	vmul.f32 v21, v12  }
0x251: {  	v34 =	vld [tilespmem:s17+$0x15820];
	[tilespmem:s18+$0x1A860] =	vst v2;
	v2 =	vmul.f32 v23, v9  }
0x252: {  	v35 =	vld [tilespmem:s17+$0x15830];
	s10 =	sor.u32 $0xD, s8;
	[tilespmem:s18+$0x1A870] =	vst v1;
	v1 =	vmul.f32 v24, v9  }
0x253: {  	v3 =	vld [tilespmem:s20+$0x15870];
	v31 =	vmov s10;
	[tilespmem:s20+$0x1A800] =	vst v2;
	v2 =	vmul.f32 v25, v9  }
0x254: {  	v30 =	vld.idx.msk [tilespmem:v10+s25+$0x0], $0xffff;
	v10 =	vand.u32 $0x7D, v31;
	[tilespmem:s20+$0x1A810] =	vst v1;
	v1 =	vmul.f32 v26, v9  }
0x255: {  	v36 =	vld [tilespmem:s17+$0x15840];
	v10 =	vor.u32 v0, v10;
	[tilespmem:s20+$0x1A820] =	vst v2;
	v2 =	vmul.f32 v27, v9  }
0x256: {  	v37 =	vld [tilespmem:s17+$0x15850];
	v10 =	vbroadcast v10, $0x0;
	[tilespmem:s20+$0x1A830] =	vst v1;
	v1 =	vmul.f32 v28, v9  }
0x257: {  	v38 =	vld [tilespmem:s17+$0x15860];
	s19 =	sshll.u32 s10, $0x7;
	[tilespmem:s20+$0x1A840] =	vst v2;
	v2 =	vmul.f32 v29, v9  }
0x258: {  	v41 =	vld [tilespmem:s19+$0x15800];
	[tilespmem:s20+$0x1A850] =	vst v1;
	v1 =	vmul.f32 v3, v9  }
0x259: {  	v42 =	vld [tilespmem:s19+$0x15810];
	[tilespmem:s20+$0x1A860] =	vst v2;
	v2 =	vmul.f32 v32, v30  }
0x25a: {  	v43 =	vld [tilespmem:s19+$0x15820];
	s18 =	sor.u32 $0xE, s8;
	[tilespmem:s20+$0x1A870] =	vst v1;
	v1 =	vmul.f32 v33, v30  }
0x25b: {  	v40 =	vmov s18;
	[tilespmem:s17+$0x1A800] =	vst v2;
	v2 =	vmul.f32 v34, v30;
	v3 =	vld [tilespmem:s17+$0x15870]  }
0x25c: {  	v39 =	vld.idx.msk [tilespmem:v10+s25+$0x0], $0xffff;
	v9 =	vand.u32 $0x7E, v40;
	[tilespmem:s17+$0x1A810] =	vst v1;
	v1 =	vmul.f32 v35, v30  }
0x25d: {  	v44 =	vld [tilespmem:s19+$0x15830];
	v9 =	vor.u32 v0, v9;
	[tilespmem:s17+$0x1A820] =	vst v2;
	v2 =	vmul.f32 v36, v30  }
0x25e: {  	v45 =	vld [tilespmem:s19+$0x15840];
	v9 =	vbroadcast v9, $0x0;
	[tilespmem:s17+$0x1A830] =	vst v1;
	v1 =	vmul.f32 v37, v30  }
0x25f: {  	v46 =	vld [tilespmem:s19+$0x15850];
	[tilespmem:s17+$0x1A840] =	vst v2;
	v2 =	vmul.f32 v38, v30  }
0x260: {  	v47 =	vld [tilespmem:s19+$0x15870];
	s6 =	sshll.u32 s18, $0x7;
	[tilespmem:s17+$0x1A850] =	vst v1;
	v1 =	vmul.f32 v3, v30  }
0x261: {  	v50 =	vld [tilespmem:s6+$0x15800];
	[tilespmem:s17+$0x1A860] =	vst v2;
	v2 =	vmul.f32 v41, v39  }
0x262: {  	s20 =	sor.u32 $0xF, s8;
	v3 =	vld [tilespmem:s19+$0x15860];
	[tilespmem:s17+$0x1A870] =	vst v1;
	v1 =	vmul.f32 v42, v39  }
0x263: {  	v51 =	vld [tilespmem:s6+$0x15810];
	v49 =	vmov s20;
	[tilespmem:s19+$0x1A800] =	vst v2;
	v2 =	vmul.f32 v43, v39  }
0x264: {  	v48 =	vld.idx.msk [tilespmem:v9+s25+$0x0], $0xffff;
	v9 =	vand.u32 $0x7F, v49;
	[tilespmem:s19+$0x1A810] =	vst v1;
	v1 =	vmul.f32 v44, v39  }
0x265: {  	v52 =	vld [tilespmem:s6+$0x15820];
	v9 =	vor.u32 v0, v9;
	[tilespmem:s19+$0x1A820] =	vst v2;
	v2 =	vmul.f32 v45, v39  }
0x266: {  	v53 =	vld [tilespmem:s6+$0x15830];
	v9 =	vbroadcast v9, $0x0;
	[tilespmem:s19+$0x1A830] =	vst v1;
	v1 =	vmul.f32 v46, v39  }
0x267: {  	v54 =	vld [tilespmem:s6+$0x15850];
	[tilespmem:s19+$0x1A840] =	vst v2;
	v2 =	vmul.f32 v3, v39  }
0x268: {  	v3 =	vld [tilespmem:s6+$0x15840];
	[tilespmem:s19+$0x1A850] =	vst v1;
	v1 =	vmul.f32 v47, v39  }
0x269: {  	v55 =	vld [tilespmem:s6+$0x15860];
	[tilespmem:s19+$0x1A860] =	vst v2;
	v2 =	vmul.f32 v50, v48  }
0x26a: {  	v56 =	vld [tilespmem:s6+$0x15870];
	s4 =	sshll.u32 s20, $0x7;
	[tilespmem:s19+$0x1A870] =	vst v1;
	v1 =	vmul.f32 v51, v48  }
0x26b: {  	v58 =	vld [tilespmem:s4+$0x15800];
	[tilespmem:s6+$0x1A800] =	vst v2;
	v2 =	vmul.f32 v52, v48  }
0x26c: {  	v57 =	vld.idx.msk [tilespmem:v9+s25+$0x0], $0xffff;
	[tilespmem:s6+$0x1A810] =	vst v1;
	v1 =	vmul.f32 v53, v48  }
0x26d: {  	[tilespmem:s6+$0x1A820] =	vst v2;
	v2 =	vmul.f32 v3, v48;
	v3 =	vld [tilespmem:s4+$0x15810]  }
0x26e: {  	v59 =	vld [tilespmem:s4+$0x15820];
	[tilespmem:s6+$0x1A830] =	vst v1;
	v1 =	vmul.f32 v54, v48  }
0x26f: {  	v60 =	vld [tilespmem:s4+$0x15830];
	[tilespmem:s6+$0x1A840] =	vst v2;
	v2 =	vmul.f32 v55, v48  }
0x270: {  	v61 =	vld [tilespmem:s4+$0x15840];
	[tilespmem:s6+$0x1A850] =	vst v1;
	v1 =	vmul.f32 v56, v48  }
0x271: {  	v62 =	vld [tilespmem:s4+$0x15850];
	[tilespmem:s6+$0x1A860] =	vst v2;
	v2 =	vmul.f32 v58, v57  }
0x272: {  	[tilespmem:s6+$0x1A870] =	vst v1;
	v1 =	vmul.f32 v3, v57;
	v3 =	vld [tilespmem:s4+$0x15860]  }
0x273: {  	v63 =	vld [tilespmem:s4+$0x15870];
	[tilespmem:s4+$0x1A800] =	vst v2;
	v2 =	vmul.f32 v59, v57  }
0x274: {  	[tilespmem:s4+$0x1A810] =	vst v1;
	v1 =	vmul.f32 v60, v57  }
0x275: {  	p2 =	slt.u32 s8, $0x40;
	[tilespmem:s4+$0x1A820] =	vst v2;
	v2 =	vmul.f32 v61, v57  }
.Ltmp7:
0x276: {  	[tilespmem:s4+$0x1A830] =	vst v1;
	v1 =	vmul.f32 v62, v57;
	(pc) =	sbr.rel @p2 .LBB2_14-.Ltmp7, $4  }
0x277: {  	[tilespmem:s4+$0x1A840] =	vst v2;
	v2 =	vmul.f32 v3, v57  }
0x278: {  	[tilespmem:s4+$0x1A850] =	vst v1;
	v1 =	vmul.f32 v63, v57  }
0x279: {  	[tilespmem:s4+$0x1A860] =	vst v2  }
0x27a: {  	s8 =	sadd.s32 $0x10, s8;
	[tilespmem:s4+$0x1A870] =	vst v1  }
0x27b: {  	s4 =	sshll.u32 s7, $0x8  }
0x27c: {  	s8 =	sand.u32 $0x3FFFFF00, s4  }
0x27d: {  	s4 =	sadd.s32 $0x14100, s8  }
0x27e: {  	[tilespmem:s28], [sflag:$0x1] =	stream.indirect.gather [hbm4b:s16+s26], $0x80, s4, s26, $0xb8;
	[tilespmem:$0x1F880] =	vst v63  }
0x27f: {  	s20 =	sadd.s32 $0x14800, s8  }
0x280: {  	[spmem:s1] =	stream.indirect.scatter.add.f32 [tilespmem:s22], [sflag:$0x3], $0x80, s20, s26, $0xb8;
	[tilespmem:$0x1F880] =	vst v63  }
0x281: {  	_ =	swait.ge [sflag:s0], $0x2800  }
0x282: {  	[sflag:s0] =	ssyncset.done $0x0  }
0x283: {  	s4 =	simm.s32 @!p1 $0x4;
	[sflag:s0] =	ssyncadd.s32 $0xFFFFD800  }
0x284: {  	s6 =	sor.u32 $0x1, s9;
	_ =	swait.ge @!p1 [sflag:s4], $0x2800  }
0x285: {  	s9 =	sshll.u32 s6, $0x7;
	[sflag:s4] =	ssyncset.done @!p1 $0x0  }
0x286: {  	s10 =	simm.s32 $0x0;
	v0 =	vmov s9;
	[sflag:s4] =	ssyncadd.s32 @!p1 $0xFFFFD800  }
.LBB2_16:
0x287: {  	s17 =	sshll.u32 s10, $0x7  }
0x288: {  	v3 =	vld [tilespmem:s17+$0x18000]  }
0x289: {  	v4 =	vld [tilespmem:s17+$0x18010]  }
0x28a: {  	v5 =	vld [tilespmem:s17+$0x18020]  }
0x28b: {  	v6 =	vld [tilespmem:s17+$0x18030]  }
0x28c: {  	v7 =	vld [tilespmem:s17+$0x18040]  }
0x28d: {  	v8 =	vld [tilespmem:s17+$0x18050]  }
0x28e: {  	s4 =	sor.u32 $0x1, s10;
	v9 =	vld [tilespmem:s17+$0x18060]  }
0x28f: {  	v1 =	vmov s10;
	v2 =	vmov s4;
	v10 =	vld [tilespmem:s17+$0x18070];
	s4 =	sshll.u32 s4, $0x7  }
0x290: {  	v1 =	vand.u32 $0x70, v1;
	v12 =	vld [tilespmem:s4+$0x18000]  }
0x291: {  	v1 =	vor.u32 v0, v1;
	v13 =	vld [tilespmem:s4+$0x18010]  }
0x292: {  	v14 =	vld [tilespmem:s4+$0x18020];
	v1 =	vbroadcast v1, $0x0  }
0x293: {  	v15 =	vld [tilespmem:s4+$0x18030]  }
0x294: {  	v16 =	vld [tilespmem:s4+$0x18040]  }
0x295: {  	v17 =	vld [tilespmem:s4+$0x18050]  }
0x296: {  	v18 =	vld [tilespmem:s4+$0x18060]  }
0x297: {  	s6 =	sor.u32 $0x2, s10;
	v19 =	vld [tilespmem:s4+$0x18070]  }
0x298: {  	s12 =	sshll.u32 s6, $0x7;
	v2 =	vand.u32 $0x71, v2;
	v1 =	vld.idx.msk [tilespmem:v1+s25+$0x0], $0xffff  }
0x299: {  	v21 =	vld [tilespmem:s12+$0x18000];
	v2 =	vor.u32 v0, v2  }
0x29a: {  	v22 =	vld [tilespmem:s12+$0x18010];
	v2 =	vbroadcast v2, $0x0  }
0x29b: {  	v23 =	vld [tilespmem:s12+$0x18020]  }
0x29c: {  	v24 =	vld [tilespmem:s12+$0x18030]  }
0x29d: {  	v26 =	vld [tilespmem:s12+$0x18040];
	v3 =	vmul.f32 v3, v1  }
0x29e: {  	v28 =	vld [tilespmem:s12+$0x18050];
	v4 =	vmul.f32 v4, v1  }
0x29f: {  	v11 =	vmov s6;
	v29 =	vld [tilespmem:s12+$0x18060];
	[tilespmem:s17+$0x1D000] =	vst v3;
	v3 =	vmul.f32 v5, v1  }
0x2a0: {  	s11 =	sor.u32 $0x3, s10;
	v11 =	vand.u32 $0x72, v11;
	v2 =	vld.idx.msk [tilespmem:v2+s25+$0x0], $0xffff;
	v27 =	vmul.f32 v6, v1;
	[tilespmem:s17+$0x1D010] =	vst v4  }
0x2a1: {  	v20 =	vmov s11;
	s11 =	sshll.u32 s11, $0x7;
	v31 =	vld [tilespmem:s12+$0x18070];
	v11 =	vor.u32 v0, v11;
	[tilespmem:s17+$0x1D020] =	vst v3;
	v3 =	vmul.f32 v7, v1  }
0x2a2: {  	v34 =	vld [tilespmem:s11+$0x18000];
	v11 =	vbroadcast v11, $0x0;
	v30 =	vmul.f32 v8, v1;
	[tilespmem:s17+$0x1D030] =	vst v27  }
0x2a3: {  	v36 =	vld [tilespmem:s11+$0x18010];
	[tilespmem:s17+$0x1D040] =	vst v3;
	v3 =	vmul.f32 v9, v1  }
0x2a4: {  	v37 =	vld [tilespmem:s11+$0x18020];
	[tilespmem:s17+$0x1D050] =	vst v30;
	v1 =	vmul.f32 v10, v1  }
0x2a5: {  	v38 =	vld [tilespmem:s11+$0x18030];
	[tilespmem:s17+$0x1D060] =	vst v3;
	v3 =	vmul.f32 v12, v2  }
0x2a6: {  	v39 =	vld [tilespmem:s11+$0x18040];
	[tilespmem:s17+$0x1D070] =	vst v1;
	v1 =	vmul.f32 v13, v2  }
0x2a7: {  	v40 =	vld [tilespmem:s11+$0x18050];
	[tilespmem:s4+$0x1D000] =	vst v3;
	v3 =	vmul.f32 v14, v2  }
0x2a8: {  	v20 =	vand.u32 $0x73, v20;
	v11 =	vld.idx.msk [tilespmem:v11+s25+$0x0], $0xffff;
	[tilespmem:s4+$0x1D010] =	vst v1;
	v1 =	vmul.f32 v15, v2  }
0x2a9: {  	s18 =	sor.u32 $0x5, s10;
	v41 =	vld [tilespmem:s11+$0x18060];
	v20 =	vor.u32 v0, v20;
	[tilespmem:s4+$0x1D020] =	vst v3;
	v3 =	vmul.f32 v16, v2  }
0x2aa: {  	v43 =	vmov s18;
	s18 =	sshll.u32 s18, $0x7;
	v42 =	vld [tilespmem:s11+$0x18070];
	v20 =	vbroadcast v20, $0x0;
	[tilespmem:s4+$0x1D030] =	vst v1;
	v1 =	vmul.f32 v17, v2  }
0x2ab: {  	v54 =	vld [tilespmem:s18+$0x18000];
	[tilespmem:s4+$0x1D040] =	vst v3;
	v3 =	vmul.f32 v18, v2  }
0x2ac: {  	v55 =	vld [tilespmem:s18+$0x18010];
	[tilespmem:s4+$0x1D050] =	vst v1;
	v1 =	vmul.f32 v19, v2  }
0x2ad: {  	v56 =	vld [tilespmem:s18+$0x18020];
	[tilespmem:s4+$0x1D060] =	vst v3;
	v3 =	vmul.f32 v21, v11  }
0x2ae: {  	s20 =	sor.u32 $0x4, s10;
	v57 =	vld [tilespmem:s18+$0x18030];
	[tilespmem:s4+$0x1D070] =	vst v1;
	v1 =	vmul.f32 v22, v11  }
0x2af: {  	v33 =	vmov s20;
	v58 =	vld [tilespmem:s18+$0x18040];
	[tilespmem:s12+$0x1D000] =	vst v3;
	v3 =	vmul.f32 v23, v11  }
0x2b0: {  	v35 =	vand.u32 $0x74, v33;
	v32 =	vld.idx.msk [tilespmem:v20+s25+$0x0], $0xffff;
	[tilespmem:s12+$0x1D010] =	vst v1;
	v1 =	vmul.f32 v24, v11  }
0x2b1: {  	v59 =	vld [tilespmem:s18+$0x18050];
	v10 =	vor.u32 v0, v35;
	[tilespmem:s12+$0x1D020] =	vst v3;
	v3 =	vmul.f32 v26, v11  }
0x2b2: {  	v60 =	vld [tilespmem:s18+$0x18060];
	v10 =	vbroadcast v10, $0x0;
	[tilespmem:s12+$0x1D030] =	vst v1;
	v1 =	vmul.f32 v28, v11  }
0x2b3: {  	v61 =	vld [tilespmem:s18+$0x18070];
	s17 =	sshll.u32 s20, $0x7;
	[tilespmem:s12+$0x1D040] =	vst v3;
	v3 =	vmul.f32 v29, v11  }
0x2b4: {  	v44 =	vld [tilespmem:s17+$0x18000];
	[tilespmem:s12+$0x1D050] =	vst v1;
	v1 =	vmul.f32 v31, v11  }
0x2b5: {  	v45 =	vld [tilespmem:s17+$0x18010];
	[tilespmem:s12+$0x1D060] =	vst v3;
	v3 =	vmul.f32 v34, v32  }
0x2b6: {  	v46 =	vld [tilespmem:s17+$0x18020];
	[tilespmem:s12+$0x1D070] =	vst v1;
	v1 =	vmul.f32 v36, v32  }
0x2b7: {  	v47 =	vld [tilespmem:s17+$0x18030];
	[tilespmem:s11+$0x1D000] =	vst v3;
	v3 =	vmul.f32 v37, v32  }
0x2b8: {  	v2 =	vld.idx.msk [tilespmem:v10+s25+$0x0], $0xffff;
	v10 =	vand.u32 $0x75, v43;
	[tilespmem:s11+$0x1D010] =	vst v1;
	v1 =	vmul.f32 v38, v32  }
0x2b9: {  	v48 =	vld [tilespmem:s17+$0x18040];
	v10 =	vor.u32 v0, v10;
	[tilespmem:s11+$0x1D020] =	vst v3;
	v3 =	vmul.f32 v39, v32  }
0x2ba: {  	v49 =	vld [tilespmem:s17+$0x18050];
	v10 =	vbroadcast v10, $0x0;
	[tilespmem:s11+$0x1D030] =	vst v1;
	v1 =	vmul.f32 v40, v32  }
0x2bb: {  	s19 =	sor.u32 $0x7, s10;
	v50 =	vld [tilespmem:s17+$0x18060];
	s4 =	sor.u32 $0x6, s10;
	[tilespmem:s11+$0x1D040] =	vst v3;
	v3 =	vmul.f32 v41, v32  }
0x2bc: {  	v62 =	vmov s19;
	v51 =	vld [tilespmem:s17+$0x18070];
	s20 =	sshll.u32 s4, $0x7;
	[tilespmem:s11+$0x1D050] =	vst v1;
	v1 =	vmul.f32 v42, v32  }
0x2bd: {  	v18 =	vand.u32 $0x77, v62;
	v63 =	vld [tilespmem:s20+$0x18000];
	[tilespmem:s11+$0x1D060] =	vst v3;
	v3 =	vmul.f32 v44, v2  }
0x2be: {  	v18 =	vor.u32 v0, v18;
	v24 =	vld [tilespmem:s20+$0x18010];
	[tilespmem:s11+$0x1D070] =	vst v1;
	v1 =	vmul.f32 v45, v2  }
0x2bf: {  	v18 =	vbroadcast v18, $0x0;
	v53 =	vmov s4;
	v25 =	vld [tilespmem:s20+$0x18020];
	[tilespmem:s17+$0x1D000] =	vst v3;
	v3 =	vmul.f32 v46, v2  }
0x2c0: {  	v52 =	vld.idx.msk [tilespmem:v10+s25+$0x0], $0xffff;
	v10 =	vand.u32 $0x76, v53;
	[tilespmem:s17+$0x1D010] =	vst v1;
	v1 =	vmul.f32 v47, v2  }
0x2c1: {  	v27 =	vld [tilespmem:s20+$0x18040];
	v10 =	vor.u32 v0, v10;
	[tilespmem:s17+$0x1D020] =	vst v3;
	v3 =	vmul.f32 v48, v2  }
0x2c2: {  	v26 =	vld [tilespmem:s20+$0x18030];
	v10 =	vbroadcast v10, $0x0;
	[tilespmem:s17+$0x1D030] =	vst v1;
	v1 =	vmul.f32 v49, v2  }
0x2c3: {  	v28 =	vld [tilespmem:s20+$0x18060];
	[tilespmem:s17+$0x1D040] =	vst v3;
	v3 =	vmul.f32 v50, v2  }
0x2c4: {  	v29 =	vld [tilespmem:s20+$0x18070];
	[tilespmem:s17+$0x1D050] =	vst v1;
	v1 =	vmul.f32 v51, v2  }
0x2c5: {  	v30 =	vld.idx.msk [tilespmem:v18+s25+$0x0], $0xffff;
	s12 =	sshll.u32 s19, $0x7;
	[tilespmem:s17+$0x1D060] =	vst v3;
	v3 =	vmul.f32 v54, v52  }
0x2c6: {  	v33 =	vld [tilespmem:s12+$0x18010];
	[tilespmem:s17+$0x1D070] =	vst v1;
	v1 =	vmul.f32 v55, v52  }
0x2c7: {  	v34 =	vld [tilespmem:s12+$0x18020];
	[tilespmem:s18+$0x1D000] =	vst v3;
	v3 =	vmul.f32 v56, v52  }
0x2c8: {  	v10 =	vld.idx.msk [tilespmem:v10+s25+$0x0], $0xffff;
	[tilespmem:s18+$0x1D010] =	vst v1;
	v1 =	vmul.f32 v57, v52  }
0x2c9: {  	v35 =	vld [tilespmem:s12+$0x18030];
	[tilespmem:s18+$0x1D020] =	vst v3;
	v3 =	vmul.f32 v58, v52  }
0x2ca: {  	v36 =	vld [tilespmem:s12+$0x18040];
	[tilespmem:s18+$0x1D030] =	vst v1;
	v1 =	vmul.f32 v59, v52  }
0x2cb: {  	v37 =	vld [tilespmem:s12+$0x18050];
	s17 =	sor.u32 $0x8, s10;
	[tilespmem:s18+$0x1D040] =	vst v3;
	v3 =	vmul.f32 v60, v52  }
0x2cc: {  	v38 =	vld [tilespmem:s12+$0x18060];
	v31 =	vmov s17;
	[tilespmem:s18+$0x1D050] =	vst v1;
	v1 =	vmul.f32 v61, v52  }
0x2cd: {  	v2 =	vld [tilespmem:s20+$0x18050];
	v13 =	vand.u32 $0x78, v31;
	[tilespmem:s18+$0x1D060] =	vst v3;
	v3 =	vmul.f32 v63, v10  }
0x2ce: {  	v39 =	vld [tilespmem:s12+$0x18070];
	v13 =	vor.u32 v0, v13;
	[tilespmem:s18+$0x1D070] =	vst v1;
	v1 =	vmul.f32 v24, v10  }
0x2cf: {  	v32 =	vld [tilespmem:s12+$0x18000];
	s4 =	sshll.u32 s17, $0x7;
	v13 =	vbroadcast v13, $0x0;
	[tilespmem:s20+$0x1D000] =	vst v3;
	v3 =	vmul.f32 v25, v10  }
0x2d0: {  	v42 =	vld [tilespmem:s4+$0x18000];
	[tilespmem:s20+$0x1D010] =	vst v1;
	v1 =	vmul.f32 v26, v10  }
0x2d1: {  	v43 =	vld [tilespmem:s4+$0x18020];
	[tilespmem:s20+$0x1D020] =	vst v3;
	v3 =	vmul.f32 v27, v10  }
0x2d2: {  	v44 =	vld [tilespmem:s4+$0x18030];
	[tilespmem:s20+$0x1D030] =	vst v1;
	v1 =	vmul.f32 v2, v10  }
0x2d3: {  	v45 =	vld [tilespmem:s4+$0x18040];
	s18 =	sor.u32 $0x9, s10;
	[tilespmem:s20+$0x1D040] =	vst v3;
	v3 =	vmul.f32 v28, v10  }
0x2d4: {  	v46 =	vld [tilespmem:s4+$0x18050];
	v41 =	vmov s18;
	[tilespmem:s20+$0x1D050] =	vst v1;
	v1 =	vmul.f32 v29, v10  }
0x2d5: {  	v40 =	vld.idx.msk [tilespmem:v13+s25+$0x0], $0xffff;
	v13 =	vand.u32 $0x79, v41;
	[tilespmem:s20+$0x1D060] =	vst v3;
	v3 =	vmul.f32 v32, v30  }
0x2d6: {  	v47 =	vld [tilespmem:s4+$0x18060];
	v13 =	vor.u32 v0, v13;
	[tilespmem:s20+$0x1D070] =	vst v1;
	v1 =	vmul.f32 v33, v30  }
0x2d7: {  	v48 =	vld [tilespmem:s4+$0x18070];
	v13 =	vbroadcast v13, $0x0;
	[tilespmem:s12+$0x1D000] =	vst v3;
	v3 =	vmul.f32 v34, v30  }
0x2d8: {  	v2 =	vld [tilespmem:s4+$0x18010];
	s20 =	sshll.u32 s18, $0x7;
	[tilespmem:s12+$0x1D010] =	vst v1;
	v1 =	vmul.f32 v35, v30  }
0x2d9: {  	v51 =	vld [tilespmem:s20+$0x18000];
	[tilespmem:s12+$0x1D020] =	vst v3;
	v3 =	vmul.f32 v36, v30  }
0x2da: {  	v52 =	vld [tilespmem:s20+$0x18010];
	[tilespmem:s12+$0x1D030] =	vst v1;
	v1 =	vmul.f32 v37, v30  }
0x2db: {  	v53 =	vld [tilespmem:s20+$0x18020];
	[tilespmem:s12+$0x1D040] =	vst v3;
	v3 =	vmul.f32 v38, v30  }
0x2dc: {  	v55 =	vld [tilespmem:s20+$0x18030];
	[tilespmem:s12+$0x1D050] =	vst v1;
	v1 =	vmul.f32 v39, v30  }
0x2dd: {  	v49 =	vld.idx.msk [tilespmem:v13+s25+$0x0], $0xffff;
	[tilespmem:s12+$0x1D060] =	vst v3;
	v3 =	vmul.f32 v42, v40  }
0x2de: {  	s19 =	sor.u32 $0xA, s10;
	[tilespmem:s12+$0x1D070] =	vst v1;
	v1 =	vmul.f32 v2, v40;
	v2 =	vld [tilespmem:s20+$0x18040]  }
0x2df: {  	v50 =	vmov s19;
	v56 =	vld [tilespmem:s20+$0x18050];
	[tilespmem:s4+$0x1D000] =	vst v3;
	v3 =	vmul.f32 v43, v40  }
0x2e0: {  	v57 =	vld [tilespmem:s20+$0x18060];
	v13 =	vand.u32 $0x7A, v50;
	[tilespmem:s4+$0x1D010] =	vst v1;
	v1 =	vmul.f32 v44, v40  }
0x2e1: {  	s18 =	sshll.u32 s19, $0x7;
	v58 =	vld [tilespmem:s20+$0x18070];
	v13 =	vor.u32 v0, v13;
	[tilespmem:s4+$0x1D020] =	vst v3;
	v3 =	vmul.f32 v45, v40  }
0x2e2: {  	v60 =	vld [tilespmem:s18+$0x18000];
	v54 =	vbroadcast v13, $0x0;
	[tilespmem:s4+$0x1D030] =	vst v1;
	v1 =	vmul.f32 v46, v40  }
0x2e3: {  	v61 =	vld [tilespmem:s18+$0x18010];
	v2 =	vmul.f32 v2, v49;
	[tilespmem:s4+$0x1D040] =	vst v3  }
0x2e4: {  	v63 =	vld [tilespmem:s18+$0x18020];
	[tilespmem:s4+$0x1D050] =	vst v1;
	v1 =	vmul.f32 v48, v40  }
0x2e5: {  	v18 =	vld [tilespmem:s18+$0x18030];
	v3 =	vmul.f32 v47, v40;
	[tilespmem:s20+$0x1D040] =	vst v2  }
0x2e6: {  	v19 =	vld [tilespmem:s18+$0x18040];
	s12 =	sor.u32 $0xB, s10;
	[tilespmem:s4+$0x1D070] =	vst v1;
	v1 =	vmul.f32 v52, v49  }
0x2e7: {  	v20 =	vld [tilespmem:s18+$0x18050];
	v59 =	vmov s12;
	v2 =	vmul.f32 v57, v49;
	[tilespmem:s4+$0x1D060] =	vst v3  }
0x2e8: {  	s19 =	sor.u32 $0xC, s10;
	v12 =	vld.idx.msk [tilespmem:v54+s25+$0x0], $0xffff;
	v13 =	vand.u32 $0x7B, v59;
	[tilespmem:s20+$0x1D010] =	vst v1;
	v1 =	vmul.f32 v55, v49  }
0x2e9: {  	v21 =	vld [tilespmem:s18+$0x18070];
	s6 =	sshll.u32 s19, $0x7;
	v62 =	vor.u32 v0, v13;
	v3 =	vmul.f32 v51, v49;
	[tilespmem:s20+$0x1D060] =	vst v2  }
0x2ea: {  	v32 =	vld [tilespmem:s6+$0x18000];
	v9 =	vbroadcast v62, $0x0;
	[tilespmem:s20+$0x1D030] =	vst v1;
	v1 =	vmul.f32 v56, v49  }
0x2eb: {  	v33 =	vld [tilespmem:s6+$0x18010];
	[tilespmem:s20+$0x1D000] =	vst v3;
	v3 =	vmul.f32 v53, v49  }
0x2ec: {  	v34 =	vld [tilespmem:s6+$0x18020];
	[tilespmem:s20+$0x1D050] =	vst v1;
	v1 =	vmul.f32 v58, v49  }
0x2ed: {  	v35 =	vld [tilespmem:s6+$0x18030];
	v2 =	vmul.f32 v60, v12;
	[tilespmem:s20+$0x1D020] =	vst v3  }
0x2ee: {  	s4 =	sshll.u32 s12, $0x7;
	v3 =	vld [tilespmem:s18+$0x18060];
	[tilespmem:s20+$0x1D070] =	vst v1;
	v1 =	vmul.f32 v61, v12  }
0x2ef: {  	v22 =	vmov s19;
	v23 =	vld [tilespmem:s4+$0x18000];
	[tilespmem:s18+$0x1D000] =	vst v2;
	v2 =	vmul.f32 v63, v12  }
0x2f0: {  	v10 =	vand.u32 $0x7C, v22;
	v9 =	vld.idx.msk [tilespmem:v9+s25+$0x0], $0xffff;
	[tilespmem:s18+$0x1D010] =	vst v1;
	v1 =	vmul.f32 v18, v12  }
0x2f1: {  	v10 =	vor.u32 v0, v10;
	v24 =	vld [tilespmem:s4+$0x18010];
	[tilespmem:s18+$0x1D020] =	vst v2;
	v2 =	vmul.f32 v19, v12  }
0x2f2: {  	v10 =	vbroadcast v10, $0x0;
	v25 =	vld [tilespmem:s4+$0x18020];
	[tilespmem:s18+$0x1D030] =	vst v1;
	v1 =	vmul.f32 v20, v12  }
0x2f3: {  	v26 =	vld [tilespmem:s4+$0x18030];
	[tilespmem:s18+$0x1D040] =	vst v2;
	v2 =	vmul.f32 v3, v12  }
0x2f4: {  	v27 =	vld [tilespmem:s4+$0x18040];
	[tilespmem:s18+$0x1D050] =	vst v1;
	v1 =	vmul.f32 v21, v12  }
0x2f5: {  	v28 =	vld [tilespmem:s4+$0x18050];
	[tilespmem:s18+$0x1D060] =	vst v2;
	v2 =	vmul.f32 v23, v9  }
0x2f6: {  	v29 =	vld [tilespmem:s4+$0x18060];
	s20 =	sor.u32 $0xD, s10;
	[tilespmem:s18+$0x1D070] =	vst v1;
	v1 =	vmul.f32 v24, v9  }
0x2f7: {  	v3 =	vld [tilespmem:s4+$0x18070];
	v31 =	vmov s20;
	[tilespmem:s4+$0x1D000] =	vst v2;
	v2 =	vmul.f32 v25, v9  }
0x2f8: {  	v30 =	vld.idx.msk [tilespmem:v10+s25+$0x0], $0xffff;
	v10 =	vand.u32 $0x7D, v31;
	[tilespmem:s4+$0x1D010] =	vst v1;
	v1 =	vmul.f32 v26, v9  }
0x2f9: {  	v36 =	vld [tilespmem:s6+$0x18040];
	v10 =	vor.u32 v0, v10;
	[tilespmem:s4+$0x1D020] =	vst v2;
	v2 =	vmul.f32 v27, v9  }
0x2fa: {  	v37 =	vld [tilespmem:s6+$0x18050];
	v10 =	vbroadcast v10, $0x0;
	[tilespmem:s4+$0x1D030] =	vst v1;
	v1 =	vmul.f32 v28, v9  }
0x2fb: {  	v38 =	vld [tilespmem:s6+$0x18060];
	s19 =	sshll.u32 s20, $0x7;
	[tilespmem:s4+$0x1D040] =	vst v2;
	v2 =	vmul.f32 v29, v9  }
0x2fc: {  	v41 =	vld [tilespmem:s19+$0x18000];
	[tilespmem:s4+$0x1D050] =	vst v1;
	v1 =	vmul.f32 v3, v9  }
0x2fd: {  	v42 =	vld [tilespmem:s19+$0x18010];
	s18 =	sor.u32 $0xE, s10;
	[tilespmem:s4+$0x1D060] =	vst v2;
	v2 =	vmul.f32 v32, v30  }
0x2fe: {  	v43 =	vld [tilespmem:s19+$0x18020];
	v40 =	vmov s18;
	[tilespmem:s4+$0x1D070] =	vst v1;
	v1 =	vmul.f32 v33, v30  }
0x2ff: {  	[tilespmem:s6+$0x1D000] =	vst v2;
	v2 =	vmul.f32 v34, v30;
	v3 =	vld [tilespmem:s6+$0x18070];
	v9 =	vand.u32 $0x7E, v40  }
0x300: {  	v39 =	vld.idx.msk [tilespmem:v10+s25+$0x0], $0xffff;
	v9 =	vor.u32 v0, v9;
	[tilespmem:s6+$0x1D010] =	vst v1;
	v1 =	vmul.f32 v35, v30  }
0x301: {  	v44 =	vld [tilespmem:s19+$0x18030];
	[tilespmem:s6+$0x1D020] =	vst v2;
	v2 =	vmul.f32 v36, v30;
	v9 =	vbroadcast v9, $0x0  }
0x302: {  	v45 =	vld [tilespmem:s19+$0x18040];
	[tilespmem:s6+$0x1D030] =	vst v1;
	v1 =	vmul.f32 v37, v30  }
0x303: {  	s20 =	sor.u32 $0xF, s10;
	v46 =	vld [tilespmem:s19+$0x18050];
	[tilespmem:s6+$0x1D040] =	vst v2;
	v2 =	vmul.f32 v38, v30  }
0x304: {  	v47 =	vld [tilespmem:s19+$0x18070];
	s4 =	sshll.u32 s20, $0x7;
	[tilespmem:s6+$0x1D050] =	vst v1;
	v1 =	vmul.f32 v3, v30  }
0x305: {  	v58 =	vld [tilespmem:s4+$0x18000];
	[tilespmem:s6+$0x1D060] =	vst v2;
	v2 =	vmul.f32 v41, v39  }
0x306: {  	v3 =	vld [tilespmem:s19+$0x18060];
	[tilespmem:s6+$0x1D070] =	vst v1;
	v1 =	vmul.f32 v42, v39  }
0x307: {  	v49 =	vmov s20;
	[tilespmem:s19+$0x1D000] =	vst v2;
	v2 =	vmul.f32 v43, v39;
	v48 =	vld.idx.msk [tilespmem:v9+s25+$0x0], $0xffff;
	s6 =	sshll.u32 s18, $0x7  }
0x308: {  	v9 =	vand.u32 $0x7F, v49;
	v50 =	vld [tilespmem:s6+$0x18000];
	[tilespmem:s19+$0x1D010] =	vst v1;
	v1 =	vmul.f32 v44, v39  }
0x309: {  	v9 =	vor.u32 v0, v9;
	[tilespmem:s19+$0x1D020] =	vst v2;
	v2 =	vmul.f32 v45, v39;
	v51 =	vld [tilespmem:s6+$0x18010]  }
0x30a: {  	v9 =	vbroadcast v9, $0x0;
	v52 =	vld [tilespmem:s6+$0x18020];
	[tilespmem:s19+$0x1D030] =	vst v1;
	v1 =	vmul.f32 v46, v39  }
0x30b: {  	v53 =	vld [tilespmem:s6+$0x18030];
	[tilespmem:s19+$0x1D040] =	vst v2;
	v2 =	vmul.f32 v3, v39  }
0x30c: {  	v3 =	vld [tilespmem:s6+$0x18040];
	[tilespmem:s19+$0x1D050] =	vst v1;
	v1 =	vmul.f32 v47, v39  }
0x30d: {  	v54 =	vld [tilespmem:s6+$0x18050];
	[tilespmem:s19+$0x1D060] =	vst v2;
	v2 =	vmul.f32 v50, v48  }
0x30e: {  	v55 =	vld [tilespmem:s6+$0x18060];
	[tilespmem:s19+$0x1D070] =	vst v1;
	v1 =	vmul.f32 v51, v48  }
0x30f: {  	v56 =	vld [tilespmem:s6+$0x18070];
	[tilespmem:s6+$0x1D000] =	vst v2;
	v2 =	vmul.f32 v52, v48  }
0x310: {  	v57 =	vld.idx.msk [tilespmem:v9+s25+$0x0], $0xffff;
	[tilespmem:s6+$0x1D010] =	vst v1;
	v1 =	vmul.f32 v53, v48  }
0x311: {  	[tilespmem:s6+$0x1D020] =	vst v2;
	v2 =	vmul.f32 v3, v48;
	v3 =	vld [tilespmem:s4+$0x18010]  }
0x312: {  	v59 =	vld [tilespmem:s4+$0x18020];
	[tilespmem:s6+$0x1D030] =	vst v1;
	v1 =	vmul.f32 v54, v48  }
0x313: {  	v60 =	vld [tilespmem:s4+$0x18030];
	[tilespmem:s6+$0x1D040] =	vst v2;
	v2 =	vmul.f32 v55, v48  }
0x314: {  	v61 =	vld [tilespmem:s4+$0x18040];
	[tilespmem:s6+$0x1D050] =	vst v1;
	v1 =	vmul.f32 v56, v48  }
0x315: {  	v62 =	vld [tilespmem:s4+$0x18050];
	[tilespmem:s6+$0x1D060] =	vst v2;
	v2 =	vmul.f32 v58, v57  }
0x316: {  	[tilespmem:s6+$0x1D070] =	vst v1;
	v1 =	vmul.f32 v3, v57;
	v3 =	vld [tilespmem:s4+$0x18060]  }
0x317: {  	v63 =	vld [tilespmem:s4+$0x18070];
	[tilespmem:s4+$0x1D000] =	vst v2;
	v2 =	vmul.f32 v59, v57  }
0x318: {  	[tilespmem:s4+$0x1D010] =	vst v1;
	v1 =	vmul.f32 v60, v57  }
0x319: {  	p1 =	slt.u32 s10, $0x40;
	[tilespmem:s4+$0x1D020] =	vst v2;
	v2 =	vmul.f32 v61, v57  }
.Ltmp8:
0x31a: {  	[tilespmem:s4+$0x1D030] =	vst v1;
	v1 =	vmul.f32 v62, v57;
	(pc) =	sbr.rel @p1 .LBB2_16-.Ltmp8, $4  }
0x31b: {  	[tilespmem:s4+$0x1D040] =	vst v2;
	v2 =	vmul.f32 v3, v57  }
0x31c: {  	[tilespmem:s4+$0x1D050] =	vst v1;
	v1 =	vmul.f32 v63, v57  }
0x31d: {  	[tilespmem:s4+$0x1D060] =	vst v2  }
0x31e: {  	s10 =	sadd.s32 $0x10, s10;
	[tilespmem:s4+$0x1D070] =	vst v1  }
0x31f: {  	p1 =	seq.s32 s7, $0x5  }
.Ltmp9:
0x320: {  	_ = 	snop;
	(pc) =	sbr.rel @p1 .LBB2_19-.Ltmp9, $1  }
0x321: {  	_ =	sdelay $0x3  }
.Ltmp10:
0x322: {  	(pc) =	sbr.rel .LBB2_13-.Ltmp10, $4  }
0x323: {  	s4 =	sadd.s32 $0x14180, s8;
	s20 =	sand.u32 $0x3FFFFF80, s9  }
0x324: {  	[tilespmem:s30], [sflag:$0x2] =	stream.indirect.gather [hbm4b:s16+s26], $0x80, s4, s26, $0xb8;
	[tilespmem:$0x1F880] =	vst v63  }
0x325: {  	s7 =	sadd.s32 $0x1, s7;
	s4 =	sadd.s32 $0x14800, s20  }
0x326: {  	[spmem:s1] =	stream.indirect.scatter.add.f32 [tilespmem:s3], [sflag:$0x4], $0x80, s4, s26, $0xb8;
	[tilespmem:$0x1F880] =	vst v63  }
.LBB2_19:
0x327: {  	s4 =	simm.s32 $0x14D80  }
0x328: {  	[spmem:s1] =	stream.indirect.scatter.add.f32 [tilespmem:s3], [sflag:$0x4], $0x80, s4, s26, $0xb8;
	[tilespmem:$0x1F880] =	vst v63  }
0x329: {  	_ =	swait.ge [sflag:s31], $0x2800  }
0x32a: {  	[sflag:s31] =	ssyncset.done $0x0  }
0x32b: {  	[sflag:s31] =	ssyncadd.s32 $0xFFFFD800  }
0x32c: {  	_ =	swait.ge [sflag:s2], $0x2800  }
0x32d: {  	[sflag:s2] =	ssyncset.done $0x0  }
0x32e: {  	s7 =	simm.s32 $0x0;
	[sflag:s2] =	ssyncadd.s32 $0xFFFFD800  }
.LBB2_20:
0x32f: {  	s10 =	sshll.u32 s7, $0x7  }
0x330: {  	v2 =	vld [tilespmem:s10+$0x15800]  }
0x331: {  	v3 =	vld [tilespmem:s10+$0x15810]  }
0x332: {  	v4 =	vld [tilespmem:s10+$0x15820]  }
0x333: {  	v5 =	vld [tilespmem:s10+$0x15830]  }
0x334: {  	v6 =	vld [tilespmem:s10+$0x15840]  }
0x335: {  	v7 =	vld [tilespmem:s10+$0x15850]  }
0x336: {  	s4 =	sor.u32 $0x1, s7;
	v8 =	vld [tilespmem:s10+$0x15860]  }
0x337: {  	v1 =	vmov s4;
	v9 =	vld [tilespmem:s10+$0x15870];
	s4 =	sshll.u32 s4, $0x7  }
0x338: {  	v0 =	vmov s7;
	v11 =	vld [tilespmem:s4+$0x15800]  }
0x339: {  	v0 =	vand.u32 $0x70, v0;
	v12 =	vld [tilespmem:s4+$0x15810]  }
0x33a: {  	v0 =	vor.u32 $0x600, v0;
	v13 =	vld [tilespmem:s4+$0x15820]  }
0x33b: {  	v14 =	vld [tilespmem:s4+$0x15830];
	v0 =	vbroadcast v0, $0x0  }
0x33c: {  	v15 =	vld [tilespmem:s4+$0x15840]  }
0x33d: {  	v16 =	vld [tilespmem:s4+$0x15850]  }
0x33e: {  	s6 =	sor.u32 $0x2, s7;
	v17 =	vld [tilespmem:s4+$0x15860]  }
0x33f: {  	s9 =	sshll.u32 s6, $0x7;
	v18 =	vld [tilespmem:s4+$0x15870]  }
0x340: {  	v20 =	vld [tilespmem:s9+$0x15800]  }
0x341: {  	v1 =	vand.u32 $0x71, v1;
	v0 =	vld.idx.msk [tilespmem:v0+s25+$0x0], $0xffff  }
0x342: {  	v21 =	vld [tilespmem:s9+$0x15810];
	v1 =	vor.u32 $0x600, v1  }
0x343: {  	v22 =	vld [tilespmem:s9+$0x15820];
	v1 =	vbroadcast v1, $0x0  }
0x344: {  	v23 =	vld [tilespmem:s9+$0x15830]  }
0x345: {  	v38 =	vld [tilespmem:s9+$0x15840]  }
0x346: {  	v40 =	vld [tilespmem:s9+$0x15850];
	v2 =	vmul.f32 v2, v0  }
0x347: {  	v42 =	vld [tilespmem:s9+$0x15860];
	v3 =	vmul.f32 v3, v0  }
0x348: {  	s8 =	sor.u32 $0x3, s7;
	v10 =	vmov s6;
	v44 =	vld [tilespmem:s9+$0x15870];
	v37 =	vmul.f32 v4, v0;
	[tilespmem:s10+$0x1A800] =	vst v2  }
0x349: {  	v19 =	vmov s8;
	s8 =	sshll.u32 s8, $0x7;
	v10 =	vand.u32 $0x72, v10;
	v1 =	vld.idx.msk [tilespmem:v1+s25+$0x0], $0xffff;
	v39 =	vmul.f32 v5, v0;
	[tilespmem:s10+$0x1A810] =	vst v3  }
0x34a: {  	v47 =	vld [tilespmem:s8+$0x15800];
	v10 =	vor.u32 $0x600, v10;
	v41 =	vmul.f32 v6, v0;
	[tilespmem:s10+$0x1A820] =	vst v37  }
0x34b: {  	v50 =	vld [tilespmem:s8+$0x15810];
	v10 =	vbroadcast v10, $0x0;
	v43 =	vmul.f32 v7, v0;
	[tilespmem:s10+$0x1A830] =	vst v39  }
0x34c: {  	v52 =	vld [tilespmem:s8+$0x15820];
	v45 =	vmul.f32 v8, v0;
	[tilespmem:s10+$0x1A840] =	vst v41  }
0x34d: {  	v54 =	vld [tilespmem:s8+$0x15830];
	v0 =	vmul.f32 v9, v0;
	[tilespmem:s10+$0x1A850] =	vst v43  }
0x34e: {  	v56 =	vld [tilespmem:s8+$0x15840];
	v49 =	vmul.f32 v11, v1;
	[tilespmem:s10+$0x1A860] =	vst v45  }
0x34f: {  	v58 =	vld [tilespmem:s8+$0x15850];
	v51 =	vmul.f32 v12, v1;
	[tilespmem:s10+$0x1A870] =	vst v0  }
0x350: {  	v60 =	vld [tilespmem:s8+$0x15860];
	v53 =	vmul.f32 v13, v1;
	[tilespmem:s4+$0x1A800] =	vst v49  }
0x351: {  	s20 =	sor.u32 $0x4, s7;
	v19 =	vand.u32 $0x73, v19;
	v10 =	vld.idx.msk [tilespmem:v10+s25+$0x0], $0xffff;
	v55 =	vmul.f32 v14, v1;
	[tilespmem:s4+$0x1A810] =	vst v51  }
0x352: {  	s12 =	sshll.u32 s20, $0x7;
	v62 =	vld [tilespmem:s8+$0x15870];
	v19 =	vor.u32 $0x600, v19;
	v57 =	vmul.f32 v15, v1;
	[tilespmem:s4+$0x1A820] =	vst v53  }
0x353: {  	v26 =	vld [tilespmem:s12+$0x15800];
	v19 =	vbroadcast v19, $0x0;
	v59 =	vmul.f32 v16, v1;
	[tilespmem:s4+$0x1A830] =	vst v55  }
0x354: {  	v28 =	vld [tilespmem:s12+$0x15810];
	v61 =	vmul.f32 v17, v1;
	[tilespmem:s4+$0x1A840] =	vst v57  }
0x355: {  	v30 =	vld [tilespmem:s12+$0x15820];
	v63 =	vmul.f32 v18, v1;
	[tilespmem:s4+$0x1A850] =	vst v59  }
0x356: {  	v32 =	vld [tilespmem:s12+$0x15830];
	v25 =	vmul.f32 v20, v10;
	[tilespmem:s4+$0x1A860] =	vst v61  }
0x357: {  	v34 =	vld [tilespmem:s12+$0x15840];
	v27 =	vmul.f32 v21, v10;
	[tilespmem:s4+$0x1A870] =	vst v63  }
0x358: {  	s11 =	sor.u32 $0x5, s7;
	v46 =	vmov s20;
	v36 =	vld [tilespmem:s12+$0x15850];
	v29 =	vmul.f32 v22, v10;
	[tilespmem:s9+$0x1A800] =	vst v25  }
0x359: {  	s18 =	sshll.u32 s11, $0x7;
	v48 =	vand.u32 $0x74, v46;
	v8 =	vld.idx.msk [tilespmem:v19+s25+$0x0], $0xffff;
	v31 =	vmul.f32 v23, v10;
	[tilespmem:s9+$0x1A810] =	vst v27  }
0x35a: {  	v46 =	vld [tilespmem:s18+$0x15810];
	v9 =	vor.u32 $0x600, v48;
	v33 =	vmul.f32 v38, v10;
	[tilespmem:s9+$0x1A820] =	vst v29  }
0x35b: {  	v48 =	vld [tilespmem:s18+$0x15820];
	v9 =	vbroadcast v9, $0x0;
	v35 =	vmul.f32 v40, v10;
	[tilespmem:s9+$0x1A830] =	vst v31  }
0x35c: {  	s17 =	sor.u32 $0x6, s7;
	v38 =	vld [tilespmem:s12+$0x15860];
	v37 =	vmul.f32 v42, v10;
	[tilespmem:s9+$0x1A840] =	vst v33  }
0x35d: {  	s20 =	sshll.u32 s17, $0x7;
	v40 =	vld [tilespmem:s12+$0x15870];
	v39 =	vmul.f32 v44, v10;
	[tilespmem:s9+$0x1A850] =	vst v35  }
0x35e: {  	v21 =	vld [tilespmem:s20+$0x15810];
	[tilespmem:s9+$0x1A860] =	vst v37;
	v41 =	vmul.f32 v47, v8  }
0x35f: {  	s19 =	sor.u32 $0x7, s7;
	v23 =	vld [tilespmem:s20+$0x15820];
	[tilespmem:s9+$0x1A870] =	vst v39;
	v43 =	vmul.f32 v50, v8  }
0x360: {  	v44 =	vld [tilespmem:s18+$0x15800];
	v45 =	vmul.f32 v52, v8;
	v53 =	vmul.f32 v60, v8;
	v60 =	vmov s19;
	[tilespmem:s8+$0x1A800] =	vst v41  }
0x361: {  	v47 =	vmul.f32 v54, v8;
	v17 =	vand.u32 $0x77, v60;
	v1 =	vld.idx.msk [tilespmem:v9+s25+$0x0], $0xffff;
	[tilespmem:s8+$0x1A810] =	vst v43  }
0x362: {  	v24 =	vmov s11;
	v25 =	vld [tilespmem:s20+$0x15830];
	v49 =	vmul.f32 v56, v8;
	[tilespmem:s8+$0x1A820] =	vst v45;
	v17 =	vor.u32 $0x600, v17  }
0x363: {  	v27 =	vld [tilespmem:s20+$0x15840];
	v51 =	vmul.f32 v58, v8;
	v9 =	vand.u32 $0x75, v24;
	[tilespmem:s8+$0x1A830] =	vst v47;
	v17 =	vbroadcast v17, $0x0  }
0x364: {  	v29 =	vld [tilespmem:s20+$0x15850];
	[tilespmem:s8+$0x1A840] =	vst v49;
	v9 =	vor.u32 $0x600, v9  }
0x365: {  	v31 =	vld [tilespmem:s20+$0x15860];
	v55 =	vmul.f32 v62, v8;
	[tilespmem:s8+$0x1A850] =	vst v51;
	v9 =	vbroadcast v9, $0x0  }
0x366: {  	v33 =	vld [tilespmem:s20+$0x15870];
	[tilespmem:s8+$0x1A860] =	vst v53;
	v57 =	vmul.f32 v26, v1  }
0x367: {  	s9 =	sshll.u32 s19, $0x7;
	v50 =	vld [tilespmem:s18+$0x15830];
	[tilespmem:s8+$0x1A870] =	vst v55;
	v59 =	vmul.f32 v28, v1  }
0x368: {  	v61 =	vmul.f32 v30, v1;
	v26 =	vmul.f32 v38, v1;
	v38 =	vld [tilespmem:s9+$0x15800];
	[tilespmem:s12+$0x1A800] =	vst v57  }
0x369: {  	v63 =	vmul.f32 v32, v1;
	[tilespmem:s12+$0x1A810] =	vst v59;
	v35 =	vld.idx.msk [tilespmem:v17+s25+$0x0], $0xffff  }
0x36a: {  	v22 =	vmul.f32 v34, v1;
	v28 =	vmul.f32 v40, v1;
	v40 =	vld [tilespmem:s9+$0x15810];
	[tilespmem:s12+$0x1A820] =	vst v61  }
0x36b: {  	v24 =	vmul.f32 v36, v1;
	[tilespmem:s12+$0x1A830] =	vst v63;
	v3 =	vld.idx.msk [tilespmem:v9+s25+$0x0], $0xffff  }
0x36c: {  	s10 =	sor.u32 $0x8, s7;
	v52 =	vld [tilespmem:s18+$0x15840];
	[tilespmem:s12+$0x1A840] =	vst v22  }
0x36d: {  	v54 =	vld [tilespmem:s18+$0x15850];
	v36 =	vmov s10;
	[tilespmem:s12+$0x1A850] =	vst v24  }
0x36e: {  	v56 =	vld [tilespmem:s18+$0x15860];
	v12 =	vand.u32 $0x78, v36;
	[tilespmem:s12+$0x1A860] =	vst v26;
	v20 =	vmul.f32 v38, v35  }
0x36f: {  	v58 =	vld [tilespmem:s18+$0x15870];
	[tilespmem:s12+$0x1A870] =	vst v28;
	v12 =	vor.u32 $0x600, v12;
	v22 =	vmul.f32 v40, v35  }
0x370: {  	v42 =	vmov s17;
	v62 =	vld [tilespmem:s20+$0x15800];
	v12 =	vbroadcast v12, $0x0;
	v30 =	vmul.f32 v44, v3;
	[tilespmem:s9+$0x1A800] =	vst v20  }
0x371: {  	s12 =	sshll.u32 s10, $0x7;
	v9 =	vand.u32 $0x76, v42;
	v42 =	vld [tilespmem:s9+$0x15820];
	v32 =	vmul.f32 v46, v3;
	[tilespmem:s9+$0x1A810] =	vst v22  }
0x372: {  	v57 =	vld [tilespmem:s12+$0x15800];
	v34 =	vmul.f32 v48, v3;
	[tilespmem:s18+$0x1A800] =	vst v30  }
0x373: {  	v59 =	vld [tilespmem:s12+$0x15810];
	v9 =	vor.u32 $0x600, v9;
	v37 =	vmul.f32 v50, v3;
	[tilespmem:s18+$0x1A810] =	vst v32  }
0x374: {  	v9 =	vbroadcast v9, $0x0;
	v39 =	vmul.f32 v52, v3;
	v44 =	vld [tilespmem:s9+$0x15830];
	[tilespmem:s18+$0x1A820] =	vst v34  }
0x375: {  	v41 =	vmul.f32 v54, v3;
	v46 =	vld [tilespmem:s9+$0x15840];
	[tilespmem:s18+$0x1A830] =	vst v37  }
0x376: {  	v43 =	vmul.f32 v56, v3;
	v54 =	vld.idx.msk [tilespmem:v12+s25+$0x0], $0xffff;
	[tilespmem:s18+$0x1A840] =	vst v39  }
0x377: {  	v61 =	vld [tilespmem:s12+$0x15820];
	v45 =	vmul.f32 v58, v3;
	[tilespmem:s18+$0x1A850] =	vst v41  }
0x378: {  	v63 =	vld [tilespmem:s12+$0x15830];
	v24 =	vmul.f32 v42, v35;
	[tilespmem:s18+$0x1A860] =	vst v43  }
0x379: {  	v48 =	vld [tilespmem:s9+$0x15850];
	[tilespmem:s18+$0x1A870] =	vst v45;
	v26 =	vmul.f32 v44, v35  }
0x37a: {  	[tilespmem:s9+$0x1A820] =	vst v24;
	v9 =	vld.idx.msk [tilespmem:v9+s25+$0x0], $0xffff;
	v28 =	vmul.f32 v46, v35  }
0x37b: {  	s11 =	sor.u32 $0x9, s7;
	v50 =	vld [tilespmem:s9+$0x15860];
	v38 =	vmul.f32 v57, v54;
	[tilespmem:s9+$0x1A830] =	vst v26  }
0x37c: {  	v52 =	vld [tilespmem:s9+$0x15870];
	s18 =	sshll.u32 s11, $0x7;
	v40 =	vmul.f32 v59, v54;
	[tilespmem:s9+$0x1A840] =	vst v28  }
0x37d: {  	v32 =	vld [tilespmem:s18+$0x15800];
	v42 =	vmul.f32 v61, v54;
	[tilespmem:s12+$0x1A800] =	vst v38  }
0x37e: {  	v34 =	vld [tilespmem:s18+$0x15810];
	v44 =	vmul.f32 v63, v54;
	[tilespmem:s12+$0x1A810] =	vst v40  }
0x37f: {  	v55 =	vmov s11;
	v36 =	vld [tilespmem:s18+$0x15820];
	v47 =	vmul.f32 v62, v9;
	[tilespmem:s12+$0x1A820] =	vst v42  }
0x380: {  	v12 =	vand.u32 $0x79, v55;
	v39 =	vld [tilespmem:s18+$0x15830];
	v49 =	vmul.f32 v21, v9;
	[tilespmem:s12+$0x1A830] =	vst v44  }
0x381: {  	v12 =	vor.u32 $0x600, v12;
	v41 =	vld [tilespmem:s18+$0x15840];
	v51 =	vmul.f32 v23, v9;
	[tilespmem:s20+$0x1A800] =	vst v47  }
0x382: {  	v12 =	vbroadcast v12, $0x0;
	v43 =	vld [tilespmem:s18+$0x15850];
	v53 =	vmul.f32 v25, v9;
	[tilespmem:s20+$0x1A810] =	vst v49  }
0x383: {  	v45 =	vld [tilespmem:s18+$0x15860];
	v56 =	vmul.f32 v27, v9;
	[tilespmem:s20+$0x1A820] =	vst v51  }
0x384: {  	v58 =	vmul.f32 v29, v9;
	v21 =	vld [tilespmem:s12+$0x15840];
	[tilespmem:s20+$0x1A830] =	vst v53  }
0x385: {  	v60 =	vmul.f32 v31, v9;
	v23 =	vld [tilespmem:s12+$0x15850];
	[tilespmem:s20+$0x1A840] =	vst v56  }
0x386: {  	v62 =	vmul.f32 v33, v9;
	v25 =	vld [tilespmem:s12+$0x15860];
	[tilespmem:s20+$0x1A850] =	vst v58  }
0x387: {  	s17 =	sor.u32 $0xA, s7;
	v27 =	vld [tilespmem:s12+$0x15870];
	v31 =	vmul.f32 v48, v35;
	[tilespmem:s20+$0x1A860] =	vst v60  }
0x388: {  	s19 =	sor.u32 $0xB, s7;
	v30 =	vmov s17;
	v33 =	vmul.f32 v50, v35;
	v29 =	vld.idx.msk [tilespmem:v12+s25+$0x0], $0xffff;
	[tilespmem:s20+$0x1A870] =	vst v62  }
0x389: {  	s11 =	sshll.u32 s19, $0x7;
	v35 =	vmul.f32 v52, v35;
	v12 =	vand.u32 $0x7A, v30;
	[tilespmem:s9+$0x1A850] =	vst v31;
	v47 =	vld [tilespmem:s18+$0x15870]  }
0x38a: {  	v12 =	vor.u32 $0x600, v12;
	[tilespmem:s9+$0x1A860] =	vst v33;
	v31 =	vld [tilespmem:s11+$0x15850];
	v46 =	vmul.f32 v21, v54  }
0x38b: {  	[tilespmem:s9+$0x1A870] =	vst v35;
	s20 =	sshll.u32 s17, $0x7;
	v33 =	vld [tilespmem:s11+$0x15860];
	v37 =	vbroadcast v12, $0x0;
	v48 =	vmul.f32 v23, v54  }
0x38c: {  	v51 =	vld [tilespmem:s20+$0x15800];
	v50 =	vmul.f32 v25, v54;
	[tilespmem:s12+$0x1A840] =	vst v46  }
0x38d: {  	v53 =	vld [tilespmem:s20+$0x15810];
	v52 =	vmul.f32 v27, v54;
	[tilespmem:s12+$0x1A850] =	vst v48  }
0x38e: {  	v56 =	vld [tilespmem:s20+$0x15820];
	v55 =	vmul.f32 v32, v29;
	[tilespmem:s12+$0x1A860] =	vst v50  }
0x38f: {  	s4 =	sor.u32 $0xC, s7;
	v58 =	vld [tilespmem:s20+$0x15830];
	v57 =	vmul.f32 v34, v29;
	[tilespmem:s12+$0x1A870] =	vst v52  }
0x390: {  	v19 =	vmov s4;
	v60 =	vld [tilespmem:s20+$0x15840];
	v59 =	vmul.f32 v36, v29;
	[tilespmem:s18+$0x1A800] =	vst v55  }
0x391: {  	v9 =	vand.u32 $0x7C, v19;
	v61 =	vmul.f32 v39, v29;
	[tilespmem:s18+$0x1A810] =	vst v57;
	v11 =	vld.idx.msk [tilespmem:v37+s25+$0x0], $0xffff  }
0x392: {  	v9 =	vor.u32 $0x600, v9;
	v62 =	vld [tilespmem:s20+$0x15850];
	v1 =	vmul.f32 v41, v29;
	[tilespmem:s18+$0x1A820] =	vst v59  }
0x393: {  	v9 =	vbroadcast v9, $0x0;
	v63 =	vld [tilespmem:s20+$0x15860];
	v16 =	vmul.f32 v43, v29;
	[tilespmem:s18+$0x1A830] =	vst v61  }
0x394: {  	s17 =	sshll.u32 s4, $0x7;
	v17 =	vld [tilespmem:s20+$0x15870];
	v18 =	vmul.f32 v45, v29;
	[tilespmem:s18+$0x1A840] =	vst v1  }
0x395: {  	v40 =	vld [tilespmem:s17+$0x15800];
	v20 =	vmul.f32 v47, v29;
	[tilespmem:s18+$0x1A850] =	vst v16  }
0x396: {  	v42 =	vld [tilespmem:s17+$0x15810];
	[tilespmem:s18+$0x1A860] =	vst v18;
	v22 =	vmul.f32 v51, v11  }
0x397: {  	v44 =	vld [tilespmem:s17+$0x15820];
	[tilespmem:s18+$0x1A870] =	vst v20;
	v24 =	vmul.f32 v53, v11  }
0x398: {  	v49 =	vmov s19;
	v21 =	vld [tilespmem:s11+$0x15800];
	v26 =	vmul.f32 v56, v11;
	[tilespmem:s20+$0x1A800] =	vst v22  }
0x399: {  	v12 =	vand.u32 $0x7B, v49;
	v37 =	vld.idx.msk [tilespmem:v9+s25+$0x0], $0xffff;
	v28 =	vmul.f32 v58, v11;
	[tilespmem:s20+$0x1A810] =	vst v24  }
0x39a: {  	v54 =	vor.u32 $0x600, v12;
	v23 =	vld [tilespmem:s11+$0x15810];
	v30 =	vmul.f32 v60, v11;
	[tilespmem:s20+$0x1A820] =	vst v26  }
0x39b: {  	v25 =	vld [tilespmem:s11+$0x15820];
	v8 =	vbroadcast v54, $0x0;
	v32 =	vmul.f32 v62, v11;
	[tilespmem:s20+$0x1A830] =	vst v28  }
0x39c: {  	v46 =	vld [tilespmem:s17+$0x15830];
	v34 =	vmul.f32 v63, v11;
	[tilespmem:s20+$0x1A840] =	vst v30  }
0x39d: {  	v48 =	vld [tilespmem:s17+$0x15840];
	v36 =	vmul.f32 v17, v11;
	[tilespmem:s20+$0x1A850] =	vst v32  }
0x39e: {  	v50 =	vld [tilespmem:s17+$0x15850];
	v55 =	vmul.f32 v40, v37;
	[tilespmem:s20+$0x1A860] =	vst v34  }
0x39f: {  	s12 =	sor.u32 $0xD, s7;
	v52 =	vld [tilespmem:s17+$0x15860];
	v58 =	vmul.f32 v42, v37;
	[tilespmem:s20+$0x1A870] =	vst v36  }
0x3a0: {  	v54 =	vld [tilespmem:s17+$0x15870];
	v38 =	vmov s12;
	v60 =	vmul.f32 v44, v37;
	[tilespmem:s17+$0x1A800] =	vst v55  }
0x3a1: {  	v9 =	vand.u32 $0x7D, v38;
	v8 =	vld.idx.msk [tilespmem:v8+s25+$0x0], $0xffff;
	v62 =	vmul.f32 v46, v37;
	[tilespmem:s17+$0x1A810] =	vst v58  }
0x3a2: {  	v27 =	vld [tilespmem:s11+$0x15830];
	v9 =	vor.u32 $0x600, v9;
	v12 =	vmul.f32 v48, v37;
	[tilespmem:s17+$0x1A820] =	vst v60  }
0x3a3: {  	v29 =	vld [tilespmem:s11+$0x15840];
	v9 =	vbroadcast v9, $0x0;
	v14 =	vmul.f32 v50, v37;
	[tilespmem:s17+$0x1A830] =	vst v62  }
0x3a4: {  	v35 =	vld [tilespmem:s11+$0x15870];
	v16 =	vmul.f32 v52, v37;
	[tilespmem:s17+$0x1A840] =	vst v12  }
0x3a5: {  	s19 =	sshll.u32 s12, $0x7;
	v18 =	vmul.f32 v54, v37;
	[tilespmem:s17+$0x1A850] =	vst v14  }
0x3a6: {  	v59 =	vld [tilespmem:s19+$0x15800];
	[tilespmem:s17+$0x1A860] =	vst v16;
	v39 =	vmul.f32 v21, v8;
	v41 =	vmul.f32 v23, v8  }
0x3a7: {  	s18 =	sor.u32 $0xE, s7;
	v61 =	vld [tilespmem:s19+$0x15810];
	[tilespmem:s17+$0x1A870] =	vst v18;
	v43 =	vmul.f32 v25, v8;
	v45 =	vmul.f32 v27, v8  }
0x3a8: {  	v13 =	vld [tilespmem:s19+$0x15830];
	v57 =	vmov s18;
	v47 =	vmul.f32 v29, v8;
	v49 =	vmul.f32 v31, v8;
	[tilespmem:s11+$0x1A800] =	vst v39  }
0x3a9: {  	v51 =	vmul.f32 v33, v8;
	v53 =	vmul.f32 v35, v8;
	v56 =	vld.idx.msk [tilespmem:v9+s25+$0x0], $0xffff;
	v8 =	vand.u32 $0x7E, v57;
	[tilespmem:s11+$0x1A810] =	vst v41  }
0x3aa: {  	v15 =	vld [tilespmem:s19+$0x15840];
	v8 =	vor.u32 $0x600, v8;
	[tilespmem:s11+$0x1A820] =	vst v43  }
0x3ab: {  	v63 =	vld [tilespmem:s19+$0x15820];
	[tilespmem:s11+$0x1A830] =	vst v45;
	v8 =	vbroadcast v8, $0x0  }
0x3ac: {  	v19 =	vld [tilespmem:s19+$0x15860];
	s6 =	sshll.u32 s18, $0x7;
	[tilespmem:s11+$0x1A840] =	vst v47  }
0x3ad: {  	v38 =	vld [tilespmem:s6+$0x15860];
	[tilespmem:s11+$0x1A850] =	vst v49  }
0x3ae: {  	v17 =	vld [tilespmem:s19+$0x15850];
	[tilespmem:s11+$0x1A860] =	vst v51;
	v20 =	vmul.f32 v59, v56  }
0x3af: {  	s20 =	sor.u32 $0xF, s7;
	v26 =	vld [tilespmem:s6+$0x15800];
	[tilespmem:s11+$0x1A870] =	vst v53;
	v22 =	vmul.f32 v61, v56  }
0x3b0: {  	v21 =	vld [tilespmem:s19+$0x15870];
	v24 =	vmov s20;
	v25 =	vmul.f32 v63, v56;
	[tilespmem:s19+$0x1A800] =	vst v20  }
0x3b1: {  	v27 =	vmul.f32 v13, v56;
	[tilespmem:s19+$0x1A810] =	vst v22;
	v23 =	vld.idx.msk [tilespmem:v8+s25+$0x0], $0xffff;
	v8 =	vand.u32 $0x7F, v24  }
0x3b2: {  	v28 =	vld [tilespmem:s6+$0x15810];
	v29 =	vmul.f32 v15, v56;
	[tilespmem:s19+$0x1A820] =	vst v25;
	v8 =	vor.u32 $0x600, v8  }
0x3b3: {  	v30 =	vld [tilespmem:s6+$0x15820];
	v31 =	vmul.f32 v17, v56;
	[tilespmem:s19+$0x1A830] =	vst v27;
	v8 =	vbroadcast v8, $0x0  }
0x3b4: {  	v32 =	vld [tilespmem:s6+$0x15830];
	v33 =	vmul.f32 v19, v56;
	[tilespmem:s19+$0x1A840] =	vst v29  }
0x3b5: {  	v34 =	vld [tilespmem:s6+$0x15840];
	v35 =	vmul.f32 v21, v56;
	[tilespmem:s19+$0x1A850] =	vst v31  }
0x3b6: {  	v36 =	vld [tilespmem:s6+$0x15850];
	[tilespmem:s19+$0x1A860] =	vst v33;
	v37 =	vmul.f32 v26, v23  }
0x3b7: {  	v40 =	vld [tilespmem:s6+$0x15870];
	s4 =	sshll.u32 s20, $0x7;
	[tilespmem:s19+$0x1A870] =	vst v35;
	v39 =	vmul.f32 v28, v23  }
0x3b8: {  	v44 =	vld [tilespmem:s4+$0x15800];
	v41 =	vmul.f32 v30, v23;
	[tilespmem:s6+$0x1A800] =	vst v37  }
0x3b9: {  	v43 =	vmul.f32 v32, v23;
	[tilespmem:s6+$0x1A810] =	vst v39;
	v42 =	vld.idx.msk [tilespmem:v8+s25+$0x0], $0xffff  }
0x3ba: {  	v46 =	vld [tilespmem:s4+$0x15810];
	v45 =	vmul.f32 v34, v23;
	[tilespmem:s6+$0x1A820] =	vst v41  }
0x3bb: {  	v48 =	vld [tilespmem:s4+$0x15820];
	v47 =	vmul.f32 v36, v23;
	[tilespmem:s6+$0x1A830] =	vst v43  }
0x3bc: {  	v50 =	vld [tilespmem:s4+$0x15830];
	v49 =	vmul.f32 v38, v23;
	[tilespmem:s6+$0x1A840] =	vst v45  }
0x3bd: {  	v52 =	vld [tilespmem:s4+$0x15840];
	v51 =	vmul.f32 v40, v23;
	[tilespmem:s6+$0x1A850] =	vst v47  }
0x3be: {  	v54 =	vld [tilespmem:s4+$0x15850];
	[tilespmem:s6+$0x1A860] =	vst v49;
	v53 =	vmul.f32 v44, v42  }
0x3bf: {  	v56 =	vld [tilespmem:s4+$0x15860];
	[tilespmem:s6+$0x1A870] =	vst v51;
	v55 =	vmul.f32 v46, v42  }
0x3c0: {  	v58 =	vld [tilespmem:s4+$0x15870];
	v57 =	vmul.f32 v48, v42;
	[tilespmem:s4+$0x1A800] =	vst v53  }
0x3c1: {  	v59 =	vmul.f32 v50, v42;
	[tilespmem:s4+$0x1A810] =	vst v55  }
0x3c2: {  	p1 =	slt.u32 s7, $0x40;
	v60 =	vmul.f32 v52, v42;
	[tilespmem:s4+$0x1A820] =	vst v57  }
.Ltmp11:
0x3c3: {  	v61 =	vmul.f32 v54, v42;
	[tilespmem:s4+$0x1A830] =	vst v59;
	(pc) =	sbr.rel @p1 .LBB2_20-.Ltmp11, $4  }
0x3c4: {  	v62 =	vmul.f32 v56, v42;
	[tilespmem:s4+$0x1A840] =	vst v60  }
0x3c5: {  	v63 =	vmul.f32 v58, v42;
	[tilespmem:s4+$0x1A850] =	vst v61  }
0x3c6: {  	[tilespmem:s4+$0x1A860] =	vst v62  }
0x3c7: {  	s7 =	sadd.s32 $0x10, s7;
	[tilespmem:s4+$0x1A870] =	vst v63  }
0x3c8: {  	s4 =	simm.s32 $0x14E00  }
0x3c9: {  	[spmem:s1] =	stream.indirect.scatter.add.f32 [tilespmem:s22], [sflag:$0x3], $0x80, s4, s26, $0xb8;
	[tilespmem:$0x1F880] =	vst v63  }
0x3ca: {  	_ =	swait.ge [sflag:s2], $0x2800  }
0x3cb: {  	[sflag:s2] =	ssyncset.done $0x0  }
0x3cc: {  	[sflag:s2] =	ssyncadd.s32 $0xFFFFD800  }
0x3cd: {  	_ =	swait.ge [sflag:s5], $0x2800  }
0x3ce: {  	[sflag:s5] =	ssyncset.done $0x0  }
0x3cf: {  	[sflag:s5] =	ssyncadd.s32 $0xFFFFD800  }
0x3d0: {  	s6 =	simm.s32 @p0 $0x8;
	[bflag:$0x0] =	sbarrier.arrive $0xFFFF  }
0x3d1: {  	s7 =	simm.s32 @p0 $0x100;
	s8 =	simm.s32 @p0 $0x80;
	s11 =	rddreg [dreg:$0x5]  }
0x3d2: {  	s9 =	simm.s32 @p0 $0x1FC5;
	s10 =	rddreg [dreg:$0xf];
	s4 =	sshrl.u32 @p0 s11, $0x3  }
0x3d3: {  	[hbm:s10@s7], [sflag:s9] =	dma.strided @p0 [spmem:s4@s8], $0x1900, s6, $0x10   }
0x3d4: {  	s4 =	simm.s32 @p0 $0x5;
	s6 =	stileid.u32;
	s7 =	simm.s32 @!p0 $0x8  }
0x3d5: {  	s8 =	simm.s32 @!p0 $0x100;
	s9 =	simm.s32 @!p0 $0x80;
	_ =	swait.ge @p0 [sflag:s4], $0x1900  }
0x3d6: {  	s6 =	sshll.u32 @!p0 s6, $0x6;
	[sflag:s4] =	ssyncset.done @p0 $0x0;
	s10 =	rddreg [dreg:$0xe]  }
0x3d7: {  	[sflag:s4] =	ssyncadd.s32 @p0 $0xFFFFE700;
	s4 =	sor.u32 @!p0 $0x1C05, s6;
	s6 =	sshrl.u32 @!p0 s11, $0x3  }
0x3d8: {  	[hbm:s10@s8], [sflag:s4] =	dma.strided @!p0 [spmem:s6@s9], $0x2800, s7, $0x10   }
0x3d9: {  	s4 =	simm.s32 @!p0 $0x5  }
0x3da: {  	_ =	swait.ge @!p0 [sflag:s4], $0x2800  }
0x3db: {  	s19 =	rddreg [dreg:$0x11]  }
0x3dc: {  	s20 =	rddreg [dreg:$0x10];
	s7 =	sadd.s32 $0x1, s19  }
0x3dd: {  	p1 =	sne.s32 s7, s20  }
.Ltmp12:
0x3de: {  	_ = 	snop;
	(pc) =	sbr.rel @p1 .LBB2_1-.Ltmp12, $3  }
0x3df: {  	_ =	sdelay $0x1  }
0x3e0: {  	[sflag:s4] =	ssyncset.done @!p0 $0x0  }
0x3e1: {  	[sflag:s4] =	ssyncadd.s32 @!p0 $0xFFFFD800  }
0x3e2: {  	_ =	sfence.sel $0x180000  }
0x3e3: {  	[bflag:$0x0] =	sbarrier.arrive $0xFFFF  }
0x3e4: {  	_ =	strace $0x90000047  }
0x3e5: {  	s0 =	stileid.u32;
	[bflag:$0x2] =	sbarrier.arrive $0xFFFF  }
0x3e6: {  	p0 =	sne.s32 s0, $0x0;
	s0 =	rddreg [dreg:$0x4]  }
0x3e7: {  	s0 =	sadd.s32 @!p0 $0x100000, s0  }
0x3e8: {  	[sflag:s0] =	ssyncadd.tile.s32 @!p0 $0x1;
	_ =	shalt  }
.Lfunc_end2:
_tile_overlayer_lowered:
.L_overlay_start_2:
0x3e9: {  	(tag) =	ssettag $0x2  }
0x3ea: {  	s0 =	rddreg [dreg:$0x0];
	s2 =	stileid.u32  }
0x3eb: {  	s1 =	rddreg [dreg:$0x1];
	p0 =	sne.s32 s2, $0x0  }
0x3ec: {  	s3 =	rddreg [dreg:$0x2];
	[bflag:$0x3] =	sbarrier.arrive $0xFFFF;
	s2 =	simm.s32 @!p0 $0x1C05  }
0x3ed: {  	[timem:s3], [sflag:s2] =	dma.local @!p0 [hbm:s0], s1  }
0x3ee: {  	s0 =	simm.s32 @!p0 $0x5  }
0x3ef: {  	_ =	swait.ge @!p0 [sflag:s0], s1  }
0x3f0: {  	s1 =	ssub.s32 @!p0 $0x0, s1;
	[sflag:s0] =	ssyncset.done @!p0 $0x0  }
0x3f1: {  	[sflag:s0] =	ssyncadd.s32 @!p0 s1  }
0x3f2: {  	[bflag:$0x3] =	sbarrier.arrive $0xFFFF  }
0x3f3: {  	_ =	shalt  }

</sc_bundles>
